<compile_context>
chip_gen: v7x
topology: tpu7x:2x2x1
jax: 0.10.2.dev20260603
libtpu: 0.0.44.dev20260713+nightly
codegen_flags: <defaults>
</compile_context>

<pallas_src>
import functools
import math

import jax
import jax.numpy as jnp
from jax import lax
from jax.experimental import pallas as pl
from jax.experimental.pallas import tpu as pltpu
from jax.experimental.pallas import tpu_sc as plsc

N = 10000
E = 320000
IN_CH = 128
HID = 256
HALF = 128
OUT_CH = 40
L = 8
ALPHA = 0.1
THETA = 0.5
BN_EPS = 1e-5

NT = 16
NC = 2
CHUNK = 128
ROUND = NT * CHUNK
IB = 8
NCHUNK = -(-E // (ROUND * IB)) * IB
NBLK = NCHUNK // IB
EPAD = NCHUNK * ROUND
EPT = EPAD // NT
NP = 10240
ZROWS = NP // NT

NB = 1024
GRID = NP // NB

_f32 = jnp.float32
_MESH = plsc.VectorSubcoreMesh(core_axis_name="c", subcore_axis_name="s")



@functools.partial(
    pl.kernel,
    out_type=jax.ShapeDtypeStruct((NC, NP, HALF), _f32),
    mesh=_MESH,
    scratch_types=[
        pltpu.VMEM_SHARED((NP, HALF), _f32),
        pltpu.VMEM((CHUNK, HALF), _f32),
        pltpu.VMEM((CHUNK,), jnp.int32),
        pltpu.VMEM((CHUNK,), jnp.int32),
        pltpu.SemaphoreType.DMA,
    ],
)
def _spmm_sc(gcat, rows2, cols, zeros, out, acc, gbuf, gidx, sidx, sem):
    c = lax.axis_index("c")
    s = lax.axis_index("s")
    pltpu.sync_copy(zeros.at[pl.ds(s * ZROWS, ZROWS)], acc.at[pl.ds(s * ZROWS, ZROWS)])
    plsc.subcore_barrier()
    gbase = c * EPAD + s * EPT
    sbase = s * EPT

    def body(k, carry):
        off = k * CHUNK
        pltpu.sync_copy(rows2.at[pl.ds(gbase + off, CHUNK)], gidx)
        pltpu.sync_copy(cols.at[pl.ds(sbase + off, CHUNK)], sidx)
        pltpu.async_copy(gcat.at[gidx], gbuf, sem).wait()
        pltpu.sync_copy(gbuf, acc.at[sidx], add=True)
        return carry

    lax.fori_loop(0, NCHUNK, body, 0)
    plsc.subcore_barrier()
    pltpu.sync_copy(acc.at[pl.ds(s * ZROWS, ZROWS)],
                    out.at[c, pl.ds(s * ZROWS, ZROWS)])


@functools.partial(
    pl.kernel,
    out_type=jax.ShapeDtypeStruct((NC, NP, HALF), _f32),
    mesh=_MESH,
    scratch_types=[
        pltpu.VMEM_SHARED((NP, HALF), _f32),
        pltpu.VMEM((CHUNK, HALF), _f32),
        pltpu.VMEM((CHUNK,), jnp.int32),
        pltpu.SemaphoreType.DMA,
    ],
)
def _deg_sc(cols, onehot, zeros, out, acc, obuf, sidx, sem):
    c = lax.axis_index("c")
    s = lax.axis_index("s")
    pltpu.sync_copy(zeros.at[pl.ds(s * ZROWS, ZROWS)], acc.at[pl.ds(s * ZROWS, ZROWS)])
    pltpu.sync_copy(onehot, obuf)
    plsc.subcore_barrier()
    base = s * EPT

    def body(k, carry):
        pltpu.sync_copy(cols.at[pl.ds(base + k * CHUNK, CHUNK)], sidx)
        pltpu.sync_copy(obuf, acc.at[sidx], add=True)
        return carry

    lax.fori_loop(0, NCHUNK, body, 0)
    plsc.subcore_barrier()
    pltpu.sync_copy(acc.at[pl.ds(s * ZROWS, ZROWS)],
                    out.at[c, pl.ds(s * ZROWS, ZROWS)])



def _pre_body(x_ref, w0_ref, b0_ref, deg_ref, x0s_ref, g2_ref, dinv_ref):
    x = x_ref[...]
    h = jnp.maximum(jnp.dot(x, w0_ref[...], preferred_element_type=_f32)
                    + b0_ref[0:1, :], 0.0)
    d = 1.0 + deg_ref[0][:, 0:1]
    dinv = lax.rsqrt(d)
    x0s_ref[...] = ALPHA * h
    g = dinv * h
    g2_ref[...] = jnp.stack([g[:, :HALF], g[:, HALF:]], axis=0)
    dinv_ref[...] = jnp.broadcast_to(dinv, (NB, HALF))


def _mix_t(s2_ref, g2_ref, x0s_ref, dinv_ref):
    dinv = dinv_ref[...]
    x0s = x0s_ref[...]
    t_lo = (1.0 - ALPHA) * dinv * (s2_ref[0] + g2_ref[0]) + x0s[:, :HALF]
    t_hi = (1.0 - ALPHA) * dinv * (s2_ref[1] + g2_ref[1]) + x0s[:, HALF:]
    return jnp.concatenate([t_lo, t_hi], axis=1)


def _layer_body(s2_ref, g2_ref, x0s_ref, dinv_ref, wp_ref, ac_ref, gout_ref):
    t = _mix_t(s2_ref, g2_ref, x0s_ref, dinv_ref)
    out = (t * ac_ref[0:1, :]
           + jnp.dot(t, wp_ref[...], preferred_element_type=_f32)
           + ac_ref[1:2, :])
    h = jnp.maximum(out, 0.0)
    dinv = dinv_ref[...]
    gout_ref[...] = jnp.stack([dinv * h[:, :HALF], dinv * h[:, HALF:]], axis=0)


def _final_body(s2_ref, g2_ref, x0s_ref, dinv_ref, wp_ref, ac_ref,
                w1_ref, b1_ref, y_ref):
    t = _mix_t(s2_ref, g2_ref, x0s_ref, dinv_ref)
    out = (t * ac_ref[0:1, :]
           + jnp.dot(t, wp_ref[...], preferred_element_type=_f32)
           + ac_ref[1:2, :])
    h = jnp.maximum(out, 0.0)
    y_ref[...] = (jnp.dot(h, w1_ref[...], preferred_element_type=_f32)
                  + b1_ref[0:1, :])


def _nb(i):
    return (i, 0)


_pre_tc = pl.pallas_call(
    _pre_body,
    grid=(GRID,),
    in_specs=[
        pl.BlockSpec((NB, IN_CH), _nb),
        pl.BlockSpec((IN_CH, HID), lambda i: (0, 0)),
        pl.BlockSpec((8, HID), lambda i: (0, 0)),
        pl.BlockSpec((NC, NB, HALF), lambda i: (0, i, 0)),
    ],
    out_specs=[
        pl.BlockSpec((NB, HID), _nb),
        pl.BlockSpec((NC, NB, HALF), lambda i: (0, i, 0)),
        pl.BlockSpec((NB, HALF), _nb),
    ],
    out_shape=[
        jax.ShapeDtypeStruct((NP, HID), _f32),
        jax.ShapeDtypeStruct((NC, NP, HALF), _f32),
        jax.ShapeDtypeStruct((NP, HALF), _f32),
    ],
)

_layer_tc = pl.pallas_call(
    _layer_body,
    grid=(GRID,),
    in_specs=[
        pl.BlockSpec((NC, NB, HALF), lambda i: (0, i, 0)),
        pl.BlockSpec((NC, NB, HALF), lambda i: (0, i, 0)),
        pl.BlockSpec((NB, HID), _nb),
        pl.BlockSpec((NB, HALF), _nb),
        pl.BlockSpec((HID, HID), lambda i: (0, 0)),
        pl.BlockSpec((8, HID), lambda i: (0, 0)),
    ],
    out_specs=[pl.BlockSpec((NC, NB, HALF), lambda i: (0, i, 0))],
    out_shape=[jax.ShapeDtypeStruct((NC, NP, HALF), _f32)],
)

_final_tc = pl.pallas_call(
    _final_body,
    grid=(GRID,),
    in_specs=[
        pl.BlockSpec((NC, NB, HALF), lambda i: (0, i, 0)),
        pl.BlockSpec((NC, NB, HALF), lambda i: (0, i, 0)),
        pl.BlockSpec((NB, HID), _nb),
        pl.BlockSpec((NB, HALF), _nb),
        pl.BlockSpec((HID, HID), lambda i: (0, 0)),
        pl.BlockSpec((8, HID), lambda i: (0, 0)),
        pl.BlockSpec((HID, OUT_CH), lambda i: (0, 0)),
        pl.BlockSpec((8, OUT_CH), lambda i: (0, 0)),
    ],
    out_specs=[pl.BlockSpec((NB, OUT_CH), _nb)],
    out_shape=[jax.ShapeDtypeStruct((NP, OUT_CH), _f32)],
)


def kernel(x, edge_index, W0, b0, conv_w, bn_gamma, bn_beta, W1, b1):
    rows = edge_index[0]
    cols = edge_index[1]
    pad = EPAD - E
    rows_p = jnp.concatenate([rows, jnp.zeros((pad,), jnp.int32)])
    rows1d = jnp.concatenate([rows_p, rows_p + NP])
    cols_p = jnp.concatenate([cols, jnp.full((pad,), N, jnp.int32)])
    zeros = jnp.zeros((NP, HALF), _f32)
    onehot = jnp.zeros((CHUNK, HALF), _f32).at[:, 0].set(1.0)
    xp = jnp.concatenate([x, jnp.zeros((NP - N, IN_CH), _f32)])

    deg2 = _deg_sc(cols_p, onehot, zeros)

    gh = bn_gamma * (1.0 / math.sqrt(1.0 + BN_EPS))
    betas = jnp.array([math.log(THETA / (l + 1) + 1.0) for l in range(L)], _f32)
    A = (1.0 - betas)[:, None] * gh
    Wp = conv_w * (betas[:, None] * gh)[:, None, :]
    ACs = jnp.zeros((L, 8, HID), _f32).at[:, 0].set(A).at[:, 1].set(bn_beta)
    b0c = jnp.zeros((8, HID), _f32).at[0].set(b0)
    b1c = jnp.zeros((8, OUT_CH), _f32).at[0].set(b1)

    x0s, g2, dinvb = _pre_tc(xp, W0, b0c, deg2)
    for l in range(L - 1):
        s2 = _spmm_sc(g2.reshape(NC * NP, HALF), rows1d, cols_p, zeros)
        (g2,) = _layer_tc(s2, g2, x0s, dinvb, Wp[l], ACs[l])
    s2 = _spmm_sc(g2.reshape(NC * NP, HALF), rows1d, cols_p, zeros)
    (y,) = _final_tc(s2, g2, x0s, dinvb, Wp[L - 1], ACs[L - 1], W1, b1c)
    return y[:N]

# --- scband reference (transcript-rebuilt; emitter-appended) ---
"""Pipeline reference for scband-gcnii-7129645711848 (READ-ONLY COPY).

The authoritative reference and input builder live on the scoring server;
editing this copy changes nothing except your own understanding.
"""

import jax, jax.numpy as jnp
import numpy as np
import math

N = 10000
E = 320000
IN_CH = 128
HID = 256
OUT_CH = 40
L = 8
ALPHA = 0.1
THETA = 0.5
BN_EPS = 1e-5


def setup_inputs(seed: int = 0) -> dict:
    key = jax.random.key(seed)
    ks = jax.random.split(key, 8)
    x = jax.random.normal(ks[0], (N, IN_CH), dtype=jnp.float32)
    edge_index = jax.random.randint(ks[1], (2, E), 0, N, dtype=jnp.int32)
    W0 = jax.random.normal(ks[2], (IN_CH, HID), dtype=jnp.float32) * (1.0 / math.sqrt(IN_CH))
    b0 = jnp.zeros((HID,), dtype=jnp.float32)
    conv_w = jax.random.normal(ks[3], (L, HID, HID), dtype=jnp.float32) * (1.0 / math.sqrt(HID))
    bn_gamma = jnp.ones((L, HID), dtype=jnp.float32)
    bn_beta = jnp.zeros((L, HID), dtype=jnp.float32)
    W1 = jax.random.normal(ks[4], (HID, OUT_CH), dtype=jnp.float32) * (1.0 / math.sqrt(HID))
    b1 = jnp.zeros((OUT_CH,), dtype=jnp.float32)
    return {"x": x, "edge_index": edge_index, "W0": W0, "b0": b0,
            "conv_w": conv_w, "bn_gamma": bn_gamma, "bn_beta": bn_beta,
            "W1": W1, "b1": b1}


def reference(x, edge_index, W0, b0, conv_w, bn_gamma, bn_beta, W1, b1):
    n = x.shape[0]
    # gcn_norm with add_self_loops=True, improved=False (fill_value=1)
    loop = jnp.arange(n, dtype=edge_index.dtype)
    row = jnp.concatenate([edge_index[0], loop])
    col = jnp.concatenate([edge_index[1], loop])
    ew = jnp.ones(row.shape[0], dtype=x.dtype)
    deg = jax.ops.segment_sum(ew, col, num_segments=n)
    dinv = deg ** -0.5
    dinv = jnp.where(jnp.isinf(dinv), 0.0, dinv)
    ew = dinv[row] * ew * dinv[col]

    # adj_t = SparseTensor(row=col, col=row): out[col] += w * x[row]
    def spmm(h):
        return jax.ops.segment_sum(ew[:, None] * h[row], col, num_segments=n)

    # eval mode: dropout = identity, BN uses running stats (mean=0, var=1)
    h = jax.nn.relu(x @ W0 + b0)
    x0 = h
    for l in range(L):
        beta = math.log(THETA / (l + 1) + 1.0)
        t = spmm(h)
        t = (1.0 - ALPHA) * t + ALPHA * x0
        out = (1.0 - beta) * t + beta * (t @ conv_w[l])
        out = out * (bn_gamma[l] / jnp.sqrt(1.0 + BN_EPS)) + bn_beta[l]
        h = jax.nn.relu(out)
    return h @ W1 + b1

if __name__ == "__main__":
    import jax
    _d = setup_inputs()
    print(jax.jit(kernel)(*tuple(_d.values())))

</pallas_src>

<mosaic_0001>
#map = affine_map<(d0, d1) -> (0)>
#map1 = affine_map<(d0, d1) -> (0, 0)>
#map2 = affine_map<(d0, d1) -> (0, 0, 0)>
module attributes {stable_mosaic.version = 14 : i64} {
  func.func @_deg_sc(%arg0: i32, %arg1: i32, %arg2: memref<327680xi32, #tpu.memory_space<hbm>>, %arg3: memref<128x128xf32, #tpu.memory_space<hbm>>, %arg4: memref<10240x128xf32, #tpu.memory_space<hbm>>, %arg5: memref<2x10240x128xf32, #tpu.memory_space<hbm>>, %arg6: memref<10240x128xf32, #tpu.memory_space<vmem_shared>>, %arg7: memref<128x128xf32, #tpu.memory_space<vmem>>, %arg8: memref<128xi32, #tpu.memory_space<vmem>>, %arg9: memref<!tpu.dma_semaphore, #tpu.memory_space<semaphore_mem>>) attributes {dimension_semantics = [#tpu.dimension_semantics<core_parallel>, #tpu.dimension_semantics<subcore_parallel>], iteration_bounds = array<i64: 2, 16>, scalar_prefetch = 0 : i64, scratch_operands = 4 : i64, tpu.core_type = #tpu.core_type<sc_vector_subcore>, window_params = [{transform_indices = #map}, {transform_indices = #map1}, {transform_indices = #map1}, {transform_indices = #map2}]} {
    %mul3A = arith.constant 640 : i32
    %mul3A_0 = arith.muli %arg1, %mul3A : i32
    %mul3A_1 = arith.constant 640 : i32
    %mul3A_2 = arith.muli %arg1, %mul3A_1 : i32
    "tpu.region"() ({
      %run_scoped3A = tpu.sem_alloc : memref<!tpu.dma_semaphore, #tpu.memory_space<semaphore_mem>>
      %dma_start3A = arith.constant 0 : i32
      %dma_start3A_15 = tpu.memref_slice %arg6[%mul3A_2, %dma_start3A] : memref<10240x128xf32, #tpu.memory_space<vmem_shared>> -> memref<640x128xf32, #tpu.memory_space<vmem_shared>>
      %dma_start3A_16 = arith.constant 0 : i32
      %dma_start3A_17 = tpu.memref_slice %arg4[%mul3A_0, %dma_start3A_16] : memref<10240x128xf32, #tpu.memory_space<hbm>> -> memref<640x128xf32, #tpu.memory_space<hbm>>
      tpu.enqueue_dma source(%dma_start3A_17 : memref<640x128xf32, #tpu.memory_space<hbm>>) target(%dma_start3A_15 : memref<640x128xf32, #tpu.memory_space<vmem_shared>>) target_semaphore(%run_scoped3A : memref<!tpu.dma_semaphore, #tpu.memory_space<semaphore_mem>>)
      %dma_wait3A = arith.constant 0 : i32
      %dma_wait3A_18 = tpu.memref_slice %arg6[%mul3A_2, %dma_wait3A] : memref<10240x128xf32, #tpu.memory_space<vmem_shared>> -> memref<640x128xf32, #tpu.memory_space<vmem_shared>>
      %dma_wait3A_19 = arith.constant 0 : i32
      %dma_wait3A_20 = tpu.memref_slice %arg4[%mul3A_0, %dma_wait3A_19] : memref<10240x128xf32, #tpu.memory_space<hbm>> -> memref<640x128xf32, #tpu.memory_space<hbm>>
      tpu.wait_dma2 semaphore(%run_scoped3A : memref<!tpu.dma_semaphore, #tpu.memory_space<semaphore_mem>>) src(%dma_wait3A_20 : memref<640x128xf32, #tpu.memory_space<hbm>>) dst(%dma_wait3A_18 : memref<640x128xf32, #tpu.memory_space<vmem_shared>>)
      tpu.yield
    }) : () -> ()
    "tpu.region"() ({
      %run_scoped3A = tpu.sem_alloc : memref<!tpu.dma_semaphore, #tpu.memory_space<semaphore_mem>>
      tpu.enqueue_dma source(%arg3 : memref<128x128xf32, #tpu.memory_space<hbm>>) target(%arg7 : memref<128x128xf32, #tpu.memory_space<vmem>>) target_semaphore(%run_scoped3A : memref<!tpu.dma_semaphore, #tpu.memory_space<semaphore_mem>>)
      tpu.wait_dma2 semaphore(%run_scoped3A : memref<!tpu.dma_semaphore, #tpu.memory_space<semaphore_mem>>) src(%arg3 : memref<128x128xf32, #tpu.memory_space<hbm>>) dst(%arg7 : memref<128x128xf32, #tpu.memory_space<vmem>>)
      tpu.yield
    }) : () -> ()
    %barrier3A = arith.constant 0 : index
    tpu.barrier barrier_id(%barrier3A)
    %mul3A_3 = arith.constant 20480 : i32
    %mul3A_4 = arith.muli %arg1, %mul3A_3 : i32
    %scan3A = arith.constant 0 : i32
    %scan3A_5 = arith.constant 0 : i32
    %scan3A_6 = arith.constant 160 : i32
    %scan3A_7 = arith.addi %scan3A_5, %scan3A_6 : i32
    %scan3A_8 = arith.constant 1 : i32
    scf.for %scan3A_15 = %scan3A_5 to %scan3A_7 step %scan3A_8  : i32 {
      %mul3A_16 = arith.constant 128 : i32
      %mul3A_17 = arith.muli %scan3A_15, %mul3A_16 : i32
      %add3A = arith.addi %mul3A_4, %mul3A_17 : i32
      "tpu.region"() ({
        %run_scoped3A = tpu.sem_alloc : memref<!tpu.dma_semaphore, #tpu.memory_space<semaphore_mem>>
        %dma_start3A = tpu.memref_slice %arg2[%add3A] : memref<327680xi32, #tpu.memory_space<hbm>> -> memref<128xi32, #tpu.memory_space<hbm>>
        %dma_start3A_18 = tpu.memref_slice %arg2[%add3A] : memref<327680xi32, #tpu.memory_space<hbm>> -> memref<128xi32, #tpu.memory_space<hbm>>
        tpu.enqueue_dma source(%dma_start3A_18 : memref<128xi32, #tpu.memory_space<hbm>>) target(%arg8 : memref<128xi32, #tpu.memory_space<vmem>>) target_semaphore(%run_scoped3A : memref<!tpu.dma_semaphore, #tpu.memory_space<semaphore_mem>>)
        %dma_wait3A = tpu.memref_slice %arg2[%add3A] : memref<327680xi32, #tpu.memory_space<hbm>> -> memref<128xi32, #tpu.memory_space<hbm>>
        %dma_wait3A_19 = tpu.memref_slice %arg2[%add3A] : memref<327680xi32, #tpu.memory_space<hbm>> -> memref<128xi32, #tpu.memory_space<hbm>>
        tpu.wait_dma2 semaphore(%run_scoped3A : memref<!tpu.dma_semaphore, #tpu.memory_space<semaphore_mem>>) src(%dma_wait3A_19 : memref<128xi32, #tpu.memory_space<hbm>>) dst(%arg8 : memref<128xi32, #tpu.memory_space<vmem>>)
        tpu.yield
      }) : () -> ()
      "tpu.region"() ({
        %run_scoped3A = tpu.sem_alloc : memref<!tpu.dma_semaphore, #tpu.memory_space<semaphore_mem>>
        %dma_start3A = arith.constant 0 : i32
        %dma_start3A_18 = arith.constant 0 : i32
        %dma_start3A_19 = tpu.memref_slice %arg6[%dma_start3A, %dma_start3A_18] : memref<10240x128xf32, #tpu.memory_space<vmem_shared>> -> memref<10240x128xf32, #tpu.memory_space<vmem_shared>>
        tpu.enqueue_indirect_dma source(%arg7 : memref<128x128xf32, #tpu.memory_space<vmem>>) target(%dma_start3A_19 : memref<10240x128xf32, #tpu.memory_space<vmem_shared>>) offsets(%arg8 : memref<128xi32, #tpu.memory_space<vmem>>) semaphore(%run_scoped3A : memref<!tpu.dma_semaphore, #tpu.memory_space<semaphore_mem>>) {add = true}
        %dma_wait3A = arith.constant 0 : i32
        %dma_wait3A_20 = arith.constant 0 : i32
        %dma_wait3A_21 = tpu.memref_slice %arg6[%dma_wait3A, %dma_wait3A_20] : memref<10240x128xf32, #tpu.memory_space<vmem_shared>> -> memref<10240x128xf32, #tpu.memory_space<vmem_shared>>
        tpu.wait_indirect_dma semaphore(%run_scoped3A : memref<!tpu.dma_semaphore, #tpu.memory_space<semaphore_mem>>) src(%arg7 : memref<128x128xf32, #tpu.memory_space<vmem>>) dst(%dma_wait3A_21 : memref<10240x128xf32, #tpu.memory_space<vmem_shared>>)
        tpu.yield
      }) : () -> ()
    }
    %scan3A_9 = arith.constant 160 : i32
    %barrier3A_10 = arith.constant 0 : index
    tpu.barrier barrier_id(%barrier3A_10)
    %mul3A_11 = arith.constant 640 : i32
    %mul3A_12 = arith.muli %arg1, %mul3A_11 : i32
    %mul3A_13 = arith.constant 640 : i32
    %mul3A_14 = arith.muli %arg1, %mul3A_13 : i32
    "tpu.region"() ({
      %run_scoped3A = tpu.sem_alloc : memref<!tpu.dma_semaphore, #tpu.memory_space<semaphore_mem>>
      %dma_start3A = arith.constant 0 : i32
      %dma_start3A_15 = tpu.memref_slice %arg5[%arg0, %mul3A_14, %dma_start3A] : memref<2x10240x128xf32, #tpu.memory_space<hbm>> -> memref<1x640x128xf32, #tpu.memory_space<hbm>>
      %dma_start3A_16 = tpu.memref_squeeze %dma_start3A_15 : memref<1x640x128xf32, #tpu.memory_space<hbm>> -> memref<640x128xf32, #tpu.memory_space<hbm>>
      %dma_start3A_17 = arith.constant 0 : i32
      %dma_start3A_18 = tpu.memref_slice %arg6[%mul3A_12, %dma_start3A_17] : memref<10240x128xf32, #tpu.memory_space<vmem_shared>> -> memref<640x128xf32, #tpu.memory_space<vmem_shared>>
      tpu.enqueue_dma source(%dma_start3A_18 : memref<640x128xf32, #tpu.memory_space<vmem_shared>>) target(%dma_start3A_16 : memref<640x128xf32, #tpu.memory_space<hbm>>) target_semaphore(%run_scoped3A : memref<!tpu.dma_semaphore, #tpu.memory_space<semaphore_mem>>)
      %dma_wait3A = arith.constant 0 : i32
      %dma_wait3A_19 = tpu.memref_slice %arg5[%arg0, %mul3A_14, %dma_wait3A] : memref<2x10240x128xf32, #tpu.memory_space<hbm>> -> memref<1x640x128xf32, #tpu.memory_space<hbm>>
      %dma_wait3A_20 = tpu.memref_squeeze %dma_wait3A_19 : memref<1x640x128xf32, #tpu.memory_space<hbm>> -> memref<640x128xf32, #tpu.memory_space<hbm>>
      %dma_wait3A_21 = arith.constant 0 : i32
      %dma_wait3A_22 = tpu.memref_slice %arg6[%mul3A_12, %dma_wait3A_21] : memref<10240x128xf32, #tpu.memory_space<vmem_shared>> -> memref<640x128xf32, #tpu.memory_space<vmem_shared>>
      tpu.wait_dma2 semaphore(%run_scoped3A : memref<!tpu.dma_semaphore, #tpu.memory_space<semaphore_mem>>) src(%dma_wait3A_22 : memref<640x128xf32, #tpu.memory_space<vmem_shared>>) dst(%dma_wait3A_20 : memref<640x128xf32, #tpu.memory_space<hbm>>)
      tpu.yield
    }) : () -> ()
    return
  }
}

#map = affine_map<(d0, d1) -> (0, 0)>
#map1 = affine_map<(d0, d1) -> (0)>
#map2 = affine_map<(d0, d1) -> (0, 0, 0)>
module attributes {stable_mosaic.version = 14 : i64} {
  func.func @_spmm_sc(%arg0: i32, %arg1: i32, %arg2: memref<20480x128xf32, #tpu.memory_space<hbm>>, %arg3: memref<655360xi32, #tpu.memory_space<hbm>>, %arg4: memref<327680xi32, #tpu.memory_space<hbm>>, %arg5: memref<10240x128xf32, #tpu.memory_space<hbm>>, %arg6: memref<2x10240x128xf32, #tpu.memory_space<hbm>>, %arg7: memref<10240x128xf32, #tpu.memory_space<vmem_shared>>, %arg8: memref<128x128xf32, #tpu.memory_space<vmem>>, %arg9: memref<128xi32, #tpu.memory_space<vmem>>, %arg10: memref<128xi32, #tpu.memory_space<vmem>>, %arg11: memref<!tpu.dma_semaphore, #tpu.memory_space<semaphore_mem>>) attributes {dimension_semantics = [#tpu.dimension_semantics<core_parallel>, #tpu.dimension_semantics<subcore_parallel>], iteration_bounds = array<i64: 2, 16>, scalar_prefetch = 0 : i64, scratch_operands = 5 : i64, tpu.core_type = #tpu.core_type<sc_vector_subcore>, window_params = [{transform_indices = #map}, {transform_indices = #map1}, {transform_indices = #map1}, {transform_indices = #map}, {transform_indices = #map2}]} {
    %mul3A = arith.constant 640 : i32
    %mul3A_0 = arith.muli %arg1, %mul3A : i32
    %mul3A_1 = arith.constant 640 : i32
    %mul3A_2 = arith.muli %arg1, %mul3A_1 : i32
    "tpu.region"() ({
      %run_scoped3A = tpu.sem_alloc : memref<!tpu.dma_semaphore, #tpu.memory_space<semaphore_mem>>
      %dma_start3A = arith.constant 0 : i32
      %dma_start3A_19 = tpu.memref_slice %arg7[%mul3A_2, %dma_start3A] : memref<10240x128xf32, #tpu.memory_space<vmem_shared>> -> memref<640x128xf32, #tpu.memory_space<vmem_shared>>
      %dma_start3A_20 = arith.constant 0 : i32
      %dma_start3A_21 = tpu.memref_slice %arg5[%mul3A_0, %dma_start3A_20] : memref<10240x128xf32, #tpu.memory_space<hbm>> -> memref<640x128xf32, #tpu.memory_space<hbm>>
      tpu.enqueue_dma source(%dma_start3A_21 : memref<640x128xf32, #tpu.memory_space<hbm>>) target(%dma_start3A_19 : memref<640x128xf32, #tpu.memory_space<vmem_shared>>) target_semaphore(%run_scoped3A : memref<!tpu.dma_semaphore, #tpu.memory_space<semaphore_mem>>)
      %dma_wait3A = arith.constant 0 : i32
      %dma_wait3A_22 = tpu.memref_slice %arg7[%mul3A_2, %dma_wait3A] : memref<10240x128xf32, #tpu.memory_space<vmem_shared>> -> memref<640x128xf32, #tpu.memory_space<vmem_shared>>
      %dma_wait3A_23 = arith.constant 0 : i32
      %dma_wait3A_24 = tpu.memref_slice %arg5[%mul3A_0, %dma_wait3A_23] : memref<10240x128xf32, #tpu.memory_space<hbm>> -> memref<640x128xf32, #tpu.memory_space<hbm>>
      tpu.wait_dma2 semaphore(%run_scoped3A : memref<!tpu.dma_semaphore, #tpu.memory_space<semaphore_mem>>) src(%dma_wait3A_24 : memref<640x128xf32, #tpu.memory_space<hbm>>) dst(%dma_wait3A_22 : memref<640x128xf32, #tpu.memory_space<vmem_shared>>)
      tpu.yield
    }) : () -> ()
    %barrier3A = arith.constant 0 : index
    tpu.barrier barrier_id(%barrier3A)
    %mul3A_3 = arith.constant 327680 : i32
    %mul3A_4 = arith.muli %arg0, %mul3A_3 : i32
    %mul3A_5 = arith.constant 20480 : i32
    %mul3A_6 = arith.muli %arg1, %mul3A_5 : i32
    %add3A = arith.addi %mul3A_4, %mul3A_6 : i32
    %mul3A_7 = arith.constant 20480 : i32
    %mul3A_8 = arith.muli %arg1, %mul3A_7 : i32
    %scan3A = arith.constant 0 : i32
    %scan3A_9 = arith.constant 0 : i32
    %scan3A_10 = arith.constant 160 : i32
    %scan3A_11 = arith.addi %scan3A_9, %scan3A_10 : i32
    %scan3A_12 = arith.constant 1 : i32
    scf.for %scan3A_19 = %scan3A_9 to %scan3A_11 step %scan3A_12  : i32 {
      %mul3A_20 = arith.constant 128 : i32
      %mul3A_21 = arith.muli %scan3A_19, %mul3A_20 : i32
      %add3A_22 = arith.addi %add3A, %mul3A_21 : i32
      "tpu.region"() ({
        %run_scoped3A = tpu.sem_alloc : memref<!tpu.dma_semaphore, #tpu.memory_space<semaphore_mem>>
        %dma_start3A_28 = tpu.memref_slice %arg3[%add3A_22] : memref<655360xi32, #tpu.memory_space<hbm>> -> memref<128xi32, #tpu.memory_space<hbm>>
        %dma_start3A_29 = tpu.memref_slice %arg3[%add3A_22] : memref<655360xi32, #tpu.memory_space<hbm>> -> memref<128xi32, #tpu.memory_space<hbm>>
        tpu.enqueue_dma source(%dma_start3A_29 : memref<128xi32, #tpu.memory_space<hbm>>) target(%arg9 : memref<128xi32, #tpu.memory_space<vmem>>) target_semaphore(%run_scoped3A : memref<!tpu.dma_semaphore, #tpu.memory_space<semaphore_mem>>)
        %dma_wait3A_30 = tpu.memref_slice %arg3[%add3A_22] : memref<655360xi32, #tpu.memory_space<hbm>> -> memref<128xi32, #tpu.memory_space<hbm>>
        %dma_wait3A_31 = tpu.memref_slice %arg3[%add3A_22] : memref<655360xi32, #tpu.memory_space<hbm>> -> memref<128xi32, #tpu.memory_space<hbm>>
        tpu.wait_dma2 semaphore(%run_scoped3A : memref<!tpu.dma_semaphore, #tpu.memory_space<semaphore_mem>>) src(%dma_wait3A_31 : memref<128xi32, #tpu.memory_space<hbm>>) dst(%arg9 : memref<128xi32, #tpu.memory_space<vmem>>)
        tpu.yield
      }) : () -> ()
      %add3A_23 = arith.addi %mul3A_8, %mul3A_21 : i32
      "tpu.region"() ({
        %run_scoped3A = tpu.sem_alloc : memref<!tpu.dma_semaphore, #tpu.memory_space<semaphore_mem>>
        %dma_start3A_28 = tpu.memref_slice %arg4[%add3A_23] : memref<327680xi32, #tpu.memory_space<hbm>> -> memref<128xi32, #tpu.memory_space<hbm>>
        %dma_start3A_29 = tpu.memref_slice %arg4[%add3A_23] : memref<327680xi32, #tpu.memory_space<hbm>> -> memref<128xi32, #tpu.memory_space<hbm>>
        tpu.enqueue_dma source(%dma_start3A_29 : memref<128xi32, #tpu.memory_space<hbm>>) target(%arg10 : memref<128xi32, #tpu.memory_space<vmem>>) target_semaphore(%run_scoped3A : memref<!tpu.dma_semaphore, #tpu.memory_space<semaphore_mem>>)
        %dma_wait3A_30 = tpu.memref_slice %arg4[%add3A_23] : memref<327680xi32, #tpu.memory_space<hbm>> -> memref<128xi32, #tpu.memory_space<hbm>>
        %dma_wait3A_31 = tpu.memref_slice %arg4[%add3A_23] : memref<327680xi32, #tpu.memory_space<hbm>> -> memref<128xi32, #tpu.memory_space<hbm>>
        tpu.wait_dma2 semaphore(%run_scoped3A : memref<!tpu.dma_semaphore, #tpu.memory_space<semaphore_mem>>) src(%dma_wait3A_31 : memref<128xi32, #tpu.memory_space<hbm>>) dst(%arg10 : memref<128xi32, #tpu.memory_space<vmem>>)
        tpu.yield
      }) : () -> ()
      %dma_start3A = arith.constant 0 : i32
      %dma_start3A_24 = arith.constant 0 : i32
      %dma_start3A_25 = tpu.memref_slice %arg2[%dma_start3A, %dma_start3A_24] : memref<20480x128xf32, #tpu.memory_space<hbm>> -> memref<20480x128xf32, #tpu.memory_space<hbm>>
      tpu.enqueue_indirect_dma source(%dma_start3A_25 : memref<20480x128xf32, #tpu.memory_space<hbm>>) target(%arg8 : memref<128x128xf32, #tpu.memory_space<vmem>>) offsets(%arg9 : memref<128xi32, #tpu.memory_space<vmem>>) semaphore(%arg11 : memref<!tpu.dma_semaphore, #tpu.memory_space<semaphore_mem>>)
      %dma_wait3A = arith.constant 0 : i32
      %dma_wait3A_26 = arith.constant 0 : i32
      %dma_wait3A_27 = tpu.memref_slice %arg2[%dma_wait3A, %dma_wait3A_26] : memref<20480x128xf32, #tpu.memory_space<hbm>> -> memref<20480x128xf32, #tpu.memory_space<hbm>>
      tpu.wait_indirect_dma semaphore(%arg11 : memref<!tpu.dma_semaphore, #tpu.memory_space<semaphore_mem>>) src(%dma_wait3A_27 : memref<20480x128xf32, #tpu.memory_space<hbm>>) dst(%arg8 : memref<128x128xf32, #tpu.memory_space<vmem>>)
      "tpu.region"() ({
        %run_scoped3A = tpu.sem_alloc : memref<!tpu.dma_semaphore, #tpu.memory_space<semaphore_mem>>
        %dma_start3A_28 = arith.constant 0 : i32
        %dma_start3A_29 = arith.constant 0 : i32
        %dma_start3A_30 = tpu.memref_slice %arg7[%dma_start3A_28, %dma_start3A_29] : memref<10240x128xf32, #tpu.memory_space<vmem_shared>> -> memref<10240x128xf32, #tpu.memory_space<vmem_shared>>
        tpu.enqueue_indirect_dma source(%arg8 : memref<128x128xf32, #tpu.memory_space<vmem>>) target(%dma_start3A_30 : memref<10240x128xf32, #tpu.memory_space<vmem_shared>>) offsets(%arg10 : memref<128xi32, #tpu.memory_space<vmem>>) semaphore(%run_scoped3A : memref<!tpu.dma_semaphore, #tpu.memory_space<semaphore_mem>>) {add = true}
        %dma_wait3A_31 = arith.constant 0 : i32
        %dma_wait3A_32 = arith.constant 0 : i32
        %dma_wait3A_33 = tpu.memref_slice %arg7[%dma_wait3A_31, %dma_wait3A_32] : memref<10240x128xf32, #tpu.memory_space<vmem_shared>> -> memref<10240x128xf32, #tpu.memory_space<vmem_shared>>
        tpu.wait_indirect_dma semaphore(%run_scoped3A : memref<!tpu.dma_semaphore, #tpu.memory_space<semaphore_mem>>) src(%arg8 : memref<128x128xf32, #tpu.memory_space<vmem>>) dst(%dma_wait3A_33 : memref<10240x128xf32, #tpu.memory_space<vmem_shared>>)
        tpu.yield
      }) : () -> ()
    }
    %scan3A_13 = arith.constant 160 : i32
    %barrier3A_14 = arith.constant 0 : index
    tpu.barrier barrier_id(%barrier3A_14)
    %mul3A_15 = arith.constant 640 : i32
    %mul3A_16 = arith.muli %arg1, %mul3A_15 : i32
    %mul3A_17 = arith.constant 640 : i32
    %mul3A_18 = arith.muli %arg1, %mul3A_17 : i32
    "tpu.region"() ({
      %run_scoped3A = tpu.sem_alloc : memref<!tpu.dma_semaphore, #tpu.memory_space<semaphore_mem>>
      %dma_start3A = arith.constant 0 : i32
      %dma_start3A_19 = tpu.memref_slice %arg6[%arg0, %mul3A_18, %dma_start3A] : memref<2x10240x128xf32, #tpu.memory_space<hbm>> -> memref<1x640x128xf32, #tpu.memory_space<hbm>>
      %dma_start3A_20 = tpu.memref_squeeze %dma_start3A_19 : memref<1x640x128xf32, #tpu.memory_space<hbm>> -> memref<640x128xf32, #tpu.memory_space<hbm>>
      %dma_start3A_21 = arith.constant 0 : i32
      %dma_start3A_22 = tpu.memref_slice %arg7[%mul3A_16, %dma_start3A_21] : memref<10240x128xf32, #tpu.memory_space<vmem_shared>> -> memref<640x128xf32, #tpu.memory_space<vmem_shared>>
      tpu.enqueue_dma source(%dma_start3A_22 : memref<640x128xf32, #tpu.memory_space<vmem_shared>>) target(%dma_start3A_20 : memref<640x128xf32, #tpu.memory_space<hbm>>) target_semaphore(%run_scoped3A : memref<!tpu.dma_semaphore, #tpu.memory_space<semaphore_mem>>)
      %dma_wait3A = arith.constant 0 : i32
      %dma_wait3A_23 = tpu.memref_slice %arg6[%arg0, %mul3A_18, %dma_wait3A] : memref<2x10240x128xf32, #tpu.memory_space<hbm>> -> memref<1x640x128xf32, #tpu.memory_space<hbm>>
      %dma_wait3A_24 = tpu.memref_squeeze %dma_wait3A_23 : memref<1x640x128xf32, #tpu.memory_space<hbm>> -> memref<640x128xf32, #tpu.memory_space<hbm>>
      %dma_wait3A_25 = arith.constant 0 : i32
      %dma_wait3A_26 = tpu.memref_slice %arg7[%mul3A_16, %dma_wait3A_25] : memref<10240x128xf32, #tpu.memory_space<vmem_shared>> -> memref<640x128xf32, #tpu.memory_space<vmem_shared>>
      tpu.wait_dma2 semaphore(%run_scoped3A : memref<!tpu.dma_semaphore, #tpu.memory_space<semaphore_mem>>) src(%dma_wait3A_26 : memref<640x128xf32, #tpu.memory_space<vmem_shared>>) dst(%dma_wait3A_24 : memref<640x128xf32, #tpu.memory_space<hbm>>)
      tpu.yield
    }) : () -> ()
    return
  }
}

#map = affine_map<(d0, d1) -> (0, 0)>
#map1 = affine_map<(d0, d1) -> (0)>
#map2 = affine_map<(d0, d1) -> (0, 0, 0)>
module attributes {stable_mosaic.version = 14 : i64} {
  func.func @_spmm_sc(%arg0: i32, %arg1: i32, %arg2: memref<20480x128xf32, #tpu.memory_space<hbm>>, %arg3: memref<655360xi32, #tpu.memory_space<hbm>>, %arg4: memref<327680xi32, #tpu.memory_space<hbm>>, %arg5: memref<10240x128xf32, #tpu.memory_space<hbm>>, %arg6: memref<2x10240x128xf32, #tpu.memory_space<hbm>>, %arg7: memref<10240x128xf32, #tpu.memory_space<vmem_shared>>, %arg8: memref<128x128xf32, #tpu.memory_space<vmem>>, %arg9: memref<128xi32, #tpu.memory_space<vmem>>, %arg10: memref<128xi32, #tpu.memory_space<vmem>>, %arg11: memref<!tpu.dma_semaphore, #tpu.memory_space<semaphore_mem>>) attributes {dimension_semantics = [#tpu.dimension_semantics<core_parallel>, #tpu.dimension_semantics<subcore_parallel>], iteration_bounds = array<i64: 2, 16>, scalar_prefetch = 0 : i64, scratch_operands = 5 : i64, tpu.core_type = #tpu.core_type<sc_vector_subcore>, window_params = [{transform_indices = #map}, {transform_indices = #map1}, {transform_indices = #map1}, {transform_indices = #map}, {transform_indices = #map2}]} {
    %mul3A = arith.constant 640 : i32
    %mul3A_0 = arith.muli %arg1, %mul3A : i32
    %mul3A_1 = arith.constant 640 : i32
    %mul3A_2 = arith.muli %arg1, %mul3A_1 : i32
    "tpu.region"() ({
      %run_scoped3A = tpu.sem_alloc : memref<!tpu.dma_semaphore, #tpu.memory_space<semaphore_mem>>
      %dma_start3A = arith.constant 0 : i32
      %dma_start3A_19 = tpu.memref_slice %arg7[%mul3A_2, %dma_start3A] : memref<10240x128xf32, #tpu.memory_space<vmem_shared>> -> memref<640x128xf32, #tpu.memory_space<vmem_shared>>
      %dma_start3A_20 = arith.constant 0 : i32
      %dma_start3A_21 = tpu.memref_slice %arg5[%mul3A_0, %dma_start3A_20] : memref<10240x128xf32, #tpu.memory_space<hbm>> -> memref<640x128xf32, #tpu.memory_space<hbm>>
      tpu.enqueue_dma source(%dma_start3A_21 : memref<640x128xf32, #tpu.memory_space<hbm>>) target(%dma_start3A_19 : memref<640x128xf32, #tpu.memory_space<vmem_shared>>) target_semaphore(%run_scoped3A : memref<!tpu.dma_semaphore, #tpu.memory_space<semaphore_mem>>)
      %dma_wait3A = arith.constant 0 : i32
      %dma_wait3A_22 = tpu.memref_slice %arg7[%mul3A_2, %dma_wait3A] : memref<10240x128xf32, #tpu.memory_space<vmem_shared>> -> memref<640x128xf32, #tpu.memory_space<vmem_shared>>
      %dma_wait3A_23 = arith.constant 0 : i32
      %dma_wait3A_24 = tpu.memref_slice %arg5[%mul3A_0, %dma_wait3A_23] : memref<10240x128xf32, #tpu.memory_space<hbm>> -> memref<640x128xf32, #tpu.memory_space<hbm>>
      tpu.wait_dma2 semaphore(%run_scoped3A : memref<!tpu.dma_semaphore, #tpu.memory_space<semaphore_mem>>) src(%dma_wait3A_24 : memref<640x128xf32, #tpu.memory_space<hbm>>) dst(%dma_wait3A_22 : memref<640x128xf32, #tpu.memory_space<vmem_shared>>)
      tpu.yield
    }) : () -> ()
    %barrier3A = arith.constant 0 : index
    tpu.barrier barrier_id(%barrier3A)
    %mul3A_3 = arith.constant 327680 : i32
    %mul3A_4 = arith.muli %arg0, %mul3A_3 : i32
    %mul3A_5 = arith.constant 20480 : i32
    %mul3A_6 = arith.muli %arg1, %mul3A_5 : i32
    %add3A = arith.addi %mul3A_4, %mul3A_6 : i32
    %mul3A_7 = arith.constant 20480 : i32
    %mul3A_8 = arith.muli %arg1, %mul3A_7 : i32
    %scan3A = arith.constant 0 : i32
    %scan3A_9 = arith.constant 0 : i32
    %scan3A_10 = arith.constant 160 : i32
    %scan3A_11 = arith.addi %scan3A_9, %scan3A_10 : i32
    %scan3A_12 = arith.constant 1 : i32
    scf.for %scan3A_19 = %scan3A_9 to %scan3A_11 step %scan3A_12  : i32 {
      %mul3A_20 = arith.constant 128 : i32
      %mul3A_21 = arith.muli %scan3A_19, %mul3A_20 : i32
      %add3A_22 = arith.addi %add3A, %mul3A_21 : i32
      "tpu.region"() ({
        %run_scoped3A = tpu.sem_alloc : memref<!tpu.dma_semaphore, #tpu.memory_space<semaphore_mem>>
        %dma_start3A_28 = tpu.memref_slice %arg3[%add3A_22] : memref<655360xi32, #tpu.memory_space<hbm>> -> memref<128xi32, #tpu.memory_space<hbm>>
        %dma_start3A_29 = tpu.memref_slice %arg3[%add3A_22] : memref<655360xi32, #tpu.memory_space<hbm>> -> memref<128xi32, #tpu.memory_space<hbm>>
        tpu.enqueue_dma source(%dma_start3A_29 : memref<128xi32, #tpu.memory_space<hbm>>) target(%arg9 : memref<128xi32, #tpu.memory_space<vmem>>) target_semaphore(%run_scoped3A : memref<!tpu.dma_semaphore, #tpu.memory_space<semaphore_mem>>)
        %dma_wait3A_30 = tpu.memref_slice %arg3[%add3A_22] : memref<655360xi32, #tpu.memory_space<hbm>> -> memref<128xi32, #tpu.memory_space<hbm>>
        %dma_wait3A_31 = tpu.memref_slice %arg3[%add3A_22] : memref<655360xi32, #tpu.memory_space<hbm>> -> memref<128xi32, #tpu.memory_space<hbm>>
        tpu.wait_dma2 semaphore(%run_scoped3A : memref<!tpu.dma_semaphore, #tpu.memory_space<semaphore_mem>>) src(%dma_wait3A_31 : memref<128xi32, #tpu.memory_space<hbm>>) dst(%arg9 : memref<128xi32, #tpu.memory_space<vmem>>)
        tpu.yield
      }) : () -> ()
      %add3A_23 = arith.addi %mul3A_8, %mul3A_21 : i32
      "tpu.region"() ({
        %run_scoped3A = tpu.sem_alloc : memref<!tpu.dma_semaphore, #tpu.memory_space<semaphore_mem>>
        %dma_start3A_28 = tpu.memref_slice %arg4[%add3A_23] : memref<327680xi32, #tpu.memory_space<hbm>> -> memref<128xi32, #tpu.memory_space<hbm>>
        %dma_start3A_29 = tpu.memref_slice %arg4[%add3A_23] : memref<327680xi32, #tpu.memory_space<hbm>> -> memref<128xi32, #tpu.memory_space<hbm>>
        tpu.enqueue_dma source(%dma_start3A_29 : memref<128xi32, #tpu.memory_space<hbm>>) target(%arg10 : memref<128xi32, #tpu.memory_space<vmem>>) target_semaphore(%run_scoped3A : memref<!tpu.dma_semaphore, #tpu.memory_space<semaphore_mem>>)
        %dma_wait3A_30 = tpu.memref_slice %arg4[%add3A_23] : memref<327680xi32, #tpu.memory_space<hbm>> -> memref<128xi32, #tpu.memory_space<hbm>>
        %dma_wait3A_31 = tpu.memref_slice %arg4[%add3A_23] : memref<327680xi32, #tpu.memory_space<hbm>> -> memref<128xi32, #tpu.memory_space<hbm>>
        tpu.wait_dma2 semaphore(%run_scoped3A : memref<!tpu.dma_semaphore, #tpu.memory_space<semaphore_mem>>) src(%dma_wait3A_31 : memref<128xi32, #tpu.memory_space<hbm>>) dst(%arg10 : memref<128xi32, #tpu.memory_space<vmem>>)
        tpu.yield
      }) : () -> ()
      %dma_start3A = arith.constant 0 : i32
      %dma_start3A_24 = arith.constant 0 : i32
      %dma_start3A_25 = tpu.memref_slice %arg2[%dma_start3A, %dma_start3A_24] : memref<20480x128xf32, #tpu.memory_space<hbm>> -> memref<20480x128xf32, #tpu.memory_space<hbm>>
      tpu.enqueue_indirect_dma source(%dma_start3A_25 : memref<20480x128xf32, #tpu.memory_space<hbm>>) target(%arg8 : memref<128x128xf32, #tpu.memory_space<vmem>>) offsets(%arg9 : memref<128xi32, #tpu.memory_space<vmem>>) semaphore(%arg11 : memref<!tpu.dma_semaphore, #tpu.memory_space<semaphore_mem>>)
      %dma_wait3A = arith.constant 0 : i32
      %dma_wait3A_26 = arith.constant 0 : i32
      %dma_wait3A_27 = tpu.memref_slice %arg2[%dma_wait3A, %dma_wait3A_26] : memref<20480x128xf32, #tpu.memory_space<hbm>> -> memref<20480x128xf32, #tpu.memory_space<hbm>>
      tpu.wait_indirect_dma semaphore(%arg11 : memref<!tpu.dma_semaphore, #tpu.memory_space<semaphore_mem>>) src(%dma_wait3A_27 : memref<20480x128xf32, #tpu.memory_space<hbm>>) dst(%arg8 : memref<128x128xf32, #tpu.memory_space<vmem>>)
      "tpu.region"() ({
        %run_scoped3A = tpu.sem_alloc : memref<!tpu.dma_semaphore, #tpu.memory_space<semaphore_mem>>
        %dma_start3A_28 = arith.constant 0 : i32
        %dma_start3A_29 = arith.constant 0 : i32
        %dma_start3A_30 = tpu.memref_slice %arg7[%dma_start3A_28, %dma_start3A_29] : memref<10240x128xf32, #tpu.memory_space<vmem_shared>> -> memref<10240x128xf32, #tpu.memory_space<vmem_shared>>
        tpu.enqueue_indirect_dma source(%arg8 : memref<128x128xf32, #tpu.memory_space<vmem>>) target(%dma_start3A_30 : memref<10240x128xf32, #tpu.memory_space<vmem_shared>>) offsets(%arg10 : memref<128xi32, #tpu.memory_space<vmem>>) semaphore(%run_scoped3A : memref<!tpu.dma_semaphore, #tpu.memory_space<semaphore_mem>>) {add = true}
        %dma_wait3A_31 = arith.constant 0 : i32
        %dma_wait3A_32 = arith.constant 0 : i32
        %dma_wait3A_33 = tpu.memref_slice %arg7[%dma_wait3A_31, %dma_wait3A_32] : memref<10240x128xf32, #tpu.memory_space<vmem_shared>> -> memref<10240x128xf32, #tpu.memory_space<vmem_shared>>
        tpu.wait_indirect_dma semaphore(%run_scoped3A : memref<!tpu.dma_semaphore, #tpu.memory_space<semaphore_mem>>) src(%arg8 : memref<128x128xf32, #tpu.memory_space<vmem>>) dst(%dma_wait3A_33 : memref<10240x128xf32, #tpu.memory_space<vmem_shared>>)
        tpu.yield
      }) : () -> ()
    }
    %scan3A_13 = arith.constant 160 : i32
    %barrier3A_14 = arith.constant 0 : index
    tpu.barrier barrier_id(%barrier3A_14)
    %mul3A_15 = arith.constant 640 : i32
    %mul3A_16 = arith.muli %arg1, %mul3A_15 : i32
    %mul3A_17 = arith.constant 640 : i32
    %mul3A_18 = arith.muli %arg1, %mul3A_17 : i32
    "tpu.region"() ({
      %run_scoped3A = tpu.sem_alloc : memref<!tpu.dma_semaphore, #tpu.memory_space<semaphore_mem>>
      %dma_start3A = arith.constant 0 : i32
      %dma_start3A_19 = tpu.memref_slice %arg6[%arg0, %mul3A_18, %dma_start3A] : memref<2x10240x128xf32, #tpu.memory_space<hbm>> -> memref<1x640x128xf32, #tpu.memory_space<hbm>>
      %dma_start3A_20 = tpu.memref_squeeze %dma_start3A_19 : memref<1x640x128xf32, #tpu.memory_space<hbm>> -> memref<640x128xf32, #tpu.memory_space<hbm>>
      %dma_start3A_21 = arith.constant 0 : i32
      %dma_start3A_22 = tpu.memref_slice %arg7[%mul3A_16, %dma_start3A_21] : memref<10240x128xf32, #tpu.memory_space<vmem_shared>> -> memref<640x128xf32, #tpu.memory_space<vmem_shared>>
      tpu.enqueue_dma source(%dma_start3A_22 : memref<640x128xf32, #tpu.memory_space<vmem_shared>>) target(%dma_start3A_20 : memref<640x128xf32, #tpu.memory_space<hbm>>) target_semaphore(%run_scoped3A : memref<!tpu.dma_semaphore, #tpu.memory_space<semaphore_mem>>)
      %dma_wait3A = arith.constant 0 : i32
      %dma_wait3A_23 = tpu.memref_slice %arg6[%arg0, %mul3A_18, %dma_wait3A] : memref<2x10240x128xf32, #tpu.memory_space<hbm>> -> memref<1x640x128xf32, #tpu.memory_space<hbm>>
      %dma_wait3A_24 = tpu.memref_squeeze %dma_wait3A_23 : memref<1x640x128xf32, #tpu.memory_space<hbm>> -> memref<640x128xf32, #tpu.memory_space<hbm>>
      %dma_wait3A_25 = arith.constant 0 : i32
      %dma_wait3A_26 = tpu.memref_slice %arg7[%mul3A_16, %dma_wait3A_25] : memref<10240x128xf32, #tpu.memory_space<vmem_shared>> -> memref<640x128xf32, #tpu.memory_space<vmem_shared>>
      tpu.wait_dma2 semaphore(%run_scoped3A : memref<!tpu.dma_semaphore, #tpu.memory_space<semaphore_mem>>) src(%dma_wait3A_26 : memref<640x128xf32, #tpu.memory_space<vmem_shared>>) dst(%dma_wait3A_24 : memref<640x128xf32, #tpu.memory_space<hbm>>)
      tpu.yield
    }) : () -> ()
    return
  }
}

#map = affine_map<(d0, d1) -> (0, 0)>
#map1 = affine_map<(d0, d1) -> (0)>
#map2 = affine_map<(d0, d1) -> (0, 0, 0)>
module attributes {stable_mosaic.version = 14 : i64} {
  func.func @_spmm_sc(%arg0: i32, %arg1: i32, %arg2: memref<20480x128xf32, #tpu.memory_space<hbm>>, %arg3: memref<655360xi32, #tpu.memory_space<hbm>>, %arg4: memref<327680xi32, #tpu.memory_space<hbm>>, %arg5: memref<10240x128xf32, #tpu.memory_space<hbm>>, %arg6: memref<2x10240x128xf32, #tpu.memory_space<hbm>>, %arg7: memref<10240x128xf32, #tpu.memory_space<vmem_shared>>, %arg8: memref<128x128xf32, #tpu.memory_space<vmem>>, %arg9: memref<128xi32, #tpu.memory_space<vmem>>, %arg10: memref<128xi32, #tpu.memory_space<vmem>>, %arg11: memref<!tpu.dma_semaphore, #tpu.memory_space<semaphore_mem>>) attributes {dimension_semantics = [#tpu.dimension_semantics<core_parallel>, #tpu.dimension_semantics<subcore_parallel>], iteration_bounds = array<i64: 2, 16>, scalar_prefetch = 0 : i64, scratch_operands = 5 : i64, tpu.core_type = #tpu.core_type<sc_vector_subcore>, window_params = [{transform_indices = #map}, {transform_indices = #map1}, {transform_indices = #map1}, {transform_indices = #map}, {transform_indices = #map2}]} {
    %mul3A = arith.constant 640 : i32
    %mul3A_0 = arith.muli %arg1, %mul3A : i32
    %mul3A_1 = arith.constant 640 : i32
    %mul3A_2 = arith.muli %arg1, %mul3A_1 : i32
    "tpu.region"() ({
      %run_scoped3A = tpu.sem_alloc : memref<!tpu.dma_semaphore, #tpu.memory_space<semaphore_mem>>
      %dma_start3A = arith.constant 0 : i32
      %dma_start3A_19 = tpu.memref_slice %arg7[%mul3A_2, %dma_start3A] : memref<10240x128xf32, #tpu.memory_space<vmem_shared>> -> memref<640x128xf32, #tpu.memory_space<vmem_shared>>
      %dma_start3A_20 = arith.constant 0 : i32
      %dma_start3A_21 = tpu.memref_slice %arg5[%mul3A_0, %dma_start3A_20] : memref<10240x128xf32, #tpu.memory_space<hbm>> -> memref<640x128xf32, #tpu.memory_space<hbm>>
      tpu.enqueue_dma source(%dma_start3A_21 : memref<640x128xf32, #tpu.memory_space<hbm>>) target(%dma_start3A_19 : memref<640x128xf32, #tpu.memory_space<vmem_shared>>) target_semaphore(%run_scoped3A : memref<!tpu.dma_semaphore, #tpu.memory_space<semaphore_mem>>)
      %dma_wait3A = arith.constant 0 : i32
      %dma_wait3A_22 = tpu.memref_slice %arg7[%mul3A_2, %dma_wait3A] : memref<10240x128xf32, #tpu.memory_space<vmem_shared>> -> memref<640x128xf32, #tpu.memory_space<vmem_shared>>
      %dma_wait3A_23 = arith.constant 0 : i32
      %dma_wait3A_24 = tpu.memref_slice %arg5[%mul3A_0, %dma_wait3A_23] : memref<10240x128xf32, #tpu.memory_space<hbm>> -> memref<640x128xf32, #tpu.memory_space<hbm>>
      tpu.wait_dma2 semaphore(%run_scoped3A : memref<!tpu.dma_semaphore, #tpu.memory_space<semaphore_mem>>) src(%dma_wait3A_24 : memref<640x128xf32, #tpu.memory_space<hbm>>) dst(%dma_wait3A_22 : memref<640x128xf32, #tpu.memory_space<vmem_shared>>)
      tpu.yield
    }) : () -> ()
    %barrier3A = arith.constant 0 : index
    tpu.barrier barrier_id(%barrier3A)
    %mul3A_3 = arith.constant 327680 : i32
    %mul3A_4 = arith.muli %arg0, %mul3A_3 : i32
    %mul3A_5 = arith.constant 20480 : i32
    %mul3A_6 = arith.muli %arg1, %mul3A_5 : i32
    %add3A = arith.addi %mul3A_4, %mul3A_6 : i32
    %mul3A_7 = arith.constant 20480 : i32
    %mul3A_8 = arith.muli %arg1, %mul3A_7 : i32
    %scan3A = arith.constant 0 : i32
    %scan3A_9 = arith.constant 0 : i32
    %scan3A_10 = arith.constant 160 : i32
    %scan3A_11 = arith.addi %scan3A_9, %scan3A_10 : i32
    %scan3A_12 = arith.constant 1 : i32
    scf.for %scan3A_19 = %scan3A_9 to %scan3A_11 step %scan3A_12  : i32 {
      %mul3A_20 = arith.constant 128 : i32
      %mul3A_21 = arith.muli %scan3A_19, %mul3A_20 : i32
      %add3A_22 = arith.addi %add3A, %mul3A_21 : i32
      "tpu.region"() ({
        %run_scoped3A = tpu.sem_alloc : memref<!tpu.dma_semaphore, #tpu.memory_space<semaphore_mem>>
        %dma_start3A_28 = tpu.memref_slice %arg3[%add3A_22] : memref<655360xi32, #tpu.memory_space<hbm>> -> memref<128xi32, #tpu.memory_space<hbm>>
        %dma_start3A_29 = tpu.memref_slice %arg3[%add3A_22] : memref<655360xi32, #tpu.memory_space<hbm>> -> memref<128xi32, #tpu.memory_space<hbm>>
        tpu.enqueue_dma source(%dma_start3A_29 : memref<128xi32, #tpu.memory_space<hbm>>) target(%arg9 : memref<128xi32, #tpu.memory_space<vmem>>) target_semaphore(%run_scoped3A : memref<!tpu.dma_semaphore, #tpu.memory_space<semaphore_mem>>)
        %dma_wait3A_30 = tpu.memref_slice %arg3[%add3A_22] : memref<655360xi32, #tpu.memory_space<hbm>> -> memref<128xi32, #tpu.memory_space<hbm>>
        %dma_wait3A_31 = tpu.memref_slice %arg3[%add3A_22] : memref<655360xi32, #tpu.memory_space<hbm>> -> memref<128xi32, #tpu.memory_space<hbm>>
        tpu.wait_dma2 semaphore(%run_scoped3A : memref<!tpu.dma_semaphore, #tpu.memory_space<semaphore_mem>>) src(%dma_wait3A_31 : memref<128xi32, #tpu.memory_space<hbm>>) dst(%arg9 : memref<128xi32, #tpu.memory_space<vmem>>)
        tpu.yield
      }) : () -> ()
      %add3A_23 = arith.addi %mul3A_8, %mul3A_21 : i32
      "tpu.region"() ({
        %run_scoped3A = tpu.sem_alloc : memref<!tpu.dma_semaphore, #tpu.memory_space<semaphore_mem>>
        %dma_start3A_28 = tpu.memref_slice %arg4[%add3A_23] : memref<327680xi32, #tpu.memory_space<hbm>> -> memref<128xi32, #tpu.memory_space<hbm>>
        %dma_start3A_29 = tpu.memref_slice %arg4[%add3A_23] : memref<327680xi32, #tpu.memory_space<hbm>> -> memref<128xi32, #tpu.memory_space<hbm>>
        tpu.enqueue_dma source(%dma_start3A_29 : memref<128xi32, #tpu.memory_space<hbm>>) target(%arg10 : memref<128xi32, #tpu.memory_space<vmem>>) target_semaphore(%run_scoped3A : memref<!tpu.dma_semaphore, #tpu.memory_space<semaphore_mem>>)
        %dma_wait3A_30 = tpu.memref_slice %arg4[%add3A_23] : memref<327680xi32, #tpu.memory_space<hbm>> -> memref<128xi32, #tpu.memory_space<hbm>>
        %dma_wait3A_31 = tpu.memref_slice %arg4[%add3A_23] : memref<327680xi32, #tpu.memory_space<hbm>> -> memref<128xi32, #tpu.memory_space<hbm>>
        tpu.wait_dma2 semaphore(%run_scoped3A : memref<!tpu.dma_semaphore, #tpu.memory_space<semaphore_mem>>) src(%dma_wait3A_31 : memref<128xi32, #tpu.memory_space<hbm>>) dst(%arg10 : memref<128xi32, #tpu.memory_space<vmem>>)
        tpu.yield
      }) : () -> ()
      %dma_start3A = arith.constant 0 : i32
      %dma_start3A_24 = arith.constant 0 : i32
      %dma_start3A_25 = tpu.memref_slice %arg2[%dma_start3A, %dma_start3A_24] : memref<20480x128xf32, #tpu.memory_space<hbm>> -> memref<20480x128xf32, #tpu.memory_space<hbm>>
      tpu.enqueue_indirect_dma source(%dma_start3A_25 : memref<20480x128xf32, #tpu.memory_space<hbm>>) target(%arg8 : memref<128x128xf32, #tpu.memory_space<vmem>>) offsets(%arg9 : memref<128xi32, #tpu.memory_space<vmem>>) semaphore(%arg11 : memref<!tpu.dma_semaphore, #tpu.memory_space<semaphore_mem>>)
      %dma_wait3A = arith.constant 0 : i32
      %dma_wait3A_26 = arith.constant 0 : i32
      %dma_wait3A_27 = tpu.memref_slice %arg2[%dma_wait3A, %dma_wait3A_26] : memref<20480x128xf32, #tpu.memory_space<hbm>> -> memref<20480x128xf32, #tpu.memory_space<hbm>>
      tpu.wait_indirect_dma semaphore(%arg11 : memref<!tpu.dma_semaphore, #tpu.memory_space<semaphore_mem>>) src(%dma_wait3A_27 : memref<20480x128xf32, #tpu.memory_space<hbm>>) dst(%arg8 : memref<128x128xf32, #tpu.memory_space<vmem>>)
      "tpu.region"() ({
        %run_scoped3A = tpu.sem_alloc : memref<!tpu.dma_semaphore, #tpu.memory_space<semaphore_mem>>
        %dma_start3A_28 = arith.constant 0 : i32
        %dma_start3A_29 = arith.constant 0 : i32
        %dma_start3A_30 = tpu.memref_slice %arg7[%dma_start3A_28, %dma_start3A_29] : memref<10240x128xf32, #tpu.memory_space<vmem_shared>> -> memref<10240x128xf32, #tpu.memory_space<vmem_shared>>
        tpu.enqueue_indirect_dma source(%arg8 : memref<128x128xf32, #tpu.memory_space<vmem>>) target(%dma_start3A_30 : memref<10240x128xf32, #tpu.memory_space<vmem_shared>>) offsets(%arg10 : memref<128xi32, #tpu.memory_space<vmem>>) semaphore(%run_scoped3A : memref<!tpu.dma_semaphore, #tpu.memory_space<semaphore_mem>>) {add = true}
        %dma_wait3A_31 = arith.constant 0 : i32
        %dma_wait3A_32 = arith.constant 0 : i32
        %dma_wait3A_33 = tpu.memref_slice %arg7[%dma_wait3A_31, %dma_wait3A_32] : memref<10240x128xf32, #tpu.memory_space<vmem_shared>> -> memref<10240x128xf32, #tpu.memory_space<vmem_shared>>
        tpu.wait_indirect_dma semaphore(%run_scoped3A : memref<!tpu.dma_semaphore, #tpu.memory_space<semaphore_mem>>) src(%arg8 : memref<128x128xf32, #tpu.memory_space<vmem>>) dst(%dma_wait3A_33 : memref<10240x128xf32, #tpu.memory_space<vmem_shared>>)
        tpu.yield
      }) : () -> ()
    }
    %scan3A_13 = arith.constant 160 : i32
    %barrier3A_14 = arith.constant 0 : index
    tpu.barrier barrier_id(%barrier3A_14)
    %mul3A_15 = arith.constant 640 : i32
    %mul3A_16 = arith.muli %arg1, %mul3A_15 : i32
    %mul3A_17 = arith.constant 640 : i32
    %mul3A_18 = arith.muli %arg1, %mul3A_17 : i32
    "tpu.region"() ({
      %run_scoped3A = tpu.sem_alloc : memref<!tpu.dma_semaphore, #tpu.memory_space<semaphore_mem>>
      %dma_start3A = arith.constant 0 : i32
      %dma_start3A_19 = tpu.memref_slice %arg6[%arg0, %mul3A_18, %dma_start3A] : memref<2x10240x128xf32, #tpu.memory_space<hbm>> -> memref<1x640x128xf32, #tpu.memory_space<hbm>>
      %dma_start3A_20 = tpu.memref_squeeze %dma_start3A_19 : memref<1x640x128xf32, #tpu.memory_space<hbm>> -> memref<640x128xf32, #tpu.memory_space<hbm>>
      %dma_start3A_21 = arith.constant 0 : i32
      %dma_start3A_22 = tpu.memref_slice %arg7[%mul3A_16, %dma_start3A_21] : memref<10240x128xf32, #tpu.memory_space<vmem_shared>> -> memref<640x128xf32, #tpu.memory_space<vmem_shared>>
      tpu.enqueue_dma source(%dma_start3A_22 : memref<640x128xf32, #tpu.memory_space<vmem_shared>>) target(%dma_start3A_20 : memref<640x128xf32, #tpu.memory_space<hbm>>) target_semaphore(%run_scoped3A : memref<!tpu.dma_semaphore, #tpu.memory_space<semaphore_mem>>)
      %dma_wait3A = arith.constant 0 : i32
      %dma_wait3A_23 = tpu.memref_slice %arg6[%arg0, %mul3A_18, %dma_wait3A] : memref<2x10240x128xf32, #tpu.memory_space<hbm>> -> memref<1x640x128xf32, #tpu.memory_space<hbm>>
      %dma_wait3A_24 = tpu.memref_squeeze %dma_wait3A_23 : memref<1x640x128xf32, #tpu.memory_space<hbm>> -> memref<640x128xf32, #tpu.memory_space<hbm>>
      %dma_wait3A_25 = arith.constant 0 : i32
      %dma_wait3A_26 = tpu.memref_slice %arg7[%mul3A_16, %dma_wait3A_25] : memref<10240x128xf32, #tpu.memory_space<vmem_shared>> -> memref<640x128xf32, #tpu.memory_space<vmem_shared>>
      tpu.wait_dma2 semaphore(%run_scoped3A : memref<!tpu.dma_semaphore, #tpu.memory_space<semaphore_mem>>) src(%dma_wait3A_26 : memref<640x128xf32, #tpu.memory_space<vmem_shared>>) dst(%dma_wait3A_24 : memref<640x128xf32, #tpu.memory_space<hbm>>)
      tpu.yield
    }) : () -> ()
    return
  }
}

#map = affine_map<(d0, d1) -> (0, 0)>
#map1 = affine_map<(d0, d1) -> (0)>
#map2 = affine_map<(d0, d1) -> (0, 0, 0)>
module attributes {stable_mosaic.version = 14 : i64} {
  func.func @_spmm_sc(%arg0: i32, %arg1: i32, %arg2: memref<20480x128xf32, #tpu.memory_space<hbm>>, %arg3: memref<655360xi32, #tpu.memory_space<hbm>>, %arg4: memref<327680xi32, #tpu.memory_space<hbm>>, %arg5: memref<10240x128xf32, #tpu.memory_space<hbm>>, %arg6: memref<2x10240x128xf32, #tpu.memory_space<hbm>>, %arg7: memref<10240x128xf32, #tpu.memory_space<vmem_shared>>, %arg8: memref<128x128xf32, #tpu.memory_space<vmem>>, %arg9: memref<128xi32, #tpu.memory_space<vmem>>, %arg10: memref<128xi32, #tpu.memory_space<vmem>>, %arg11: memref<!tpu.dma_semaphore, #tpu.memory_space<semaphore_mem>>) attributes {dimension_semantics = [#tpu.dimension_semantics<core_parallel>, #tpu.dimension_semantics<subcore_parallel>], iteration_bounds = array<i64: 2, 16>, scalar_prefetch = 0 : i64, scratch_operands = 5 : i64, tpu.core_type = #tpu.core_type<sc_vector_subcore>, window_params = [{transform_indices = #map}, {transform_indices = #map1}, {transform_indices = #map1}, {transform_indices = #map}, {transform_indices = #map2}]} {
    %mul3A = arith.constant 640 : i32
    %mul3A_0 = arith.muli %arg1, %mul3A : i32
    %mul3A_1 = arith.constant 640 : i32
    %mul3A_2 = arith.muli %arg1, %mul3A_1 : i32
    "tpu.region"() ({
      %run_scoped3A = tpu.sem_alloc : memref<!tpu.dma_semaphore, #tpu.memory_space<semaphore_mem>>
      %dma_start3A = arith.constant 0 : i32
      %dma_start3A_19 = tpu.memref_slice %arg7[%mul3A_2, %dma_start3A] : memref<10240x128xf32, #tpu.memory_space<vmem_shared>> -> memref<640x128xf32, #tpu.memory_space<vmem_shared>>
      %dma_start3A_20 = arith.constant 0 : i32
      %dma_start3A_21 = tpu.memref_slice %arg5[%mul3A_0, %dma_start3A_20] : memref<10240x128xf32, #tpu.memory_space<hbm>> -> memref<640x128xf32, #tpu.memory_space<hbm>>
      tpu.enqueue_dma source(%dma_start3A_21 : memref<640x128xf32, #tpu.memory_space<hbm>>) target(%dma_start3A_19 : memref<640x128xf32, #tpu.memory_space<vmem_shared>>) target_semaphore(%run_scoped3A : memref<!tpu.dma_semaphore, #tpu.memory_space<semaphore_mem>>)
      %dma_wait3A = arith.constant 0 : i32
      %dma_wait3A_22 = tpu.memref_slice %arg7[%mul3A_2, %dma_wait3A] : memref<10240x128xf32, #tpu.memory_space<vmem_shared>> -> memref<640x128xf32, #tpu.memory_space<vmem_shared>>
      %dma_wait3A_23 = arith.constant 0 : i32
      %dma_wait3A_24 = tpu.memref_slice %arg5[%mul3A_0, %dma_wait3A_23] : memref<10240x128xf32, #tpu.memory_space<hbm>> -> memref<640x128xf32, #tpu.memory_space<hbm>>
      tpu.wait_dma2 semaphore(%run_scoped3A : memref<!tpu.dma_semaphore, #tpu.memory_space<semaphore_mem>>) src(%dma_wait3A_24 : memref<640x128xf32, #tpu.memory_space<hbm>>) dst(%dma_wait3A_22 : memref<640x128xf32, #tpu.memory_space<vmem_shared>>)
      tpu.yield
    }) : () -> ()
    %barrier3A = arith.constant 0 : index
    tpu.barrier barrier_id(%barrier3A)
    %mul3A_3 = arith.constant 327680 : i32
    %mul3A_4 = arith.muli %arg0, %mul3A_3 : i32
    %mul3A_5 = arith.constant 20480 : i32
    %mul3A_6 = arith.muli %arg1, %mul3A_5 : i32
    %add3A = arith.addi %mul3A_4, %mul3A_6 : i32
    %mul3A_7 = arith.constant 20480 : i32
    %mul3A_8 = arith.muli %arg1, %mul3A_7 : i32
    %scan3A = arith.constant 0 : i32
    %scan3A_9 = arith.constant 0 : i32
    %scan3A_10 = arith.constant 160 : i32
    %scan3A_11 = arith.addi %scan3A_9, %scan3A_10 : i32
    %scan3A_12 = arith.constant 1 : i32
    scf.for %scan3A_19 = %scan3A_9 to %scan3A_11 step %scan3A_12  : i32 {
      %mul3A_20 = arith.constant 128 : i32
      %mul3A_21 = arith.muli %scan3A_19, %mul3A_20 : i32
      %add3A_22 = arith.addi %add3A, %mul3A_21 : i32
      "tpu.region"() ({
        %run_scoped3A = tpu.sem_alloc : memref<!tpu.dma_semaphore, #tpu.memory_space<semaphore_mem>>
        %dma_start3A_28 = tpu.memref_slice %arg3[%add3A_22] : memref<655360xi32, #tpu.memory_space<hbm>> -> memref<128xi32, #tpu.memory_space<hbm>>
        %dma_start3A_29 = tpu.memref_slice %arg3[%add3A_22] : memref<655360xi32, #tpu.memory_space<hbm>> -> memref<128xi32, #tpu.memory_space<hbm>>
        tpu.enqueue_dma source(%dma_start3A_29 : memref<128xi32, #tpu.memory_space<hbm>>) target(%arg9 : memref<128xi32, #tpu.memory_space<vmem>>) target_semaphore(%run_scoped3A : memref<!tpu.dma_semaphore, #tpu.memory_space<semaphore_mem>>)
        %dma_wait3A_30 = tpu.memref_slice %arg3[%add3A_22] : memref<655360xi32, #tpu.memory_space<hbm>> -> memref<128xi32, #tpu.memory_space<hbm>>
        %dma_wait3A_31 = tpu.memref_slice %arg3[%add3A_22] : memref<655360xi32, #tpu.memory_space<hbm>> -> memref<128xi32, #tpu.memory_space<hbm>>
        tpu.wait_dma2 semaphore(%run_scoped3A : memref<!tpu.dma_semaphore, #tpu.memory_space<semaphore_mem>>) src(%dma_wait3A_31 : memref<128xi32, #tpu.memory_space<hbm>>) dst(%arg9 : memref<128xi32, #tpu.memory_space<vmem>>)
        tpu.yield
      }) : () -> ()
      %add3A_23 = arith.addi %mul3A_8, %mul3A_21 : i32
      "tpu.region"() ({
        %run_scoped3A = tpu.sem_alloc : memref<!tpu.dma_semaphore, #tpu.memory_space<semaphore_mem>>
        %dma_start3A_28 = tpu.memref_slice %arg4[%add3A_23] : memref<327680xi32, #tpu.memory_space<hbm>> -> memref<128xi32, #tpu.memory_space<hbm>>
        %dma_start3A_29 = tpu.memref_slice %arg4[%add3A_23] : memref<327680xi32, #tpu.memory_space<hbm>> -> memref<128xi32, #tpu.memory_space<hbm>>
        tpu.enqueue_dma source(%dma_start3A_29 : memref<128xi32, #tpu.memory_space<hbm>>) target(%arg10 : memref<128xi32, #tpu.memory_space<vmem>>) target_semaphore(%run_scoped3A : memref<!tpu.dma_semaphore, #tpu.memory_space<semaphore_mem>>)
        %dma_wait3A_30 = tpu.memref_slice %arg4[%add3A_23] : memref<327680xi32, #tpu.memory_space<hbm>> -> memref<128xi32, #tpu.memory_space<hbm>>
        %dma_wait3A_31 = tpu.memref_slice %arg4[%add3A_23] : memref<327680xi32, #tpu.memory_space<hbm>> -> memref<128xi32, #tpu.memory_space<hbm>>
        tpu.wait_dma2 semaphore(%run_scoped3A : memref<!tpu.dma_semaphore, #tpu.memory_space<semaphore_mem>>) src(%dma_wait3A_31 : memref<128xi32, #tpu.memory_space<hbm>>) dst(%arg10 : memref<128xi32, #tpu.memory_space<vmem>>)
        tpu.yield
      }) : () -> ()
      %dma_start3A = arith.constant 0 : i32
      %dma_start3A_24 = arith.constant 0 : i32
      %dma_start3A_25 = tpu.memref_slice %arg2[%dma_start3A, %dma_start3A_24] : memref<20480x128xf32, #tpu.memory_space<hbm>> -> memref<20480x128xf32, #tpu.memory_space<hbm>>
      tpu.enqueue_indirect_dma source(%dma_start3A_25 : memref<20480x128xf32, #tpu.memory_space<hbm>>) target(%arg8 : memref<128x128xf32, #tpu.memory_space<vmem>>) offsets(%arg9 : memref<128xi32, #tpu.memory_space<vmem>>) semaphore(%arg11 : memref<!tpu.dma_semaphore, #tpu.memory_space<semaphore_mem>>)
      %dma_wait3A = arith.constant 0 : i32
      %dma_wait3A_26 = arith.constant 0 : i32
      %dma_wait3A_27 = tpu.memref_slice %arg2[%dma_wait3A, %dma_wait3A_26] : memref<20480x128xf32, #tpu.memory_space<hbm>> -> memref<20480x128xf32, #tpu.memory_space<hbm>>
      tpu.wait_indirect_dma semaphore(%arg11 : memref<!tpu.dma_semaphore, #tpu.memory_space<semaphore_mem>>) src(%dma_wait3A_27 : memref<20480x128xf32, #tpu.memory_space<hbm>>) dst(%arg8 : memref<128x128xf32, #tpu.memory_space<vmem>>)
      "tpu.region"() ({
        %run_scoped3A = tpu.sem_alloc : memref<!tpu.dma_semaphore, #tpu.memory_space<semaphore_mem>>
        %dma_start3A_28 = arith.constant 0 : i32
        %dma_start3A_29 = arith.constant 0 : i32
        %dma_start3A_30 = tpu.memref_slice %arg7[%dma_start3A_28, %dma_start3A_29] : memref<10240x128xf32, #tpu.memory_space<vmem_shared>> -> memref<10240x128xf32, #tpu.memory_space<vmem_shared>>
        tpu.enqueue_indirect_dma source(%arg8 : memref<128x128xf32, #tpu.memory_space<vmem>>) target(%dma_start3A_30 : memref<10240x128xf32, #tpu.memory_space<vmem_shared>>) offsets(%arg10 : memref<128xi32, #tpu.memory_space<vmem>>) semaphore(%run_scoped3A : memref<!tpu.dma_semaphore, #tpu.memory_space<semaphore_mem>>) {add = true}
        %dma_wait3A_31 = arith.constant 0 : i32
        %dma_wait3A_32 = arith.constant 0 : i32
        %dma_wait3A_33 = tpu.memref_slice %arg7[%dma_wait3A_31, %dma_wait3A_32] : memref<10240x128xf32, #tpu.memory_space<vmem_shared>> -> memref<10240x128xf32, #tpu.memory_space<vmem_shared>>
        tpu.wait_indirect_dma semaphore(%run_scoped3A : memref<!tpu.dma_semaphore, #tpu.memory_space<semaphore_mem>>) src(%arg8 : memref<128x128xf32, #tpu.memory_space<vmem>>) dst(%dma_wait3A_33 : memref<10240x128xf32, #tpu.memory_space<vmem_shared>>)
        tpu.yield
      }) : () -> ()
    }
    %scan3A_13 = arith.constant 160 : i32
    %barrier3A_14 = arith.constant 0 : index
    tpu.barrier barrier_id(%barrier3A_14)
    %mul3A_15 = arith.constant 640 : i32
    %mul3A_16 = arith.muli %arg1, %mul3A_15 : i32
    %mul3A_17 = arith.constant 640 : i32
    %mul3A_18 = arith.muli %arg1, %mul3A_17 : i32
    "tpu.region"() ({
      %run_scoped3A = tpu.sem_alloc : memref<!tpu.dma_semaphore, #tpu.memory_space<semaphore_mem>>
      %dma_start3A = arith.constant 0 : i32
      %dma_start3A_19 = tpu.memref_slice %arg6[%arg0, %mul3A_18, %dma_start3A] : memref<2x10240x128xf32, #tpu.memory_space<hbm>> -> memref<1x640x128xf32, #tpu.memory_space<hbm>>
      %dma_start3A_20 = tpu.memref_squeeze %dma_start3A_19 : memref<1x640x128xf32, #tpu.memory_space<hbm>> -> memref<640x128xf32, #tpu.memory_space<hbm>>
      %dma_start3A_21 = arith.constant 0 : i32
      %dma_start3A_22 = tpu.memref_slice %arg7[%mul3A_16, %dma_start3A_21] : memref<10240x128xf32, #tpu.memory_space<vmem_shared>> -> memref<640x128xf32, #tpu.memory_space<vmem_shared>>
      tpu.enqueue_dma source(%dma_start3A_22 : memref<640x128xf32, #tpu.memory_space<vmem_shared>>) target(%dma_start3A_20 : memref<640x128xf32, #tpu.memory_space<hbm>>) target_semaphore(%run_scoped3A : memref<!tpu.dma_semaphore, #tpu.memory_space<semaphore_mem>>)
      %dma_wait3A = arith.constant 0 : i32
      %dma_wait3A_23 = tpu.memref_slice %arg6[%arg0, %mul3A_18, %dma_wait3A] : memref<2x10240x128xf32, #tpu.memory_space<hbm>> -> memref<1x640x128xf32, #tpu.memory_space<hbm>>
      %dma_wait3A_24 = tpu.memref_squeeze %dma_wait3A_23 : memref<1x640x128xf32, #tpu.memory_space<hbm>> -> memref<640x128xf32, #tpu.memory_space<hbm>>
      %dma_wait3A_25 = arith.constant 0 : i32
      %dma_wait3A_26 = tpu.memref_slice %arg7[%mul3A_16, %dma_wait3A_25] : memref<10240x128xf32, #tpu.memory_space<vmem_shared>> -> memref<640x128xf32, #tpu.memory_space<vmem_shared>>
      tpu.wait_dma2 semaphore(%run_scoped3A : memref<!tpu.dma_semaphore, #tpu.memory_space<semaphore_mem>>) src(%dma_wait3A_26 : memref<640x128xf32, #tpu.memory_space<vmem_shared>>) dst(%dma_wait3A_24 : memref<640x128xf32, #tpu.memory_space<hbm>>)
      tpu.yield
    }) : () -> ()
    return
  }
}

#map = affine_map<(d0, d1) -> (0, 0)>
#map1 = affine_map<(d0, d1) -> (0)>
#map2 = affine_map<(d0, d1) -> (0, 0, 0)>
module attributes {stable_mosaic.version = 14 : i64} {
  func.func @_spmm_sc(%arg0: i32, %arg1: i32, %arg2: memref<20480x128xf32, #tpu.memory_space<hbm>>, %arg3: memref<655360xi32, #tpu.memory_space<hbm>>, %arg4: memref<327680xi32, #tpu.memory_space<hbm>>, %arg5: memref<10240x128xf32, #tpu.memory_space<hbm>>, %arg6: memref<2x10240x128xf32, #tpu.memory_space<hbm>>, %arg7: memref<10240x128xf32, #tpu.memory_space<vmem_shared>>, %arg8: memref<128x128xf32, #tpu.memory_space<vmem>>, %arg9: memref<128xi32, #tpu.memory_space<vmem>>, %arg10: memref<128xi32, #tpu.memory_space<vmem>>, %arg11: memref<!tpu.dma_semaphore, #tpu.memory_space<semaphore_mem>>) attributes {dimension_semantics = [#tpu.dimension_semantics<core_parallel>, #tpu.dimension_semantics<subcore_parallel>], iteration_bounds = array<i64: 2, 16>, scalar_prefetch = 0 : i64, scratch_operands = 5 : i64, tpu.core_type = #tpu.core_type<sc_vector_subcore>, window_params = [{transform_indices = #map}, {transform_indices = #map1}, {transform_indices = #map1}, {transform_indices = #map}, {transform_indices = #map2}]} {
    %mul3A = arith.constant 640 : i32
    %mul3A_0 = arith.muli %arg1, %mul3A : i32
    %mul3A_1 = arith.constant 640 : i32
    %mul3A_2 = arith.muli %arg1, %mul3A_1 : i32
    "tpu.region"() ({
      %run_scoped3A = tpu.sem_alloc : memref<!tpu.dma_semaphore, #tpu.memory_space<semaphore_mem>>
      %dma_start3A = arith.constant 0 : i32
      %dma_start3A_19 = tpu.memref_slice %arg7[%mul3A_2, %dma_start3A] : memref<10240x128xf32, #tpu.memory_space<vmem_shared>> -> memref<640x128xf32, #tpu.memory_space<vmem_shared>>
      %dma_start3A_20 = arith.constant 0 : i32
      %dma_start3A_21 = tpu.memref_slice %arg5[%mul3A_0, %dma_start3A_20] : memref<10240x128xf32, #tpu.memory_space<hbm>> -> memref<640x128xf32, #tpu.memory_space<hbm>>
      tpu.enqueue_dma source(%dma_start3A_21 : memref<640x128xf32, #tpu.memory_space<hbm>>) target(%dma_start3A_19 : memref<640x128xf32, #tpu.memory_space<vmem_shared>>) target_semaphore(%run_scoped3A : memref<!tpu.dma_semaphore, #tpu.memory_space<semaphore_mem>>)
      %dma_wait3A = arith.constant 0 : i32
      %dma_wait3A_22 = tpu.memref_slice %arg7[%mul3A_2, %dma_wait3A] : memref<10240x128xf32, #tpu.memory_space<vmem_shared>> -> memref<640x128xf32, #tpu.memory_space<vmem_shared>>
      %dma_wait3A_23 = arith.constant 0 : i32
      %dma_wait3A_24 = tpu.memref_slice %arg5[%mul3A_0, %dma_wait3A_23] : memref<10240x128xf32, #tpu.memory_space<hbm>> -> memref<640x128xf32, #tpu.memory_space<hbm>>
      tpu.wait_dma2 semaphore(%run_scoped3A : memref<!tpu.dma_semaphore, #tpu.memory_space<semaphore_mem>>) src(%dma_wait3A_24 : memref<640x128xf32, #tpu.memory_space<hbm>>) dst(%dma_wait3A_22 : memref<640x128xf32, #tpu.memory_space<vmem_shared>>)
      tpu.yield
    }) : () -> ()
    %barrier3A = arith.constant 0 : index
    tpu.barrier barrier_id(%barrier3A)
    %mul3A_3 = arith.constant 327680 : i32
    %mul3A_4 = arith.muli %arg0, %mul3A_3 : i32
    %mul3A_5 = arith.constant 20480 : i32
    %mul3A_6 = arith.muli %arg1, %mul3A_5 : i32
    %add3A = arith.addi %mul3A_4, %mul3A_6 : i32
    %mul3A_7 = arith.constant 20480 : i32
    %mul3A_8 = arith.muli %arg1, %mul3A_7 : i32
    %scan3A = arith.constant 0 : i32
    %scan3A_9 = arith.constant 0 : i32
    %scan3A_10 = arith.constant 160 : i32
    %scan3A_11 = arith.addi %scan3A_9, %scan3A_10 : i32
    %scan3A_12 = arith.constant 1 : i32
    scf.for %scan3A_19 = %scan3A_9 to %scan3A_11 step %scan3A_12  : i32 {
      %mul3A_20 = arith.constant 128 : i32
      %mul3A_21 = arith.muli %scan3A_19, %mul3A_20 : i32
      %add3A_22 = arith.addi %add3A, %mul3A_21 : i32
      "tpu.region"() ({
        %run_scoped3A = tpu.sem_alloc : memref<!tpu.dma_semaphore, #tpu.memory_space<semaphore_mem>>
        %dma_start3A_28 = tpu.memref_slice %arg3[%add3A_22] : memref<655360xi32, #tpu.memory_space<hbm>> -> memref<128xi32, #tpu.memory_space<hbm>>
        %dma_start3A_29 = tpu.memref_slice %arg3[%add3A_22] : memref<655360xi32, #tpu.memory_space<hbm>> -> memref<128xi32, #tpu.memory_space<hbm>>
        tpu.enqueue_dma source(%dma_start3A_29 : memref<128xi32, #tpu.memory_space<hbm>>) target(%arg9 : memref<128xi32, #tpu.memory_space<vmem>>) target_semaphore(%run_scoped3A : memref<!tpu.dma_semaphore, #tpu.memory_space<semaphore_mem>>)
        %dma_wait3A_30 = tpu.memref_slice %arg3[%add3A_22] : memref<655360xi32, #tpu.memory_space<hbm>> -> memref<128xi32, #tpu.memory_space<hbm>>
        %dma_wait3A_31 = tpu.memref_slice %arg3[%add3A_22] : memref<655360xi32, #tpu.memory_space<hbm>> -> memref<128xi32, #tpu.memory_space<hbm>>
        tpu.wait_dma2 semaphore(%run_scoped3A : memref<!tpu.dma_semaphore, #tpu.memory_space<semaphore_mem>>) src(%dma_wait3A_31 : memref<128xi32, #tpu.memory_space<hbm>>) dst(%arg9 : memref<128xi32, #tpu.memory_space<vmem>>)
        tpu.yield
      }) : () -> ()
      %add3A_23 = arith.addi %mul3A_8, %mul3A_21 : i32
      "tpu.region"() ({
        %run_scoped3A = tpu.sem_alloc : memref<!tpu.dma_semaphore, #tpu.memory_space<semaphore_mem>>
        %dma_start3A_28 = tpu.memref_slice %arg4[%add3A_23] : memref<327680xi32, #tpu.memory_space<hbm>> -> memref<128xi32, #tpu.memory_space<hbm>>
        %dma_start3A_29 = tpu.memref_slice %arg4[%add3A_23] : memref<327680xi32, #tpu.memory_space<hbm>> -> memref<128xi32, #tpu.memory_space<hbm>>
        tpu.enqueue_dma source(%dma_start3A_29 : memref<128xi32, #tpu.memory_space<hbm>>) target(%arg10 : memref<128xi32, #tpu.memory_space<vmem>>) target_semaphore(%run_scoped3A : memref<!tpu.dma_semaphore, #tpu.memory_space<semaphore_mem>>)
        %dma_wait3A_30 = tpu.memref_slice %arg4[%add3A_23] : memref<327680xi32, #tpu.memory_space<hbm>> -> memref<128xi32, #tpu.memory_space<hbm>>
        %dma_wait3A_31 = tpu.memref_slice %arg4[%add3A_23] : memref<327680xi32, #tpu.memory_space<hbm>> -> memref<128xi32, #tpu.memory_space<hbm>>
        tpu.wait_dma2 semaphore(%run_scoped3A : memref<!tpu.dma_semaphore, #tpu.memory_space<semaphore_mem>>) src(%dma_wait3A_31 : memref<128xi32, #tpu.memory_space<hbm>>) dst(%arg10 : memref<128xi32, #tpu.memory_space<vmem>>)
        tpu.yield
      }) : () -> ()
      %dma_start3A = arith.constant 0 : i32
      %dma_start3A_24 = arith.constant 0 : i32
      %dma_start3A_25 = tpu.memref_slice %arg2[%dma_start3A, %dma_start3A_24] : memref<20480x128xf32, #tpu.memory_space<hbm>> -> memref<20480x128xf32, #tpu.memory_space<hbm>>
      tpu.enqueue_indirect_dma source(%dma_start3A_25 : memref<20480x128xf32, #tpu.memory_space<hbm>>) target(%arg8 : memref<128x128xf32, #tpu.memory_space<vmem>>) offsets(%arg9 : memref<128xi32, #tpu.memory_space<vmem>>) semaphore(%arg11 : memref<!tpu.dma_semaphore, #tpu.memory_space<semaphore_mem>>)
      %dma_wait3A = arith.constant 0 : i32
      %dma_wait3A_26 = arith.constant 0 : i32
      %dma_wait3A_27 = tpu.memref_slice %arg2[%dma_wait3A, %dma_wait3A_26] : memref<20480x128xf32, #tpu.memory_space<hbm>> -> memref<20480x128xf32, #tpu.memory_space<hbm>>
      tpu.wait_indirect_dma semaphore(%arg11 : memref<!tpu.dma_semaphore, #tpu.memory_space<semaphore_mem>>) src(%dma_wait3A_27 : memref<20480x128xf32, #tpu.memory_space<hbm>>) dst(%arg8 : memref<128x128xf32, #tpu.memory_space<vmem>>)
      "tpu.region"() ({
        %run_scoped3A = tpu.sem_alloc : memref<!tpu.dma_semaphore, #tpu.memory_space<semaphore_mem>>
        %dma_start3A_28 = arith.constant 0 : i32
        %dma_start3A_29 = arith.constant 0 : i32
        %dma_start3A_30 = tpu.memref_slice %arg7[%dma_start3A_28, %dma_start3A_29] : memref<10240x128xf32, #tpu.memory_space<vmem_shared>> -> memref<10240x128xf32, #tpu.memory_space<vmem_shared>>
        tpu.enqueue_indirect_dma source(%arg8 : memref<128x128xf32, #tpu.memory_space<vmem>>) target(%dma_start3A_30 : memref<10240x128xf32, #tpu.memory_space<vmem_shared>>) offsets(%arg10 : memref<128xi32, #tpu.memory_space<vmem>>) semaphore(%run_scoped3A : memref<!tpu.dma_semaphore, #tpu.memory_space<semaphore_mem>>) {add = true}
        %dma_wait3A_31 = arith.constant 0 : i32
        %dma_wait3A_32 = arith.constant 0 : i32
        %dma_wait3A_33 = tpu.memref_slice %arg7[%dma_wait3A_31, %dma_wait3A_32] : memref<10240x128xf32, #tpu.memory_space<vmem_shared>> -> memref<10240x128xf32, #tpu.memory_space<vmem_shared>>
        tpu.wait_indirect_dma semaphore(%run_scoped3A : memref<!tpu.dma_semaphore, #tpu.memory_space<semaphore_mem>>) src(%arg8 : memref<128x128xf32, #tpu.memory_space<vmem>>) dst(%dma_wait3A_33 : memref<10240x128xf32, #tpu.memory_space<vmem_shared>>)
        tpu.yield
      }) : () -> ()
    }
    %scan3A_13 = arith.constant 160 : i32
    %barrier3A_14 = arith.constant 0 : index
    tpu.barrier barrier_id(%barrier3A_14)
    %mul3A_15 = arith.constant 640 : i32
    %mul3A_16 = arith.muli %arg1, %mul3A_15 : i32
    %mul3A_17 = arith.constant 640 : i32
    %mul3A_18 = arith.muli %arg1, %mul3A_17 : i32
    "tpu.region"() ({
      %run_scoped3A = tpu.sem_alloc : memref<!tpu.dma_semaphore, #tpu.memory_space<semaphore_mem>>
      %dma_start3A = arith.constant 0 : i32
      %dma_start3A_19 = tpu.memref_slice %arg6[%arg0, %mul3A_18, %dma_start3A] : memref<2x10240x128xf32, #tpu.memory_space<hbm>> -> memref<1x640x128xf32, #tpu.memory_space<hbm>>
      %dma_start3A_20 = tpu.memref_squeeze %dma_start3A_19 : memref<1x640x128xf32, #tpu.memory_space<hbm>> -> memref<640x128xf32, #tpu.memory_space<hbm>>
      %dma_start3A_21 = arith.constant 0 : i32
      %dma_start3A_22 = tpu.memref_slice %arg7[%mul3A_16, %dma_start3A_21] : memref<10240x128xf32, #tpu.memory_space<vmem_shared>> -> memref<640x128xf32, #tpu.memory_space<vmem_shared>>
      tpu.enqueue_dma source(%dma_start3A_22 : memref<640x128xf32, #tpu.memory_space<vmem_shared>>) target(%dma_start3A_20 : memref<640x128xf32, #tpu.memory_space<hbm>>) target_semaphore(%run_scoped3A : memref<!tpu.dma_semaphore, #tpu.memory_space<semaphore_mem>>)
      %dma_wait3A = arith.constant 0 : i32
      %dma_wait3A_23 = tpu.memref_slice %arg6[%arg0, %mul3A_18, %dma_wait3A] : memref<2x10240x128xf32, #tpu.memory_space<hbm>> -> memref<1x640x128xf32, #tpu.memory_space<hbm>>
      %dma_wait3A_24 = tpu.memref_squeeze %dma_wait3A_23 : memref<1x640x128xf32, #tpu.memory_space<hbm>> -> memref<640x128xf32, #tpu.memory_space<hbm>>
      %dma_wait3A_25 = arith.constant 0 : i32
      %dma_wait3A_26 = tpu.memref_slice %arg7[%mul3A_16, %dma_wait3A_25] : memref<10240x128xf32, #tpu.memory_space<vmem_shared>> -> memref<640x128xf32, #tpu.memory_space<vmem_shared>>
      tpu.wait_dma2 semaphore(%run_scoped3A : memref<!tpu.dma_semaphore, #tpu.memory_space<semaphore_mem>>) src(%dma_wait3A_26 : memref<640x128xf32, #tpu.memory_space<vmem_shared>>) dst(%dma_wait3A_24 : memref<640x128xf32, #tpu.memory_space<hbm>>)
      tpu.yield
    }) : () -> ()
    return
  }
}

#map = affine_map<(d0, d1) -> (0, 0)>
#map1 = affine_map<(d0, d1) -> (0)>
#map2 = affine_map<(d0, d1) -> (0, 0, 0)>
module attributes {stable_mosaic.version = 14 : i64} {
  func.func @_spmm_sc(%arg0: i32, %arg1: i32, %arg2: memref<20480x128xf32, #tpu.memory_space<hbm>>, %arg3: memref<655360xi32, #tpu.memory_space<hbm>>, %arg4: memref<327680xi32, #tpu.memory_space<hbm>>, %arg5: memref<10240x128xf32, #tpu.memory_space<hbm>>, %arg6: memref<2x10240x128xf32, #tpu.memory_space<hbm>>, %arg7: memref<10240x128xf32, #tpu.memory_space<vmem_shared>>, %arg8: memref<128x128xf32, #tpu.memory_space<vmem>>, %arg9: memref<128xi32, #tpu.memory_space<vmem>>, %arg10: memref<128xi32, #tpu.memory_space<vmem>>, %arg11: memref<!tpu.dma_semaphore, #tpu.memory_space<semaphore_mem>>) attributes {dimension_semantics = [#tpu.dimension_semantics<core_parallel>, #tpu.dimension_semantics<subcore_parallel>], iteration_bounds = array<i64: 2, 16>, scalar_prefetch = 0 : i64, scratch_operands = 5 : i64, tpu.core_type = #tpu.core_type<sc_vector_subcore>, window_params = [{transform_indices = #map}, {transform_indices = #map1}, {transform_indices = #map1}, {transform_indices = #map}, {transform_indices = #map2}]} {
    %mul3A = arith.constant 640 : i32
    %mul3A_0 = arith.muli %arg1, %mul3A : i32
    %mul3A_1 = arith.constant 640 : i32
    %mul3A_2 = arith.muli %arg1, %mul3A_1 : i32
    "tpu.region"() ({
      %run_scoped3A = tpu.sem_alloc : memref<!tpu.dma_semaphore, #tpu.memory_space<semaphore_mem>>
      %dma_start3A = arith.constant 0 : i32
      %dma_start3A_19 = tpu.memref_slice %arg7[%mul3A_2, %dma_start3A] : memref<10240x128xf32, #tpu.memory_space<vmem_shared>> -> memref<640x128xf32, #tpu.memory_space<vmem_shared>>
      %dma_start3A_20 = arith.constant 0 : i32
      %dma_start3A_21 = tpu.memref_slice %arg5[%mul3A_0, %dma_start3A_20] : memref<10240x128xf32, #tpu.memory_space<hbm>> -> memref<640x128xf32, #tpu.memory_space<hbm>>
      tpu.enqueue_dma source(%dma_start3A_21 : memref<640x128xf32, #tpu.memory_space<hbm>>) target(%dma_start3A_19 : memref<640x128xf32, #tpu.memory_space<vmem_shared>>) target_semaphore(%run_scoped3A : memref<!tpu.dma_semaphore, #tpu.memory_space<semaphore_mem>>)
      %dma_wait3A = arith.constant 0 : i32
      %dma_wait3A_22 = tpu.memref_slice %arg7[%mul3A_2, %dma_wait3A] : memref<10240x128xf32, #tpu.memory_space<vmem_shared>> -> memref<640x128xf32, #tpu.memory_space<vmem_shared>>
      %dma_wait3A_23 = arith.constant 0 : i32
      %dma_wait3A_24 = tpu.memref_slice %arg5[%mul3A_0, %dma_wait3A_23] : memref<10240x128xf32, #tpu.memory_space<hbm>> -> memref<640x128xf32, #tpu.memory_space<hbm>>
      tpu.wait_dma2 semaphore(%run_scoped3A : memref<!tpu.dma_semaphore, #tpu.memory_space<semaphore_mem>>) src(%dma_wait3A_24 : memref<640x128xf32, #tpu.memory_space<hbm>>) dst(%dma_wait3A_22 : memref<640x128xf32, #tpu.memory_space<vmem_shared>>)
      tpu.yield
    }) : () -> ()
    %barrier3A = arith.constant 0 : index
    tpu.barrier barrier_id(%barrier3A)
    %mul3A_3 = arith.constant 327680 : i32
    %mul3A_4 = arith.muli %arg0, %mul3A_3 : i32
    %mul3A_5 = arith.constant 20480 : i32
    %mul3A_6 = arith.muli %arg1, %mul3A_5 : i32
    %add3A = arith.addi %mul3A_4, %mul3A_6 : i32
    %mul3A_7 = arith.constant 20480 : i32
    %mul3A_8 = arith.muli %arg1, %mul3A_7 : i32
    %scan3A = arith.constant 0 : i32
    %scan3A_9 = arith.constant 0 : i32
    %scan3A_10 = arith.constant 160 : i32
    %scan3A_11 = arith.addi %scan3A_9, %scan3A_10 : i32
    %scan3A_12 = arith.constant 1 : i32
    scf.for %scan3A_19 = %scan3A_9 to %scan3A_11 step %scan3A_12  : i32 {
      %mul3A_20 = arith.constant 128 : i32
      %mul3A_21 = arith.muli %scan3A_19, %mul3A_20 : i32
      %add3A_22 = arith.addi %add3A, %mul3A_21 : i32
      "tpu.region"() ({
        %run_scoped3A = tpu.sem_alloc : memref<!tpu.dma_semaphore, #tpu.memory_space<semaphore_mem>>
        %dma_start3A_28 = tpu.memref_slice %arg3[%add3A_22] : memref<655360xi32, #tpu.memory_space<hbm>> -> memref<128xi32, #tpu.memory_space<hbm>>
        %dma_start3A_29 = tpu.memref_slice %arg3[%add3A_22] : memref<655360xi32, #tpu.memory_space<hbm>> -> memref<128xi32, #tpu.memory_space<hbm>>
        tpu.enqueue_dma source(%dma_start3A_29 : memref<128xi32, #tpu.memory_space<hbm>>) target(%arg9 : memref<128xi32, #tpu.memory_space<vmem>>) target_semaphore(%run_scoped3A : memref<!tpu.dma_semaphore, #tpu.memory_space<semaphore_mem>>)
        %dma_wait3A_30 = tpu.memref_slice %arg3[%add3A_22] : memref<655360xi32, #tpu.memory_space<hbm>> -> memref<128xi32, #tpu.memory_space<hbm>>
        %dma_wait3A_31 = tpu.memref_slice %arg3[%add3A_22] : memref<655360xi32, #tpu.memory_space<hbm>> -> memref<128xi32, #tpu.memory_space<hbm>>
        tpu.wait_dma2 semaphore(%run_scoped3A : memref<!tpu.dma_semaphore, #tpu.memory_space<semaphore_mem>>) src(%dma_wait3A_31 : memref<128xi32, #tpu.memory_space<hbm>>) dst(%arg9 : memref<128xi32, #tpu.memory_space<vmem>>)
        tpu.yield
      }) : () -> ()
      %add3A_23 = arith.addi %mul3A_8, %mul3A_21 : i32
      "tpu.region"() ({
        %run_scoped3A = tpu.sem_alloc : memref<!tpu.dma_semaphore, #tpu.memory_space<semaphore_mem>>
        %dma_start3A_28 = tpu.memref_slice %arg4[%add3A_23] : memref<327680xi32, #tpu.memory_space<hbm>> -> memref<128xi32, #tpu.memory_space<hbm>>
        %dma_start3A_29 = tpu.memref_slice %arg4[%add3A_23] : memref<327680xi32, #tpu.memory_space<hbm>> -> memref<128xi32, #tpu.memory_space<hbm>>
        tpu.enqueue_dma source(%dma_start3A_29 : memref<128xi32, #tpu.memory_space<hbm>>) target(%arg10 : memref<128xi32, #tpu.memory_space<vmem>>) target_semaphore(%run_scoped3A : memref<!tpu.dma_semaphore, #tpu.memory_space<semaphore_mem>>)
        %dma_wait3A_30 = tpu.memref_slice %arg4[%add3A_23] : memref<327680xi32, #tpu.memory_space<hbm>> -> memref<128xi32, #tpu.memory_space<hbm>>
        %dma_wait3A_31 = tpu.memref_slice %arg4[%add3A_23] : memref<327680xi32, #tpu.memory_space<hbm>> -> memref<128xi32, #tpu.memory_space<hbm>>
        tpu.wait_dma2 semaphore(%run_scoped3A : memref<!tpu.dma_semaphore, #tpu.memory_space<semaphore_mem>>) src(%dma_wait3A_31 : memref<128xi32, #tpu.memory_space<hbm>>) dst(%arg10 : memref<128xi32, #tpu.memory_space<vmem>>)
        tpu.yield
      }) : () -> ()
      %dma_start3A = arith.constant 0 : i32
      %dma_start3A_24 = arith.constant 0 : i32
      %dma_start3A_25 = tpu.memref_slice %arg2[%dma_start3A, %dma_start3A_24] : memref<20480x128xf32, #tpu.memory_space<hbm>> -> memref<20480x128xf32, #tpu.memory_space<hbm>>
      tpu.enqueue_indirect_dma source(%dma_start3A_25 : memref<20480x128xf32, #tpu.memory_space<hbm>>) target(%arg8 : memref<128x128xf32, #tpu.memory_space<vmem>>) offsets(%arg9 : memref<128xi32, #tpu.memory_space<vmem>>) semaphore(%arg11 : memref<!tpu.dma_semaphore, #tpu.memory_space<semaphore_mem>>)
      %dma_wait3A = arith.constant 0 : i32
      %dma_wait3A_26 = arith.constant 0 : i32
      %dma_wait3A_27 = tpu.memref_slice %arg2[%dma_wait3A, %dma_wait3A_26] : memref<20480x128xf32, #tpu.memory_space<hbm>> -> memref<20480x128xf32, #tpu.memory_space<hbm>>
      tpu.wait_indirect_dma semaphore(%arg11 : memref<!tpu.dma_semaphore, #tpu.memory_space<semaphore_mem>>) src(%dma_wait3A_27 : memref<20480x128xf32, #tpu.memory_space<hbm>>) dst(%arg8 : memref<128x128xf32, #tpu.memory_space<vmem>>)
      "tpu.region"() ({
        %run_scoped3A = tpu.sem_alloc : memref<!tpu.dma_semaphore, #tpu.memory_space<semaphore_mem>>
        %dma_start3A_28 = arith.constant 0 : i32
        %dma_start3A_29 = arith.constant 0 : i32
        %dma_start3A_30 = tpu.memref_slice %arg7[%dma_start3A_28, %dma_start3A_29] : memref<10240x128xf32, #tpu.memory_space<vmem_shared>> -> memref<10240x128xf32, #tpu.memory_space<vmem_shared>>
        tpu.enqueue_indirect_dma source(%arg8 : memref<128x128xf32, #tpu.memory_space<vmem>>) target(%dma_start3A_30 : memref<10240x128xf32, #tpu.memory_space<vmem_shared>>) offsets(%arg10 : memref<128xi32, #tpu.memory_space<vmem>>) semaphore(%run_scoped3A : memref<!tpu.dma_semaphore, #tpu.memory_space<semaphore_mem>>) {add = true}
        %dma_wait3A_31 = arith.constant 0 : i32
        %dma_wait3A_32 = arith.constant 0 : i32
        %dma_wait3A_33 = tpu.memref_slice %arg7[%dma_wait3A_31, %dma_wait3A_32] : memref<10240x128xf32, #tpu.memory_space<vmem_shared>> -> memref<10240x128xf32, #tpu.memory_space<vmem_shared>>
        tpu.wait_indirect_dma semaphore(%run_scoped3A : memref<!tpu.dma_semaphore, #tpu.memory_space<semaphore_mem>>) src(%arg8 : memref<128x128xf32, #tpu.memory_space<vmem>>) dst(%dma_wait3A_33 : memref<10240x128xf32, #tpu.memory_space<vmem_shared>>)
        tpu.yield
      }) : () -> ()
    }
    %scan3A_13 = arith.constant 160 : i32
    %barrier3A_14 = arith.constant 0 : index
    tpu.barrier barrier_id(%barrier3A_14)
    %mul3A_15 = arith.constant 640 : i32
    %mul3A_16 = arith.muli %arg1, %mul3A_15 : i32
    %mul3A_17 = arith.constant 640 : i32
    %mul3A_18 = arith.muli %arg1, %mul3A_17 : i32
    "tpu.region"() ({
      %run_scoped3A = tpu.sem_alloc : memref<!tpu.dma_semaphore, #tpu.memory_space<semaphore_mem>>
      %dma_start3A = arith.constant 0 : i32
      %dma_start3A_19 = tpu.memref_slice %arg6[%arg0, %mul3A_18, %dma_start3A] : memref<2x10240x128xf32, #tpu.memory_space<hbm>> -> memref<1x640x128xf32, #tpu.memory_space<hbm>>
      %dma_start3A_20 = tpu.memref_squeeze %dma_start3A_19 : memref<1x640x128xf32, #tpu.memory_space<hbm>> -> memref<640x128xf32, #tpu.memory_space<hbm>>
      %dma_start3A_21 = arith.constant 0 : i32
      %dma_start3A_22 = tpu.memref_slice %arg7[%mul3A_16, %dma_start3A_21] : memref<10240x128xf32, #tpu.memory_space<vmem_shared>> -> memref<640x128xf32, #tpu.memory_space<vmem_shared>>
      tpu.enqueue_dma source(%dma_start3A_22 : memref<640x128xf32, #tpu.memory_space<vmem_shared>>) target(%dma_start3A_20 : memref<640x128xf32, #tpu.memory_space<hbm>>) target_semaphore(%run_scoped3A : memref<!tpu.dma_semaphore, #tpu.memory_space<semaphore_mem>>)
      %dma_wait3A = arith.constant 0 : i32
      %dma_wait3A_23 = tpu.memref_slice %arg6[%arg0, %mul3A_18, %dma_wait3A] : memref<2x10240x128xf32, #tpu.memory_space<hbm>> -> memref<1x640x128xf32, #tpu.memory_space<hbm>>
      %dma_wait3A_24 = tpu.memref_squeeze %dma_wait3A_23 : memref<1x640x128xf32, #tpu.memory_space<hbm>> -> memref<640x128xf32, #tpu.memory_space<hbm>>
      %dma_wait3A_25 = arith.constant 0 : i32
      %dma_wait3A_26 = tpu.memref_slice %arg7[%mul3A_16, %dma_wait3A_25] : memref<10240x128xf32, #tpu.memory_space<vmem_shared>> -> memref<640x128xf32, #tpu.memory_space<vmem_shared>>
      tpu.wait_dma2 semaphore(%run_scoped3A : memref<!tpu.dma_semaphore, #tpu.memory_space<semaphore_mem>>) src(%dma_wait3A_26 : memref<640x128xf32, #tpu.memory_space<vmem_shared>>) dst(%dma_wait3A_24 : memref<640x128xf32, #tpu.memory_space<hbm>>)
      tpu.yield
    }) : () -> ()
    return
  }
}

#map = affine_map<(d0, d1) -> (0, 0)>
#map1 = affine_map<(d0, d1) -> (0)>
#map2 = affine_map<(d0, d1) -> (0, 0, 0)>
module attributes {stable_mosaic.version = 14 : i64} {
  func.func @_spmm_sc(%arg0: i32, %arg1: i32, %arg2: memref<20480x128xf32, #tpu.memory_space<hbm>>, %arg3: memref<655360xi32, #tpu.memory_space<hbm>>, %arg4: memref<327680xi32, #tpu.memory_space<hbm>>, %arg5: memref<10240x128xf32, #tpu.memory_space<hbm>>, %arg6: memref<2x10240x128xf32, #tpu.memory_space<hbm>>, %arg7: memref<10240x128xf32, #tpu.memory_space<vmem_shared>>, %arg8: memref<128x128xf32, #tpu.memory_space<vmem>>, %arg9: memref<128xi32, #tpu.memory_space<vmem>>, %arg10: memref<128xi32, #tpu.memory_space<vmem>>, %arg11: memref<!tpu.dma_semaphore, #tpu.memory_space<semaphore_mem>>) attributes {dimension_semantics = [#tpu.dimension_semantics<core_parallel>, #tpu.dimension_semantics<subcore_parallel>], iteration_bounds = array<i64: 2, 16>, scalar_prefetch = 0 : i64, scratch_operands = 5 : i64, tpu.core_type = #tpu.core_type<sc_vector_subcore>, window_params = [{transform_indices = #map}, {transform_indices = #map1}, {transform_indices = #map1}, {transform_indices = #map}, {transform_indices = #map2}]} {
    %mul3A = arith.constant 640 : i32
    %mul3A_0 = arith.muli %arg1, %mul3A : i32
    %mul3A_1 = arith.constant 640 : i32
    %mul3A_2 = arith.muli %arg1, %mul3A_1 : i32
    "tpu.region"() ({
      %run_scoped3A = tpu.sem_alloc : memref<!tpu.dma_semaphore, #tpu.memory_space<semaphore_mem>>
      %dma_start3A = arith.constant 0 : i32
      %dma_start3A_19 = tpu.memref_slice %arg7[%mul3A_2, %dma_start3A] : memref<10240x128xf32, #tpu.memory_space<vmem_shared>> -> memref<640x128xf32, #tpu.memory_space<vmem_shared>>
      %dma_start3A_20 = arith.constant 0 : i32
      %dma_start3A_21 = tpu.memref_slice %arg5[%mul3A_0, %dma_start3A_20] : memref<10240x128xf32, #tpu.memory_space<hbm>> -> memref<640x128xf32, #tpu.memory_space<hbm>>
      tpu.enqueue_dma source(%dma_start3A_21 : memref<640x128xf32, #tpu.memory_space<hbm>>) target(%dma_start3A_19 : memref<640x128xf32, #tpu.memory_space<vmem_shared>>) target_semaphore(%run_scoped3A : memref<!tpu.dma_semaphore, #tpu.memory_space<semaphore_mem>>)
      %dma_wait3A = arith.constant 0 : i32
      %dma_wait3A_22 = tpu.memref_slice %arg7[%mul3A_2, %dma_wait3A] : memref<10240x128xf32, #tpu.memory_space<vmem_shared>> -> memref<640x128xf32, #tpu.memory_space<vmem_shared>>
      %dma_wait3A_23 = arith.constant 0 : i32
      %dma_wait3A_24 = tpu.memref_slice %arg5[%mul3A_0, %dma_wait3A_23] : memref<10240x128xf32, #tpu.memory_space<hbm>> -> memref<640x128xf32, #tpu.memory_space<hbm>>
      tpu.wait_dma2 semaphore(%run_scoped3A : memref<!tpu.dma_semaphore, #tpu.memory_space<semaphore_mem>>) src(%dma_wait3A_24 : memref<640x128xf32, #tpu.memory_space<hbm>>) dst(%dma_wait3A_22 : memref<640x128xf32, #tpu.memory_space<vmem_shared>>)
      tpu.yield
    }) : () -> ()
    %barrier3A = arith.constant 0 : index
    tpu.barrier barrier_id(%barrier3A)
    %mul3A_3 = arith.constant 327680 : i32
    %mul3A_4 = arith.muli %arg0, %mul3A_3 : i32
    %mul3A_5 = arith.constant 20480 : i32
    %mul3A_6 = arith.muli %arg1, %mul3A_5 : i32
    %add3A = arith.addi %mul3A_4, %mul3A_6 : i32
    %mul3A_7 = arith.constant 20480 : i32
    %mul3A_8 = arith.muli %arg1, %mul3A_7 : i32
    %scan3A = arith.constant 0 : i32
    %scan3A_9 = arith.constant 0 : i32
    %scan3A_10 = arith.constant 160 : i32
    %scan3A_11 = arith.addi %scan3A_9, %scan3A_10 : i32
    %scan3A_12 = arith.constant 1 : i32
    scf.for %scan3A_19 = %scan3A_9 to %scan3A_11 step %scan3A_12  : i32 {
      %mul3A_20 = arith.constant 128 : i32
      %mul3A_21 = arith.muli %scan3A_19, %mul3A_20 : i32
      %add3A_22 = arith.addi %add3A, %mul3A_21 : i32
      "tpu.region"() ({
        %run_scoped3A = tpu.sem_alloc : memref<!tpu.dma_semaphore, #tpu.memory_space<semaphore_mem>>
        %dma_start3A_28 = tpu.memref_slice %arg3[%add3A_22] : memref<655360xi32, #tpu.memory_space<hbm>> -> memref<128xi32, #tpu.memory_space<hbm>>
        %dma_start3A_29 = tpu.memref_slice %arg3[%add3A_22] : memref<655360xi32, #tpu.memory_space<hbm>> -> memref<128xi32, #tpu.memory_space<hbm>>
        tpu.enqueue_dma source(%dma_start3A_29 : memref<128xi32, #tpu.memory_space<hbm>>) target(%arg9 : memref<128xi32, #tpu.memory_space<vmem>>) target_semaphore(%run_scoped3A : memref<!tpu.dma_semaphore, #tpu.memory_space<semaphore_mem>>)
        %dma_wait3A_30 = tpu.memref_slice %arg3[%add3A_22] : memref<655360xi32, #tpu.memory_space<hbm>> -> memref<128xi32, #tpu.memory_space<hbm>>
        %dma_wait3A_31 = tpu.memref_slice %arg3[%add3A_22] : memref<655360xi32, #tpu.memory_space<hbm>> -> memref<128xi32, #tpu.memory_space<hbm>>
        tpu.wait_dma2 semaphore(%run_scoped3A : memref<!tpu.dma_semaphore, #tpu.memory_space<semaphore_mem>>) src(%dma_wait3A_31 : memref<128xi32, #tpu.memory_space<hbm>>) dst(%arg9 : memref<128xi32, #tpu.memory_space<vmem>>)
        tpu.yield
      }) : () -> ()
      %add3A_23 = arith.addi %mul3A_8, %mul3A_21 : i32
      "tpu.region"() ({
        %run_scoped3A = tpu.sem_alloc : memref<!tpu.dma_semaphore, #tpu.memory_space<semaphore_mem>>
        %dma_start3A_28 = tpu.memref_slice %arg4[%add3A_23] : memref<327680xi32, #tpu.memory_space<hbm>> -> memref<128xi32, #tpu.memory_space<hbm>>
        %dma_start3A_29 = tpu.memref_slice %arg4[%add3A_23] : memref<327680xi32, #tpu.memory_space<hbm>> -> memref<128xi32, #tpu.memory_space<hbm>>
        tpu.enqueue_dma source(%dma_start3A_29 : memref<128xi32, #tpu.memory_space<hbm>>) target(%arg10 : memref<128xi32, #tpu.memory_space<vmem>>) target_semaphore(%run_scoped3A : memref<!tpu.dma_semaphore, #tpu.memory_space<semaphore_mem>>)
        %dma_wait3A_30 = tpu.memref_slice %arg4[%add3A_23] : memref<327680xi32, #tpu.memory_space<hbm>> -> memref<128xi32, #tpu.memory_space<hbm>>
        %dma_wait3A_31 = tpu.memref_slice %arg4[%add3A_23] : memref<327680xi32, #tpu.memory_space<hbm>> -> memref<128xi32, #tpu.memory_space<hbm>>
        tpu.wait_dma2 semaphore(%run_scoped3A : memref<!tpu.dma_semaphore, #tpu.memory_space<semaphore_mem>>) src(%dma_wait3A_31 : memref<128xi32, #tpu.memory_space<hbm>>) dst(%arg10 : memref<128xi32, #tpu.memory_space<vmem>>)
        tpu.yield
      }) : () -> ()
      %dma_start3A = arith.constant 0 : i32
      %dma_start3A_24 = arith.constant 0 : i32
      %dma_start3A_25 = tpu.memref_slice %arg2[%dma_start3A, %dma_start3A_24] : memref<20480x128xf32, #tpu.memory_space<hbm>> -> memref<20480x128xf32, #tpu.memory_space<hbm>>
      tpu.enqueue_indirect_dma source(%dma_start3A_25 : memref<20480x128xf32, #tpu.memory_space<hbm>>) target(%arg8 : memref<128x128xf32, #tpu.memory_space<vmem>>) offsets(%arg9 : memref<128xi32, #tpu.memory_space<vmem>>) semaphore(%arg11 : memref<!tpu.dma_semaphore, #tpu.memory_space<semaphore_mem>>)
      %dma_wait3A = arith.constant 0 : i32
      %dma_wait3A_26 = arith.constant 0 : i32
      %dma_wait3A_27 = tpu.memref_slice %arg2[%dma_wait3A, %dma_wait3A_26] : memref<20480x128xf32, #tpu.memory_space<hbm>> -> memref<20480x128xf32, #tpu.memory_space<hbm>>
      tpu.wait_indirect_dma semaphore(%arg11 : memref<!tpu.dma_semaphore, #tpu.memory_space<semaphore_mem>>) src(%dma_wait3A_27 : memref<20480x128xf32, #tpu.memory_space<hbm>>) dst(%arg8 : memref<128x128xf32, #tpu.memory_space<vmem>>)
      "tpu.region"() ({
        %run_scoped3A = tpu.sem_alloc : memref<!tpu.dma_semaphore, #tpu.memory_space<semaphore_mem>>
        %dma_start3A_28 = arith.constant 0 : i32
        %dma_start3A_29 = arith.constant 0 : i32
        %dma_start3A_30 = tpu.memref_slice %arg7[%dma_start3A_28, %dma_start3A_29] : memref<10240x128xf32, #tpu.memory_space<vmem_shared>> -> memref<10240x128xf32, #tpu.memory_space<vmem_shared>>
        tpu.enqueue_indirect_dma source(%arg8 : memref<128x128xf32, #tpu.memory_space<vmem>>) target(%dma_start3A_30 : memref<10240x128xf32, #tpu.memory_space<vmem_shared>>) offsets(%arg10 : memref<128xi32, #tpu.memory_space<vmem>>) semaphore(%run_scoped3A : memref<!tpu.dma_semaphore, #tpu.memory_space<semaphore_mem>>) {add = true}
        %dma_wait3A_31 = arith.constant 0 : i32
        %dma_wait3A_32 = arith.constant 0 : i32
        %dma_wait3A_33 = tpu.memref_slice %arg7[%dma_wait3A_31, %dma_wait3A_32] : memref<10240x128xf32, #tpu.memory_space<vmem_shared>> -> memref<10240x128xf32, #tpu.memory_space<vmem_shared>>
        tpu.wait_indirect_dma semaphore(%run_scoped3A : memref<!tpu.dma_semaphore, #tpu.memory_space<semaphore_mem>>) src(%arg8 : memref<128x128xf32, #tpu.memory_space<vmem>>) dst(%dma_wait3A_33 : memref<10240x128xf32, #tpu.memory_space<vmem_shared>>)
        tpu.yield
      }) : () -> ()
    }
    %scan3A_13 = arith.constant 160 : i32
    %barrier3A_14 = arith.constant 0 : index
    tpu.barrier barrier_id(%barrier3A_14)
    %mul3A_15 = arith.constant 640 : i32
    %mul3A_16 = arith.muli %arg1, %mul3A_15 : i32
    %mul3A_17 = arith.constant 640 : i32
    %mul3A_18 = arith.muli %arg1, %mul3A_17 : i32
    "tpu.region"() ({
      %run_scoped3A = tpu.sem_alloc : memref<!tpu.dma_semaphore, #tpu.memory_space<semaphore_mem>>
      %dma_start3A = arith.constant 0 : i32
      %dma_start3A_19 = tpu.memref_slice %arg6[%arg0, %mul3A_18, %dma_start3A] : memref<2x10240x128xf32, #tpu.memory_space<hbm>> -> memref<1x640x128xf32, #tpu.memory_space<hbm>>
      %dma_start3A_20 = tpu.memref_squeeze %dma_start3A_19 : memref<1x640x128xf32, #tpu.memory_space<hbm>> -> memref<640x128xf32, #tpu.memory_space<hbm>>
      %dma_start3A_21 = arith.constant 0 : i32
      %dma_start3A_22 = tpu.memref_slice %arg7[%mul3A_16, %dma_start3A_21] : memref<10240x128xf32, #tpu.memory_space<vmem_shared>> -> memref<640x128xf32, #tpu.memory_space<vmem_shared>>
      tpu.enqueue_dma source(%dma_start3A_22 : memref<640x128xf32, #tpu.memory_space<vmem_shared>>) target(%dma_start3A_20 : memref<640x128xf32, #tpu.memory_space<hbm>>) target_semaphore(%run_scoped3A : memref<!tpu.dma_semaphore, #tpu.memory_space<semaphore_mem>>)
      %dma_wait3A = arith.constant 0 : i32
      %dma_wait3A_23 = tpu.memref_slice %arg6[%arg0, %mul3A_18, %dma_wait3A] : memref<2x10240x128xf32, #tpu.memory_space<hbm>> -> memref<1x640x128xf32, #tpu.memory_space<hbm>>
      %dma_wait3A_24 = tpu.memref_squeeze %dma_wait3A_23 : memref<1x640x128xf32, #tpu.memory_space<hbm>> -> memref<640x128xf32, #tpu.memory_space<hbm>>
      %dma_wait3A_25 = arith.constant 0 : i32
      %dma_wait3A_26 = tpu.memref_slice %arg7[%mul3A_16, %dma_wait3A_25] : memref<10240x128xf32, #tpu.memory_space<vmem_shared>> -> memref<640x128xf32, #tpu.memory_space<vmem_shared>>
      tpu.wait_dma2 semaphore(%run_scoped3A : memref<!tpu.dma_semaphore, #tpu.memory_space<semaphore_mem>>) src(%dma_wait3A_26 : memref<640x128xf32, #tpu.memory_space<vmem_shared>>) dst(%dma_wait3A_24 : memref<640x128xf32, #tpu.memory_space<hbm>>)
      tpu.yield
    }) : () -> ()
    return
  }
}

#map = affine_map<(d0, d1) -> (0, 0)>
#map1 = affine_map<(d0, d1) -> (0)>
#map2 = affine_map<(d0, d1) -> (0, 0, 0)>
module attributes {stable_mosaic.version = 14 : i64} {
  func.func @_spmm_sc(%arg0: i32, %arg1: i32, %arg2: memref<20480x128xf32, #tpu.memory_space<hbm>>, %arg3: memref<655360xi32, #tpu.memory_space<hbm>>, %arg4: memref<327680xi32, #tpu.memory_space<hbm>>, %arg5: memref<10240x128xf32, #tpu.memory_space<hbm>>, %arg6: memref<2x10240x128xf32, #tpu.memory_space<hbm>>, %arg7: memref<10240x128xf32, #tpu.memory_space<vmem_shared>>, %arg8: memref<128x128xf32, #tpu.memory_space<vmem>>, %arg9: memref<128xi32, #tpu.memory_space<vmem>>, %arg10: memref<128xi32, #tpu.memory_space<vmem>>, %arg11: memref<!tpu.dma_semaphore, #tpu.memory_space<semaphore_mem>>) attributes {dimension_semantics = [#tpu.dimension_semantics<core_parallel>, #tpu.dimension_semantics<subcore_parallel>], iteration_bounds = array<i64: 2, 16>, scalar_prefetch = 0 : i64, scratch_operands = 5 : i64, tpu.core_type = #tpu.core_type<sc_vector_subcore>, window_params = [{transform_indices = #map}, {transform_indices = #map1}, {transform_indices = #map1}, {transform_indices = #map}, {transform_indices = #map2}]} {
    %mul3A = arith.constant 640 : i32
    %mul3A_0 = arith.muli %arg1, %mul3A : i32
    %mul3A_1 = arith.constant 640 : i32
    %mul3A_2 = arith.muli %arg1, %mul3A_1 : i32
    "tpu.region"() ({
      %run_scoped3A = tpu.sem_alloc : memref<!tpu.dma_semaphore, #tpu.memory_space<semaphore_mem>>
      %dma_start3A = arith.constant 0 : i32
      %dma_start3A_19 = tpu.memref_slice %arg7[%mul3A_2, %dma_start3A] : memref<10240x128xf32, #tpu.memory_space<vmem_shared>> -> memref<640x128xf32, #tpu.memory_space<vmem_shared>>
      %dma_start3A_20 = arith.constant 0 : i32
      %dma_start3A_21 = tpu.memref_slice %arg5[%mul3A_0, %dma_start3A_20] : memref<10240x128xf32, #tpu.memory_space<hbm>> -> memref<640x128xf32, #tpu.memory_space<hbm>>
      tpu.enqueue_dma source(%dma_start3A_21 : memref<640x128xf32, #tpu.memory_space<hbm>>) target(%dma_start3A_19 : memref<640x128xf32, #tpu.memory_space<vmem_shared>>) target_semaphore(%run_scoped3A : memref<!tpu.dma_semaphore, #tpu.memory_space<semaphore_mem>>)
      %dma_wait3A = arith.constant 0 : i32
      %dma_wait3A_22 = tpu.memref_slice %arg7[%mul3A_2, %dma_wait3A] : memref<10240x128xf32, #tpu.memory_space<vmem_shared>> -> memref<640x128xf32, #tpu.memory_space<vmem_shared>>
      %dma_wait3A_23 = arith.constant 0 : i32
      %dma_wait3A_24 = tpu.memref_slice %arg5[%mul3A_0, %dma_wait3A_23] : memref<10240x128xf32, #tpu.memory_space<hbm>> -> memref<640x128xf32, #tpu.memory_space<hbm>>
      tpu.wait_dma2 semaphore(%run_scoped3A : memref<!tpu.dma_semaphore, #tpu.memory_space<semaphore_mem>>) src(%dma_wait3A_24 : memref<640x128xf32, #tpu.memory_space<hbm>>) dst(%dma_wait3A_22 : memref<640x128xf32, #tpu.memory_space<vmem_shared>>)
      tpu.yield
    }) : () -> ()
    %barrier3A = arith.constant 0 : index
    tpu.barrier barrier_id(%barrier3A)
    %mul3A_3 = arith.constant 327680 : i32
    %mul3A_4 = arith.muli %arg0, %mul3A_3 : i32
    %mul3A_5 = arith.constant 20480 : i32
    %mul3A_6 = arith.muli %arg1, %mul3A_5 : i32
    %add3A = arith.addi %mul3A_4, %mul3A_6 : i32
    %mul3A_7 = arith.constant 20480 : i32
    %mul3A_8 = arith.muli %arg1, %mul3A_7 : i32
    %scan3A = arith.constant 0 : i32
    %scan3A_9 = arith.constant 0 : i32
    %scan3A_10 = arith.constant 160 : i32
    %scan3A_11 = arith.addi %scan3A_9, %scan3A_10 : i32
    %scan3A_12 = arith.constant 1 : i32
    scf.for %scan3A_19 = %scan3A_9 to %scan3A_11 step %scan3A_12  : i32 {
      %mul3A_20 = arith.constant 128 : i32
      %mul3A_21 = arith.muli %scan3A_19, %mul3A_20 : i32
      %add3A_22 = arith.addi %add3A, %mul3A_21 : i32
      "tpu.region"() ({
        %run_scoped3A = tpu.sem_alloc : memref<!tpu.dma_semaphore, #tpu.memory_space<semaphore_mem>>
        %dma_start3A_28 = tpu.memref_slice %arg3[%add3A_22] : memref<655360xi32, #tpu.memory_space<hbm>> -> memref<128xi32, #tpu.memory_space<hbm>>
        %dma_start3A_29 = tpu.memref_slice %arg3[%add3A_22] : memref<655360xi32, #tpu.memory_space<hbm>> -> memref<128xi32, #tpu.memory_space<hbm>>
        tpu.enqueue_dma source(%dma_start3A_29 : memref<128xi32, #tpu.memory_space<hbm>>) target(%arg9 : memref<128xi32, #tpu.memory_space<vmem>>) target_semaphore(%run_scoped3A : memref<!tpu.dma_semaphore, #tpu.memory_space<semaphore_mem>>)
        %dma_wait3A_30 = tpu.memref_slice %arg3[%add3A_22] : memref<655360xi32, #tpu.memory_space<hbm>> -> memref<128xi32, #tpu.memory_space<hbm>>
        %dma_wait3A_31 = tpu.memref_slice %arg3[%add3A_22] : memref<655360xi32, #tpu.memory_space<hbm>> -> memref<128xi32, #tpu.memory_space<hbm>>
        tpu.wait_dma2 semaphore(%run_scoped3A : memref<!tpu.dma_semaphore, #tpu.memory_space<semaphore_mem>>) src(%dma_wait3A_31 : memref<128xi32, #tpu.memory_space<hbm>>) dst(%arg9 : memref<128xi32, #tpu.memory_space<vmem>>)
        tpu.yield
      }) : () -> ()
      %add3A_23 = arith.addi %mul3A_8, %mul3A_21 : i32
      "tpu.region"() ({
        %run_scoped3A = tpu.sem_alloc : memref<!tpu.dma_semaphore, #tpu.memory_space<semaphore_mem>>
        %dma_start3A_28 = tpu.memref_slice %arg4[%add3A_23] : memref<327680xi32, #tpu.memory_space<hbm>> -> memref<128xi32, #tpu.memory_space<hbm>>
        %dma_start3A_29 = tpu.memref_slice %arg4[%add3A_23] : memref<327680xi32, #tpu.memory_space<hbm>> -> memref<128xi32, #tpu.memory_space<hbm>>
        tpu.enqueue_dma source(%dma_start3A_29 : memref<128xi32, #tpu.memory_space<hbm>>) target(%arg10 : memref<128xi32, #tpu.memory_space<vmem>>) target_semaphore(%run_scoped3A : memref<!tpu.dma_semaphore, #tpu.memory_space<semaphore_mem>>)
        %dma_wait3A_30 = tpu.memref_slice %arg4[%add3A_23] : memref<327680xi32, #tpu.memory_space<hbm>> -> memref<128xi32, #tpu.memory_space<hbm>>
        %dma_wait3A_31 = tpu.memref_slice %arg4[%add3A_23] : memref<327680xi32, #tpu.memory_space<hbm>> -> memref<128xi32, #tpu.memory_space<hbm>>
        tpu.wait_dma2 semaphore(%run_scoped3A : memref<!tpu.dma_semaphore, #tpu.memory_space<semaphore_mem>>) src(%dma_wait3A_31 : memref<128xi32, #tpu.memory_space<hbm>>) dst(%arg10 : memref<128xi32, #tpu.memory_space<vmem>>)
        tpu.yield
      }) : () -> ()
      %dma_start3A = arith.constant 0 : i32
      %dma_start3A_24 = arith.constant 0 : i32
      %dma_start3A_25 = tpu.memref_slice %arg2[%dma_start3A, %dma_start3A_24] : memref<20480x128xf32, #tpu.memory_space<hbm>> -> memref<20480x128xf32, #tpu.memory_space<hbm>>
      tpu.enqueue_indirect_dma source(%dma_start3A_25 : memref<20480x128xf32, #tpu.memory_space<hbm>>) target(%arg8 : memref<128x128xf32, #tpu.memory_space<vmem>>) offsets(%arg9 : memref<128xi32, #tpu.memory_space<vmem>>) semaphore(%arg11 : memref<!tpu.dma_semaphore, #tpu.memory_space<semaphore_mem>>)
      %dma_wait3A = arith.constant 0 : i32
      %dma_wait3A_26 = arith.constant 0 : i32
      %dma_wait3A_27 = tpu.memref_slice %arg2[%dma_wait3A, %dma_wait3A_26] : memref<20480x128xf32, #tpu.memory_space<hbm>> -> memref<20480x128xf32, #tpu.memory_space<hbm>>
      tpu.wait_indirect_dma semaphore(%arg11 : memref<!tpu.dma_semaphore, #tpu.memory_space<semaphore_mem>>) src(%dma_wait3A_27 : memref<20480x128xf32, #tpu.memory_space<hbm>>) dst(%arg8 : memref<128x128xf32, #tpu.memory_space<vmem>>)
      "tpu.region"() ({
        %run_scoped3A = tpu.sem_alloc : memref<!tpu.dma_semaphore, #tpu.memory_space<semaphore_mem>>
        %dma_start3A_28 = arith.constant 0 : i32
        %dma_start3A_29 = arith.constant 0 : i32
        %dma_start3A_30 = tpu.memref_slice %arg7[%dma_start3A_28, %dma_start3A_29] : memref<10240x128xf32, #tpu.memory_space<vmem_shared>> -> memref<10240x128xf32, #tpu.memory_space<vmem_shared>>
        tpu.enqueue_indirect_dma source(%arg8 : memref<128x128xf32, #tpu.memory_space<vmem>>) target(%dma_start3A_30 : memref<10240x128xf32, #tpu.memory_space<vmem_shared>>) offsets(%arg10 : memref<128xi32, #tpu.memory_space<vmem>>) semaphore(%run_scoped3A : memref<!tpu.dma_semaphore, #tpu.memory_space<semaphore_mem>>) {add = true}
        %dma_wait3A_31 = arith.constant 0 : i32
        %dma_wait3A_32 = arith.constant 0 : i32
        %dma_wait3A_33 = tpu.memref_slice %arg7[%dma_wait3A_31, %dma_wait3A_32] : memref<10240x128xf32, #tpu.memory_space<vmem_shared>> -> memref<10240x128xf32, #tpu.memory_space<vmem_shared>>
        tpu.wait_indirect_dma semaphore(%run_scoped3A : memref<!tpu.dma_semaphore, #tpu.memory_space<semaphore_mem>>) src(%arg8 : memref<128x128xf32, #tpu.memory_space<vmem>>) dst(%dma_wait3A_33 : memref<10240x128xf32, #tpu.memory_space<vmem_shared>>)
        tpu.yield
      }) : () -> ()
    }
    %scan3A_13 = arith.constant 160 : i32
    %barrier3A_14 = arith.constant 0 : index
    tpu.barrier barrier_id(%barrier3A_14)
    %mul3A_15 = arith.constant 640 : i32
    %mul3A_16 = arith.muli %arg1, %mul3A_15 : i32
    %mul3A_17 = arith.constant 640 : i32
    %mul3A_18 = arith.muli %arg1, %mul3A_17 : i32
    "tpu.region"() ({
      %run_scoped3A = tpu.sem_alloc : memref<!tpu.dma_semaphore, #tpu.memory_space<semaphore_mem>>
      %dma_start3A = arith.constant 0 : i32
      %dma_start3A_19 = tpu.memref_slice %arg6[%arg0, %mul3A_18, %dma_start3A] : memref<2x10240x128xf32, #tpu.memory_space<hbm>> -> memref<1x640x128xf32, #tpu.memory_space<hbm>>
      %dma_start3A_20 = tpu.memref_squeeze %dma_start3A_19 : memref<1x640x128xf32, #tpu.memory_space<hbm>> -> memref<640x128xf32, #tpu.memory_space<hbm>>
      %dma_start3A_21 = arith.constant 0 : i32
      %dma_start3A_22 = tpu.memref_slice %arg7[%mul3A_16, %dma_start3A_21] : memref<10240x128xf32, #tpu.memory_space<vmem_shared>> -> memref<640x128xf32, #tpu.memory_space<vmem_shared>>
      tpu.enqueue_dma source(%dma_start3A_22 : memref<640x128xf32, #tpu.memory_space<vmem_shared>>) target(%dma_start3A_20 : memref<640x128xf32, #tpu.memory_space<hbm>>) target_semaphore(%run_scoped3A : memref<!tpu.dma_semaphore, #tpu.memory_space<semaphore_mem>>)
      %dma_wait3A = arith.constant 0 : i32
      %dma_wait3A_23 = tpu.memref_slice %arg6[%arg0, %mul3A_18, %dma_wait3A] : memref<2x10240x128xf32, #tpu.memory_space<hbm>> -> memref<1x640x128xf32, #tpu.memory_space<hbm>>
      %dma_wait3A_24 = tpu.memref_squeeze %dma_wait3A_23 : memref<1x640x128xf32, #tpu.memory_space<hbm>> -> memref<640x128xf32, #tpu.memory_space<hbm>>
      %dma_wait3A_25 = arith.constant 0 : i32
      %dma_wait3A_26 = tpu.memref_slice %arg7[%mul3A_16, %dma_wait3A_25] : memref<10240x128xf32, #tpu.memory_space<vmem_shared>> -> memref<640x128xf32, #tpu.memory_space<vmem_shared>>
      tpu.wait_dma2 semaphore(%run_scoped3A : memref<!tpu.dma_semaphore, #tpu.memory_space<semaphore_mem>>) src(%dma_wait3A_26 : memref<640x128xf32, #tpu.memory_space<vmem_shared>>) dst(%dma_wait3A_24 : memref<640x128xf32, #tpu.memory_space<hbm>>)
      tpu.yield
    }) : () -> ()
    return
  }
}

module attributes {stable_mosaic.version = 14 : i64} {
  func.func @_pre_body(%arg0: i32, %arg1: memref<1024x128xf32, #tpu.memory_space<vmem>>, %arg2: memref<128x256xf32, #tpu.memory_space<vmem>>, %arg3: memref<8x256xf32, #tpu.memory_space<vmem>>, %arg4: memref<2x1024x128xf32, #tpu.memory_space<vmem>>, %arg5: memref<1024x256xf32, #tpu.memory_space<vmem>>, %arg6: memref<2x1024x128xf32, #tpu.memory_space<vmem>>, %arg7: memref<1024x128xf32, #tpu.memory_space<vmem>>) attributes {dimension_semantics = [#tpu.dimension_semantics<arbitrary>], iteration_bounds = array<i64: 10>, scalar_prefetch = 0 : i64, scratch_operands = 0 : i64, tpu.core_type = #tpu.core_type<tc>, window_params = [{transform_indices = @transform_0, window_bounds = array<i64: 1024, 128>}, {pipeline_mode = #tpu.pipeline_mode<synchronous>, transform_indices = @transform_1, window_bounds = array<i64: 128, 256>}, {pipeline_mode = #tpu.pipeline_mode<synchronous>, transform_indices = @transform_2, window_bounds = array<i64: 8, 256>}, {transform_indices = @transform_3, window_bounds = array<i64: 2, 1024, 128>}, {transform_indices = @transform_4, window_bounds = array<i64: 1024, 256>}, {transform_indices = @transform_5, window_bounds = array<i64: 2, 1024, 128>}, {transform_indices = @transform_6, window_bounds = array<i64: 1024, 128>}]} {
    %get3A = arith.constant 0 : index
    %get3A_0 = arith.constant 0 : index
    %get3A_1 = vector.load %arg1[%get3A, %get3A_0] : memref<1024x128xf32, #tpu.memory_space<vmem>>, vector<1024x128xf32>
    %get3A_2 = arith.constant 0 : index
    %get3A_3 = arith.constant 0 : index
    %get3A_4 = vector.load %arg2[%get3A_2, %get3A_3] : memref<128x256xf32, #tpu.memory_space<vmem>>, vector<128x256xf32>
    %dot_general3A = arith.constant dense<0.000000e+00> : vector<1024x256xf32>
    %dot_general3A_5 = tpu.matmul %get3A_1, %get3A_4, %dot_general3A {dimension_numbers = #tpu.dot_dimension_numbers<[1], [0], [0], [1], [0, 0, 1, 1], [], []>, transpose_lhs_hint = false} : vector<1024x128xf32>, vector<128x256xf32>, vector<1024x256xf32> -> vector<1024x256xf32>
    %get3A_6 = arith.constant 0 : index
    %get3A_7 = arith.constant 0 : index
    %get3A_8 = vector.load %arg3[%get3A_6, %get3A_7] : memref<8x256xf32, #tpu.memory_space<vmem>>, vector<1x256xf32>
    %add3A = vector.broadcast %get3A_8 : vector<1x256xf32> to vector<1024x256xf32>
    %add3A_9 = arith.addf %dot_general3A_5, %add3A : vector<1024x256xf32>
    %max3A = arith.constant 0.000000e+00 : f32
    %max3A_10 = vector.broadcast %max3A : f32 to vector<1024x256xf32>
    %max3A_11 = arith.maximumf %add3A_9, %max3A_10 : vector<1024x256xf32>
    %get3A_12 = arith.constant 0 : index
    %get3A_13 = arith.constant 0 : index
    %get3A_14 = arith.constant 0 : index
    %get3A_15 = vector.load %arg4[%get3A_12, %get3A_13, %get3A_14] : memref<2x1024x128xf32, #tpu.memory_space<vmem>>, vector<1x1024x128xf32>
    %get3A_16 = vector.shape_cast %get3A_15 : vector<1x1024x128xf32> to vector<1024x128xf32>
    %slice3A = vector.extract_strided_slice %get3A_16 {offsets = [0, 0], sizes = [1024, 1], strides = [1, 1]} : vector<1024x128xf32> to vector<1024x1xf32>
    %add3A_17 = arith.constant 1.000000e+00 : f32
    %add3A_18 = vector.broadcast %add3A_17 : f32 to vector<1024x1xf32>
    %add3A_19 = arith.addf %add3A_18, %slice3A : vector<1024x1xf32>
    %rsqrt3A = math.rsqrt %add3A_19 : vector<1024x1xf32>
    %mul3A = arith.constant 1.000000e-01 : f32
    %mul3A_20 = vector.broadcast %mul3A : f32 to vector<1024x256xf32>
    %mul3A_21 = arith.mulf %mul3A_20, %max3A_11 : vector<1024x256xf32>
    %swap3A = arith.constant 0 : index
    %swap3A_22 = arith.constant 0 : index
    %swap3A_23 = vector.load %arg5[%swap3A, %swap3A_22] : memref<1024x256xf32, #tpu.memory_space<vmem>>, vector<1024x256xf32>
    tpu.vector_store %arg5[%swap3A, %swap3A_22], %mul3A_21 {strides = array<i32>} : memref<1024x256xf32, #tpu.memory_space<vmem>>, vector<1024x256xf32>,
    %mul3A_24 = vector.broadcast %rsqrt3A : vector<1024x1xf32> to vector<1024x256xf32>
    %mul3A_25 = arith.mulf %mul3A_24, %max3A_11 : vector<1024x256xf32>
    %slice3A_26 = vector.extract_strided_slice %mul3A_25 {offsets = [0, 0], sizes = [1024, 128], strides = [1, 1]} : vector<1024x256xf32> to vector<1024x128xf32>
    %slice3A_27 = vector.extract_strided_slice %mul3A_25 {offsets = [0, 128], sizes = [1024, 128], strides = [1, 1]} : vector<1024x256xf32> to vector<1024x128xf32>
    %stack3A = vector.shape_cast %slice3A_26 : vector<1024x128xf32> to vector<1x1024x128xf32>
    %stack3A_28 = vector.shape_cast %slice3A_27 : vector<1024x128xf32> to vector<1x1024x128xf32>
    %stack3A_29 = tpu.concatenate %stack3A, %stack3A_28 in 0 : vector<1x1024x128xf32>, vector<1x1024x128xf32> -> vector<2x1024x128xf32>
    %swap3A_30 = arith.constant 0 : index
    %swap3A_31 = arith.constant 0 : index
    %swap3A_32 = arith.constant 0 : index
    %swap3A_33 = vector.load %arg6[%swap3A_30, %swap3A_31, %swap3A_32] : memref<2x1024x128xf32, #tpu.memory_space<vmem>>, vector<2x1024x128xf32>
    tpu.vector_store %arg6[%swap3A_30, %swap3A_31, %swap3A_32], %stack3A_29 {strides = array<i32>} : memref<2x1024x128xf32, #tpu.memory_space<vmem>>, vector<2x1024x128xf32>,
    %broadcast_in_dim3A = vector.shape_cast %rsqrt3A : vector<1024x1xf32> to vector<1024x1xf32>
    %broadcast_in_dim3A_34 = vector.broadcast %broadcast_in_dim3A : vector<1024x1xf32> to vector<1024x128xf32>
    %swap3A_35 = arith.constant 0 : index
    %swap3A_36 = arith.constant 0 : index
    %swap3A_37 = vector.load %arg7[%swap3A_35, %swap3A_36] : memref<1024x128xf32, #tpu.memory_space<vmem>>, vector<1024x128xf32>
    tpu.vector_store %arg7[%swap3A_35, %swap3A_36], %broadcast_in_dim3A_34 {strides = array<i32>} : memref<1024x128xf32, #tpu.memory_space<vmem>>, vector<1024x128xf32>,
    return
  }
  func.func @transform_0(%arg0: i32) -> (i32, i32) {
    %c0_i32 = arith.constant 0 : i32
    %c0_i32_0 = arith.constant 0 : i32
    return %arg0, %c0_i32 : i32, i32
  }
  func.func @transform_1(%arg0: i32) -> (i32, i32) {
    %c0_i32 = arith.constant 0 : i32
    %c0_i32_0 = arith.constant 0 : i32
    %c0_i32_1 = arith.constant 0 : i32
    return %c0_i32, %c0_i32_0 : i32, i32
  }
  func.func @transform_2(%arg0: i32) -> (i32, i32) {
    %c0_i32 = arith.constant 0 : i32
    %c0_i32_0 = arith.constant 0 : i32
    %c0_i32_1 = arith.constant 0 : i32
    return %c0_i32, %c0_i32_0 : i32, i32
  }
  func.func @transform_3(%arg0: i32) -> (i32, i32, i32) {
    %c0_i32 = arith.constant 0 : i32
    %c0_i32_0 = arith.constant 0 : i32
    %c0_i32_1 = arith.constant 0 : i32
    return %c0_i32, %arg0, %c0_i32_0 : i32, i32, i32
  }
  func.func @transform_4(%arg0: i32) -> (i32, i32) {
    %c0_i32 = arith.constant 0 : i32
    %c0_i32_0 = arith.constant 0 : i32
    return %arg0, %c0_i32 : i32, i32
  }
  func.func @transform_5(%arg0: i32) -> (i32, i32, i32) {
    %c0_i32 = arith.constant 0 : i32
    %c0_i32_0 = arith.constant 0 : i32
    %c0_i32_1 = arith.constant 0 : i32
    return %c0_i32, %arg0, %c0_i32_0 : i32, i32, i32
  }
  func.func @transform_6(%arg0: i32) -> (i32, i32) {
    %c0_i32 = arith.constant 0 : i32
    %c0_i32_0 = arith.constant 0 : i32
    return %arg0, %c0_i32 : i32, i32
  }
}

module attributes {stable_mosaic.version = 14 : i64} {
  func.func @_layer_body(%arg0: i32, %arg1: memref<2x1024x128xf32, #tpu.memory_space<vmem>>, %arg2: memref<2x1024x128xf32, #tpu.memory_space<vmem>>, %arg3: memref<1024x256xf32, #tpu.memory_space<vmem>>, %arg4: memref<1024x128xf32, #tpu.memory_space<vmem>>, %arg5: memref<256x256xf32, #tpu.memory_space<vmem>>, %arg6: memref<8x256xf32, #tpu.memory_space<vmem>>, %arg7: memref<2x1024x128xf32, #tpu.memory_space<vmem>>) attributes {dimension_semantics = [#tpu.dimension_semantics<arbitrary>], iteration_bounds = array<i64: 10>, scalar_prefetch = 0 : i64, scratch_operands = 0 : i64, tpu.core_type = #tpu.core_type<tc>, window_params = [{transform_indices = @transform_0, window_bounds = array<i64: 2, 1024, 128>}, {transform_indices = @transform_1, window_bounds = array<i64: 2, 1024, 128>}, {transform_indices = @transform_2, window_bounds = array<i64: 1024, 256>}, {transform_indices = @transform_3, window_bounds = array<i64: 1024, 128>}, {pipeline_mode = #tpu.pipeline_mode<synchronous>, transform_indices = @transform_4, window_bounds = array<i64: 256, 256>}, {pipeline_mode = #tpu.pipeline_mode<synchronous>, transform_indices = @transform_5, window_bounds = array<i64: 8, 256>}, {transform_indices = @transform_6, window_bounds = array<i64: 2, 1024, 128>}]} {
    %get3A = arith.constant 0 : index
    %get3A_0 = arith.constant 0 : index
    %get3A_1 = vector.load %arg4[%get3A, %get3A_0] : memref<1024x128xf32, #tpu.memory_space<vmem>>, vector<1024x128xf32>
    %get3A_2 = arith.constant 0 : index
    %get3A_3 = arith.constant 0 : index
    %get3A_4 = vector.load %arg3[%get3A_2, %get3A_3] : memref<1024x256xf32, #tpu.memory_space<vmem>>, vector<1024x256xf32>
    %mul3A = arith.constant 0.899999976 : f32
    %mul3A_5 = vector.broadcast %mul3A : f32 to vector<1024x128xf32>
    %mul3A_6 = arith.mulf %mul3A_5, %get3A_1 : vector<1024x128xf32>
    %get3A_7 = arith.constant 0 : index
    %get3A_8 = arith.constant 0 : index
    %get3A_9 = arith.constant 0 : index
    %get3A_10 = vector.load %arg1[%get3A_7, %get3A_8, %get3A_9] : memref<2x1024x128xf32, #tpu.memory_space<vmem>>, vector<1x1024x128xf32>
    %get3A_11 = vector.shape_cast %get3A_10 : vector<1x1024x128xf32> to vector<1024x128xf32>
    %get3A_12 = arith.constant 0 : index
    %get3A_13 = arith.constant 0 : index
    %get3A_14 = arith.constant 0 : index
    %get3A_15 = vector.load %arg2[%get3A_12, %get3A_13, %get3A_14] : memref<2x1024x128xf32, #tpu.memory_space<vmem>>, vector<1x1024x128xf32>
    %get3A_16 = vector.shape_cast %get3A_15 : vector<1x1024x128xf32> to vector<1024x128xf32>
    %add3A = arith.addf %get3A_11, %get3A_16 : vector<1024x128xf32>
    %mul3A_17 = arith.mulf %mul3A_6, %add3A : vector<1024x128xf32>
    %slice3A = vector.extract_strided_slice %get3A_4 {offsets = [0, 0], sizes = [1024, 128], strides = [1, 1]} : vector<1024x256xf32> to vector<1024x128xf32>
    %add3A_18 = arith.addf %mul3A_17, %slice3A : vector<1024x128xf32>
    %mul3A_19 = arith.constant 0.899999976 : f32
    %mul3A_20 = vector.broadcast %mul3A_19 : f32 to vector<1024x128xf32>
    %mul3A_21 = arith.mulf %mul3A_20, %get3A_1 : vector<1024x128xf32>
    %get3A_22 = arith.constant 1 : index
    %get3A_23 = arith.constant 0 : index
    %get3A_24 = arith.constant 0 : index
    %get3A_25 = vector.load %arg1[%get3A_22, %get3A_23, %get3A_24] : memref<2x1024x128xf32, #tpu.memory_space<vmem>>, vector<1x1024x128xf32>
    %get3A_26 = vector.shape_cast %get3A_25 : vector<1x1024x128xf32> to vector<1024x128xf32>
    %get3A_27 = arith.constant 1 : index
    %get3A_28 = arith.constant 0 : index
    %get3A_29 = arith.constant 0 : index
    %get3A_30 = vector.load %arg2[%get3A_27, %get3A_28, %get3A_29] : memref<2x1024x128xf32, #tpu.memory_space<vmem>>, vector<1x1024x128xf32>
    %get3A_31 = vector.shape_cast %get3A_30 : vector<1x1024x128xf32> to vector<1024x128xf32>
    %add3A_32 = arith.addf %get3A_26, %get3A_31 : vector<1024x128xf32>
    %mul3A_33 = arith.mulf %mul3A_21, %add3A_32 : vector<1024x128xf32>
    %slice3A_34 = vector.extract_strided_slice %get3A_4 {offsets = [0, 128], sizes = [1024, 128], strides = [1, 1]} : vector<1024x256xf32> to vector<1024x128xf32>
    %add3A_35 = arith.addf %mul3A_33, %slice3A_34 : vector<1024x128xf32>
    %concatenate3A = tpu.concatenate %add3A_18, %add3A_35 in 1 : vector<1024x128xf32>, vector<1024x128xf32> -> vector<1024x256xf32>
    %get3A_36 = arith.constant 0 : index
    %get3A_37 = arith.constant 0 : index
    %get3A_38 = vector.load %arg6[%get3A_36, %get3A_37] : memref<8x256xf32, #tpu.memory_space<vmem>>, vector<1x256xf32>
    %mul3A_39 = vector.broadcast %get3A_38 : vector<1x256xf32> to vector<1024x256xf32>
    %mul3A_40 = arith.mulf %concatenate3A, %mul3A_39 : vector<1024x256xf32>
    %get3A_41 = arith.constant 0 : index
    %get3A_42 = arith.constant 0 : index
    %get3A_43 = vector.load %arg5[%get3A_41, %get3A_42] : memref<256x256xf32, #tpu.memory_space<vmem>>, vector<256x256xf32>
    %dot_general3A = arith.constant dense<0.000000e+00> : vector<1024x256xf32>
    %dot_general3A_44 = tpu.matmul %concatenate3A, %get3A_43, %dot_general3A {dimension_numbers = #tpu.dot_dimension_numbers<[1], [0], [0], [1], [0, 0, 1, 1], [], []>, transpose_lhs_hint = false} : vector<1024x256xf32>, vector<256x256xf32>, vector<1024x256xf32> -> vector<1024x256xf32>
    %add3A_45 = arith.addf %mul3A_40, %dot_general3A_44 : vector<1024x256xf32>
    %get3A_46 = arith.constant 1 : index
    %get3A_47 = arith.constant 0 : index
    %get3A_48 = vector.load %arg6[%get3A_46, %get3A_47] : memref<8x256xf32, #tpu.memory_space<vmem>>, vector<1x256xf32>
    %add3A_49 = vector.broadcast %get3A_48 : vector<1x256xf32> to vector<1024x256xf32>
    %add3A_50 = arith.addf %add3A_45, %add3A_49 : vector<1024x256xf32>
    %max3A = arith.constant 0.000000e+00 : f32
    %max3A_51 = vector.broadcast %max3A : f32 to vector<1024x256xf32>
    %max3A_52 = arith.maximumf %add3A_50, %max3A_51 : vector<1024x256xf32>
    %get3A_53 = arith.constant 0 : index
    %get3A_54 = arith.constant 0 : index
    %get3A_55 = vector.load %arg4[%get3A_53, %get3A_54] : memref<1024x128xf32, #tpu.memory_space<vmem>>, vector<1024x128xf32>
    %slice3A_56 = vector.extract_strided_slice %max3A_52 {offsets = [0, 0], sizes = [1024, 128], strides = [1, 1]} : vector<1024x256xf32> to vector<1024x128xf32>
    %mul3A_57 = arith.mulf %get3A_55, %slice3A_56 : vector<1024x128xf32>
    %slice3A_58 = vector.extract_strided_slice %max3A_52 {offsets = [0, 128], sizes = [1024, 128], strides = [1, 1]} : vector<1024x256xf32> to vector<1024x128xf32>
    %mul3A_59 = arith.mulf %get3A_55, %slice3A_58 : vector<1024x128xf32>
    %stack3A = vector.shape_cast %mul3A_57 : vector<1024x128xf32> to vector<1x1024x128xf32>
    %stack3A_60 = vector.shape_cast %mul3A_59 : vector<1024x128xf32> to vector<1x1024x128xf32>
    %stack3A_61 = tpu.concatenate %stack3A, %stack3A_60 in 0 : vector<1x1024x128xf32>, vector<1x1024x128xf32> -> vector<2x1024x128xf32>
    %swap3A = arith.constant 0 : index
    %swap3A_62 = arith.constant 0 : index
    %swap3A_63 = arith.constant 0 : index
    %swap3A_64 = vector.load %arg7[%swap3A, %swap3A_62, %swap3A_63] : memref<2x1024x128xf32, #tpu.memory_space<vmem>>, vector<2x1024x128xf32>
    tpu.vector_store %arg7[%swap3A, %swap3A_62, %swap3A_63], %stack3A_61 {strides = array<i32>} : memref<2x1024x128xf32, #tpu.memory_space<vmem>>, vector<2x1024x128xf32>,
    return
  }
  func.func @transform_0(%arg0: i32) -> (i32, i32, i32) {
    %c0_i32 = arith.constant 0 : i32
    %c0_i32_0 = arith.constant 0 : i32
    %c0_i32_1 = arith.constant 0 : i32
    return %c0_i32, %arg0, %c0_i32_0 : i32, i32, i32
  }
  func.func @transform_1(%arg0: i32) -> (i32, i32, i32) {
    %c0_i32 = arith.constant 0 : i32
    %c0_i32_0 = arith.constant 0 : i32
    %c0_i32_1 = arith.constant 0 : i32
    return %c0_i32, %arg0, %c0_i32_0 : i32, i32, i32
  }
  func.func @transform_2(%arg0: i32) -> (i32, i32) {
    %c0_i32 = arith.constant 0 : i32
    %c0_i32_0 = arith.constant 0 : i32
    return %arg0, %c0_i32 : i32, i32
  }
  func.func @transform_3(%arg0: i32) -> (i32, i32) {
    %c0_i32 = arith.constant 0 : i32
    %c0_i32_0 = arith.constant 0 : i32
    return %arg0, %c0_i32 : i32, i32
  }
  func.func @transform_4(%arg0: i32) -> (i32, i32) {
    %c0_i32 = arith.constant 0 : i32
    %c0_i32_0 = arith.constant 0 : i32
    %c0_i32_1 = arith.constant 0 : i32
    return %c0_i32, %c0_i32_0 : i32, i32
  }
  func.func @transform_5(%arg0: i32) -> (i32, i32) {
    %c0_i32 = arith.constant 0 : i32
    %c0_i32_0 = arith.constant 0 : i32
    %c0_i32_1 = arith.constant 0 : i32
    return %c0_i32, %c0_i32_0 : i32, i32
  }
  func.func @transform_6(%arg0: i32) -> (i32, i32, i32) {
    %c0_i32 = arith.constant 0 : i32
    %c0_i32_0 = arith.constant 0 : i32
    %c0_i32_1 = arith.constant 0 : i32
    return %c0_i32, %arg0, %c0_i32_0 : i32, i32, i32
  }
}

module attributes {stable_mosaic.version = 14 : i64} {
  func.func @_final_body(%arg0: i32, %arg1: memref<2x1024x128xf32, #tpu.memory_space<vmem>>, %arg2: memref<2x1024x128xf32, #tpu.memory_space<vmem>>, %arg3: memref<1024x256xf32, #tpu.memory_space<vmem>>, %arg4: memref<1024x128xf32, #tpu.memory_space<vmem>>, %arg5: memref<256x256xf32, #tpu.memory_space<vmem>>, %arg6: memref<8x256xf32, #tpu.memory_space<vmem>>, %arg7: memref<256x40xf32, #tpu.memory_space<vmem>>, %arg8: memref<8x40xf32, #tpu.memory_space<vmem>>, %arg9: memref<1024x40xf32, #tpu.memory_space<vmem>>) attributes {dimension_semantics = [#tpu.dimension_semantics<arbitrary>], iteration_bounds = array<i64: 10>, scalar_prefetch = 0 : i64, scratch_operands = 0 : i64, tpu.core_type = #tpu.core_type<tc>, window_params = [{transform_indices = @transform_0, window_bounds = array<i64: 2, 1024, 128>}, {transform_indices = @transform_1, window_bounds = array<i64: 2, 1024, 128>}, {transform_indices = @transform_2, window_bounds = array<i64: 1024, 256>}, {transform_indices = @transform_3, window_bounds = array<i64: 1024, 128>}, {pipeline_mode = #tpu.pipeline_mode<synchronous>, transform_indices = @transform_4, window_bounds = array<i64: 256, 256>}, {pipeline_mode = #tpu.pipeline_mode<synchronous>, transform_indices = @transform_5, window_bounds = array<i64: 8, 256>}, {pipeline_mode = #tpu.pipeline_mode<synchronous>, transform_indices = @transform_6, window_bounds = array<i64: 256, 40>}, {pipeline_mode = #tpu.pipeline_mode<synchronous>, transform_indices = @transform_7, window_bounds = array<i64: 8, 40>}, {transform_indices = @transform_8, window_bounds = array<i64: 1024, 40>}]} {
    %get3A = arith.constant 0 : index
    %get3A_0 = arith.constant 0 : index
    %get3A_1 = vector.load %arg4[%get3A, %get3A_0] : memref<1024x128xf32, #tpu.memory_space<vmem>>, vector<1024x128xf32>
    %get3A_2 = arith.constant 0 : index
    %get3A_3 = arith.constant 0 : index
    %get3A_4 = vector.load %arg3[%get3A_2, %get3A_3] : memref<1024x256xf32, #tpu.memory_space<vmem>>, vector<1024x256xf32>
    %mul3A = arith.constant 0.899999976 : f32
    %mul3A_5 = vector.broadcast %mul3A : f32 to vector<1024x128xf32>
    %mul3A_6 = arith.mulf %mul3A_5, %get3A_1 : vector<1024x128xf32>
    %get3A_7 = arith.constant 0 : index
    %get3A_8 = arith.constant 0 : index
    %get3A_9 = arith.constant 0 : index
    %get3A_10 = vector.load %arg1[%get3A_7, %get3A_8, %get3A_9] : memref<2x1024x128xf32, #tpu.memory_space<vmem>>, vector<1x1024x128xf32>
    %get3A_11 = vector.shape_cast %get3A_10 : vector<1x1024x128xf32> to vector<1024x128xf32>
    %get3A_12 = arith.constant 0 : index
    %get3A_13 = arith.constant 0 : index
    %get3A_14 = arith.constant 0 : index
    %get3A_15 = vector.load %arg2[%get3A_12, %get3A_13, %get3A_14] : memref<2x1024x128xf32, #tpu.memory_space<vmem>>, vector<1x1024x128xf32>
    %get3A_16 = vector.shape_cast %get3A_15 : vector<1x1024x128xf32> to vector<1024x128xf32>
    %add3A = arith.addf %get3A_11, %get3A_16 : vector<1024x128xf32>
    %mul3A_17 = arith.mulf %mul3A_6, %add3A : vector<1024x128xf32>
    %slice3A = vector.extract_strided_slice %get3A_4 {offsets = [0, 0], sizes = [1024, 128], strides = [1, 1]} : vector<1024x256xf32> to vector<1024x128xf32>
    %add3A_18 = arith.addf %mul3A_17, %slice3A : vector<1024x128xf32>
    %mul3A_19 = arith.constant 0.899999976 : f32
    %mul3A_20 = vector.broadcast %mul3A_19 : f32 to vector<1024x128xf32>
    %mul3A_21 = arith.mulf %mul3A_20, %get3A_1 : vector<1024x128xf32>
    %get3A_22 = arith.constant 1 : index
    %get3A_23 = arith.constant 0 : index
    %get3A_24 = arith.constant 0 : index
    %get3A_25 = vector.load %arg1[%get3A_22, %get3A_23, %get3A_24] : memref<2x1024x128xf32, #tpu.memory_space<vmem>>, vector<1x1024x128xf32>
    %get3A_26 = vector.shape_cast %get3A_25 : vector<1x1024x128xf32> to vector<1024x128xf32>
    %get3A_27 = arith.constant 1 : index
    %get3A_28 = arith.constant 0 : index
    %get3A_29 = arith.constant 0 : index
    %get3A_30 = vector.load %arg2[%get3A_27, %get3A_28, %get3A_29] : memref<2x1024x128xf32, #tpu.memory_space<vmem>>, vector<1x1024x128xf32>
    %get3A_31 = vector.shape_cast %get3A_30 : vector<1x1024x128xf32> to vector<1024x128xf32>
    %add3A_32 = arith.addf %get3A_26, %get3A_31 : vector<1024x128xf32>
    %mul3A_33 = arith.mulf %mul3A_21, %add3A_32 : vector<1024x128xf32>
    %slice3A_34 = vector.extract_strided_slice %get3A_4 {offsets = [0, 128], sizes = [1024, 128], strides = [1, 1]} : vector<1024x256xf32> to vector<1024x128xf32>
    %add3A_35 = arith.addf %mul3A_33, %slice3A_34 : vector<1024x128xf32>
    %concatenate3A = tpu.concatenate %add3A_18, %add3A_35 in 1 : vector<1024x128xf32>, vector<1024x128xf32> -> vector<1024x256xf32>
    %get3A_36 = arith.constant 0 : index
    %get3A_37 = arith.constant 0 : index
    %get3A_38 = vector.load %arg6[%get3A_36, %get3A_37] : memref<8x256xf32, #tpu.memory_space<vmem>>, vector<1x256xf32>
    %mul3A_39 = vector.broadcast %get3A_38 : vector<1x256xf32> to vector<1024x256xf32>
    %mul3A_40 = arith.mulf %concatenate3A, %mul3A_39 : vector<1024x256xf32>
    %get3A_41 = arith.constant 0 : index
    %get3A_42 = arith.constant 0 : index
    %get3A_43 = vector.load %arg5[%get3A_41, %get3A_42] : memref<256x256xf32, #tpu.memory_space<vmem>>, vector<256x256xf32>
    %dot_general3A = arith.constant dense<0.000000e+00> : vector<1024x256xf32>
    %dot_general3A_44 = tpu.matmul %concatenate3A, %get3A_43, %dot_general3A {dimension_numbers = #tpu.dot_dimension_numbers<[1], [0], [0], [1], [0, 0, 1, 1], [], []>, transpose_lhs_hint = false} : vector<1024x256xf32>, vector<256x256xf32>, vector<1024x256xf32> -> vector<1024x256xf32>
    %add3A_45 = arith.addf %mul3A_40, %dot_general3A_44 : vector<1024x256xf32>
    %get3A_46 = arith.constant 1 : index
    %get3A_47 = arith.constant 0 : index
    %get3A_48 = vector.load %arg6[%get3A_46, %get3A_47] : memref<8x256xf32, #tpu.memory_space<vmem>>, vector<1x256xf32>
    %add3A_49 = vector.broadcast %get3A_48 : vector<1x256xf32> to vector<1024x256xf32>
    %add3A_50 = arith.addf %add3A_45, %add3A_49 : vector<1024x256xf32>
    %max3A = arith.constant 0.000000e+00 : f32
    %max3A_51 = vector.broadcast %max3A : f32 to vector<1024x256xf32>
    %max3A_52 = arith.maximumf %add3A_50, %max3A_51 : vector<1024x256xf32>
    %get3A_53 = arith.constant 0 : index
    %get3A_54 = arith.constant 0 : index
    %get3A_55 = vector.load %arg7[%get3A_53, %get3A_54] : memref<256x40xf32, #tpu.memory_space<vmem>>, vector<256x40xf32>
    %dot_general3A_56 = arith.constant dense<0.000000e+00> : vector<1024x40xf32>
    %dot_general3A_57 = tpu.matmul %max3A_52, %get3A_55, %dot_general3A_56 {dimension_numbers = #tpu.dot_dimension_numbers<[1], [0], [0], [1], [0, 0, 1, 1], [], []>, transpose_lhs_hint = false} : vector<1024x256xf32>, vector<256x40xf32>, vector<1024x40xf32> -> vector<1024x40xf32>
    %get3A_58 = arith.constant 0 : index
    %get3A_59 = arith.constant 0 : index
    %get3A_60 = vector.load %arg8[%get3A_58, %get3A_59] : memref<8x40xf32, #tpu.memory_space<vmem>>, vector<1x40xf32>
    %add3A_61 = vector.broadcast %get3A_60 : vector<1x40xf32> to vector<1024x40xf32>
    %add3A_62 = arith.addf %dot_general3A_57, %add3A_61 : vector<1024x40xf32>
    %swap3A = arith.constant 0 : index
    %swap3A_63 = arith.constant 0 : index
    %swap3A_64 = vector.load %arg9[%swap3A, %swap3A_63] : memref<1024x40xf32, #tpu.memory_space<vmem>>, vector<1024x40xf32>
    tpu.vector_store %arg9[%swap3A, %swap3A_63], %add3A_62 {strides = array<i32>} : memref<1024x40xf32, #tpu.memory_space<vmem>>, vector<1024x40xf32>,
    return
  }
  func.func @transform_0(%arg0: i32) -> (i32, i32, i32) {
    %c0_i32 = arith.constant 0 : i32
    %c0_i32_0 = arith.constant 0 : i32
    %c0_i32_1 = arith.constant 0 : i32
    return %c0_i32, %arg0, %c0_i32_0 : i32, i32, i32
  }
  func.func @transform_1(%arg0: i32) -> (i32, i32, i32) {
    %c0_i32 = arith.constant 0 : i32
    %c0_i32_0 = arith.constant 0 : i32
    %c0_i32_1 = arith.constant 0 : i32
    return %c0_i32, %arg0, %c0_i32_0 : i32, i32, i32
  }
  func.func @transform_2(%arg0: i32) -> (i32, i32) {
    %c0_i32 = arith.constant 0 : i32
    %c0_i32_0 = arith.constant 0 : i32
    return %arg0, %c0_i32 : i32, i32
  }
  func.func @transform_3(%arg0: i32) -> (i32, i32) {
    %c0_i32 = arith.constant 0 : i32
    %c0_i32_0 = arith.constant 0 : i32
    return %arg0, %c0_i32 : i32, i32
  }
  func.func @transform_4(%arg0: i32) -> (i32, i32) {
    %c0_i32 = arith.constant 0 : i32
    %c0_i32_0 = arith.constant 0 : i32
    %c0_i32_1 = arith.constant 0 : i32
    return %c0_i32, %c0_i32_0 : i32, i32
  }
  func.func @transform_5(%arg0: i32) -> (i32, i32) {
    %c0_i32 = arith.constant 0 : i32
    %c0_i32_0 = arith.constant 0 : i32
    %c0_i32_1 = arith.constant 0 : i32
    return %c0_i32, %c0_i32_0 : i32, i32
  }
  func.func @transform_6(%arg0: i32) -> (i32, i32) {
    %c0_i32 = arith.constant 0 : i32
    %c0_i32_0 = arith.constant 0 : i32
    %c0_i32_1 = arith.constant 0 : i32
    return %c0_i32, %c0_i32_0 : i32, i32
  }
  func.func @transform_7(%arg0: i32) -> (i32, i32) {
    %c0_i32 = arith.constant 0 : i32
    %c0_i32_0 = arith.constant 0 : i32
    %c0_i32_1 = arith.constant 0 : i32
    return %c0_i32, %c0_i32_0 : i32, i32
  }
  func.func @transform_8(%arg0: i32) -> (i32, i32) {
    %c0_i32 = arith.constant 0 : i32
    %c0_i32_0 = arith.constant 0 : i32
    return %arg0, %c0_i32 : i32, i32
  }
}

</mosaic_0001>

<sc_bundles>
// kernel: kernel.20.cloned.1.call-start
scs
__scs_entry_jumppad:
0x0: {  	(pc) =	sbr.rel $0x88, $3  }
0x1: {  	(tag) =	ssettag $0x0;
	lr =	simm.s32 $0x1  }
0x2: {  	[smem:$0x3F98] =	sst lr;
	_ =	strace $0xD0000000  }
0x3: {  	_ = 	snop  }
0x4: {  	_ = 	snop  }
0x5: {  	_ = 	snop  }
0x6: {  	_ = 	snop  }
0x7: {  	_ = 	snop  }
__scs_overlays_trampoline_lowered:
0x8: {  	[smem:$0x3FA7] =	sst s0  }
0x9: {  	[smem:$0x3FA8] =	sst s1  }
0xa: {  	[smem:$0x3FA9] =	sst s2  }
0xb: {  	[smem:$0x3FAA] =	sst s3  }
0xc: {  	[smem:$0x3FAB] =	sst s4  }
0xd: {  	[smem:$0x3FAC] =	sst s5  }
0xe: {  	[smem:$0x3FAD] =	sst s6  }
0xf: {  	[smem:$0x3FAE] =	sst s7  }
0x10: {  	[smem:$0x3FAF] =	sst s8  }
0x11: {  	[smem:$0x3FB0] =	sst s9;
	s0 =	simm.s32 @!p0 $0x0  }
0x12: {  	s1 =	sld [smem:$0x3F96];
	s0 =	simm.s32 @p0 $0x1  }
0x13: {  	[smem:$0x3FB1] =	sst s0;
	s0 =	simm.s32 @!p1 $0x0  }
0x14: {  	s2 =	sld [smem:$0x3F95];
	s0 =	simm.s32 @p1 $0x1  }
0x15: {  	[smem:$0x3FB2] =	sst s0;
	s0 =	simm.s32 @!p2 $0x0  }
0x16: {  	s3 =	sld [smem:$0x3FDB];
	s0 =	simm.s32 @p2 $0x1  }
0x17: {  	s4 =	simm.s32 $0x1BF5;
	[smem:$0x3FB4] =	sst s0  }
0x18: {  	s0 =	sld [smem:$0x3F97];
	_ =	swait.ge [sflag:s4], $0x0  }
0x19: {  	s7 =	sld [smem:$0x3F98]  }
0x1a: {  	s8 =	sadd.s32 $0xFFFFE003, lr  }
0x1b: {  	s9 =	sadd.s32 $0xFFFFFEF7, lr;
	s5 =	simm.s32 $0xFFFFFFFF;
	p2 =	slt.u32 s8, $0xFFFFF086  }
0x1c: {  	p1 =	slt.u32 s9, $0xF7A;
	s5 =	simm.s32 @!p2 $0x0  }
0x1d: {  	s5 =	simm.s32 @p1 $0x1;
	p0 =	seq.s32 s7, s2  }
0x1e: {  	s7 =	smul.u32 @!p0 $0xF7A, s2;
	p2 =	seq.s32 @!p0 s5, $0x0  }
0x1f: {  	s9 =	smul.u32 $0xF7A, s1;
	s8 =	simm.s32 @!p0 $0x1BF5;
	p2 =	por !p2, p0  }
0x20: {  	[sflag:s8] =	ssyncset.s32 @!p0 $0xFFFFF086;
	s6 =	sadd.s32 @!p0 s3, s7;
	s7 =	simm.s32 @!p0 $0x108  }
0x21: {  	s3 =	sadd.s32 s3, s9;
	s6 =	sadd.s32 @!p0 $0x88, s6;
	s7 =	simm.s32 @p2 $0x1082  }
0x22: {  	[simem:s7], [sflag:s8] =	dma.local @!p0 [hbm:s6], $0xF7A  }
0x23: {  	s9 =	sor.u32 $0xD0000000, s2;
	s6 =	simm.s32 $0x108;
	_ =	swait.ge @!p0 [sflag:s8], $0x0  }
0x24: {  	s3 =	sadd.s32 $0x88, s3;
	s6 =	simm.s32 @!p1 $0x1082;
	[sflag:s4] =	ssyncset.s32 $0xFFFFF086  }
0x25: {  	[simem:s6], [sflag:s4] =	dma.local [hbm:s3], $0xF7A  }
0x26: {  	[smem:$0x3F98] =	sst s1;
	(tag) =	ssettag s2;
	_ =	strace s9  }
0x27: {  	s1 =	sld [smem:$0x3FA8]  }
0x28: {  	s2 =	sld [smem:$0x3FA9]  }
0x29: {  	s4 =	sld [smem:$0x3FAB]  }
0x2a: {  	p0 =	seq.s32 s5, $0x0;
	s5 =	sld [smem:$0x3FAC]  }
0x2b: {  	s6 =	sld [smem:$0x3FAD]  }
0x2c: {  	s7 =	sld [smem:$0x3FAE]  }
0x2d: {  	s3 =	simm.s32 $0x108;
	s8 =	sld [smem:$0x3FAF]  }
0x2e: {  	s3 =	simm.s32 @!p0 $0x1082;
	s9 =	sld [smem:$0x3FB0]  }
0x2f: {  	lr =	sadd.s32 s0, s3;
	s0 =	sld [smem:$0x3FA7]  }
0x30: {  	s3 =	sld [smem:$0x3FAA]  }
0x31: {  	[smem:$0x3FB3] =	sst s10  }
0x32: {  	s10 =	sld [smem:$0x3FB1];
	_ =	sdelay $0x3  }
0x33: {  	p0 =	seq.s32 s10, $0x1;
	s10 =	sld [smem:$0x3FB3];
	_ =	sdelay $0x3  }
0x34: {  	[smem:$0x3FB3] =	sst s10  }
0x35: {  	s10 =	sld [smem:$0x3FB2];
	_ =	sdelay $0x3  }
0x36: {  	p1 =	seq.s32 s10, $0x1;
	s10 =	sld [smem:$0x3FB3];
	_ =	sdelay $0x3  }
0x37: {  	[smem:$0x3FB3] =	sst s10  }
0x38: {  	s10 =	sld [smem:$0x3FB4]  }
0x39: {  	_ = 	snop;
	(pc) =	sbr.ind lr, $3  }
0x3a: {  	_ = 	snop  }
0x3b: {  	_ = 	snop  }
0x3c: {  	p2 =	seq.s32 s10, $0x1;
	s10 =	sld [smem:$0x3FB3]  }
0x3d: {  	_ =	shalt  }
0x3e: {  	_ =	shalt  }
0x3f: {  	_ =	shalt  }
0x40: {  	_ =	shalt  }
0x41: {  	_ =	shalt  }
0x42: {  	_ =	shalt  }
0x43: {  	_ =	shalt  }
0x44: {  	_ =	shalt  }
0x45: {  	_ =	shalt  }
0x46: {  	_ =	shalt  }
0x47: {  	_ =	shalt  }
0x48: {  	_ =	shalt  }
0x49: {  	_ =	shalt  }
0x4a: {  	_ =	shalt  }
0x4b: {  	_ =	shalt  }
0x4c: {  	_ =	shalt  }
0x4d: {  	_ =	shalt  }
0x4e: {  	_ =	shalt  }
0x4f: {  	_ =	shalt  }
0x50: {  	_ =	shalt  }
0x51: {  	_ =	shalt  }
0x52: {  	_ =	shalt  }
0x53: {  	_ =	shalt  }
0x54: {  	_ =	shalt  }
0x55: {  	_ =	shalt  }
0x56: {  	_ =	shalt  }
0x57: {  	_ =	shalt  }
0x58: {  	_ =	shalt  }
0x59: {  	_ =	shalt  }
0x5a: {  	_ =	shalt  }
0x5b: {  	_ =	shalt  }
0x5c: {  	_ =	shalt  }
0x5d: {  	_ =	shalt  }
0x5e: {  	_ =	shalt  }
0x5f: {  	_ =	shalt  }
0x60: {  	_ =	shalt  }
0x61: {  	_ =	shalt  }
0x62: {  	_ =	shalt  }
0x63: {  	_ =	shalt  }
0x64: {  	_ =	shalt  }
0x65: {  	_ =	shalt  }
0x66: {  	_ =	shalt  }
0x67: {  	_ =	shalt  }
0x68: {  	_ =	shalt  }
0x69: {  	_ =	shalt  }
0x6a: {  	_ =	shalt  }
0x6b: {  	_ =	shalt  }
0x6c: {  	_ =	shalt  }
0x6d: {  	_ =	shalt  }
0x6e: {  	_ =	shalt  }
0x6f: {  	_ =	shalt  }
0x70: {  	_ =	shalt  }
0x71: {  	_ =	shalt  }
0x72: {  	_ =	shalt  }
0x73: {  	_ =	shalt  }
0x74: {  	_ =	shalt  }
0x75: {  	_ =	shalt  }
0x76: {  	_ =	shalt  }
0x77: {  	_ =	shalt  }
0x78: {  	_ =	shalt  }
0x79: {  	_ =	shalt  }
0x7a: {  	_ =	shalt  }
0x7b: {  	_ =	shalt  }
0x7c: {  	_ =	shalt  }
0x7d: {  	_ =	shalt  }
0x7e: {  	_ =	shalt  }
0x7f: {  	_ =	shalt  }
0x80: {  	_ =	shalt  }
0x81: {  	_ =	shalt  }
0x82: {  	_ =	shalt  }
0x83: {  	_ =	shalt  }
0x84: {  	_ =	shalt  }
0x85: {  	_ =	shalt  }
0x86: {  	_ =	shalt  }
0x87: {  	_ =	shalt  }
.Lfunc_end0:
.L_simem_size_0:
called_computation_lowered:
.L_overlay_start_0:
0x88: {  	s2 =	sld [smem:$0x3FD9]  }
0x89: {  	s3 =	sld [smem:$0x3FFE];
	_ =	sdelay $0x1  }
0x8a: {  	s1 =	srdreg.scid  }
0x8b: {  	s0 =	sand.u32 $0x1, s1  }
0x8c: {  	s17 =	sshll.u32 s0, $0xA;
	s2 =	sadd.s32 s3, s2  }
0x8d: {  	s2 =	sadd.s32 s2, s17  }
0x8e: {  	[smem:$0x3FBF] =	sst s2  }
0x8f: {  	_ = 	snop  }
0x90: {  	s2 =	sld [smem:$0x3FD0];
	(tm) =	ssettm $0x1  }
0x91: {  	s18 =	sld [smem:$0x3FFB];
	_ =	sdelay $0x3  }
0x92: {  	_ =	strace s18  }
0x93: {  	s3 =	sld [smem:$0x3FFC];
	_ =	sdelay $0x3  }
0x94: {  	_ =	strace s3  }
0x95: {  	s3 =	sld [smem:$0x3FFD];
	_ =	sdelay $0x3  }
0x96: {  	_ =	strace s3  }
0x97: {  	_ =	strace $0x8FFFFFFF  }
0x98: {  	s19 =	sld [smem:$0x3FDB];
	_ =	sdelay $0x1  }
0x99: {  	s4 =	simm.s32 $_scs_section_size  }
0x9a: {  	s5 =	simm.s32 $_size__tile_overlayer_lowered;
	s6 =	simm.s32 $_tile_overlayer_lowered  }
0x9b: {  	s22 =	simm.s32 $0x1BFF;
	s21 =	sshll.u32 s6, $0x1;
	s3 =	sadd.s32 s4, s19  }
0x9c: {  	s7 =	simm.s32 $0x0;
	s20 =	sshll.u32 s5, $0x1;
	s5 =	sadd.s32 s21, s3  }
0x9d: {  	[timem:s7], [sflag:s22] =	dma.local [hbm:s5], s20  }
0x9e: {  	_ =	swait.ge [sflag:s22], s20  }
0x9f: {  	s4 =	ssub.s32 $0x0, s20;
	[sflag:s22] =	ssyncset.done $0x0  }
0xa0: {  	[sflag:s22] =	ssyncadd.s32 s4;
	_ =	sdelay $0x1  }
0xa1: {  	s23 =	simm.s32 $0x1B8B  }
0xa2: {  	_ =	swait.ge [sflag:s23], $0x1  }
0xa3: {  	[sflag:s23] =	ssyncset.done $0x0  }
0xa4: {  	s25 =	simm.s32 $0x1B8E;
	s24 =	sld [smem:$0x3FFE];
	[sflag:s23] =	ssyncadd.s32 $0xFFFFFFFF  }
0xa5: {  	s26 =	simm.s32 $execute0_lowered;
	[smem:$0x3FD2] =	sst s25  }
0xa6: {  	s5 =	sshll.u32 s26, $0x1;
	_ =	strace $0x80000046;
	[dreg:$0x1] =	wrdreg $0xFFFFFFFF  }
0xa7: {  	s28 =	simm.s32 $_size_execute0_lowered;
	s3 =	sadd.s32 s3, s5;
	[dreg:$0x0] =	wrdreg $0x0  }
0xa8: {  	s5 =	sshll.u32 s28, $0x1;
	[dreg:$0x2] =	wrdreg s3  }
0xa9: {  	[dreg:$0x3] =	wrdreg s5  }
0xaa: {  	[dreg:$0x4] =	wrdreg $0xC0  }
0xab: {  	_ =	task [dreg:s7], $0x5FFFF  }
0xac: {  	[dreg:$0x1] =	wrdreg $0xFFFFFFFF  }
0xad: {  	[dreg:$0x0] =	wrdreg $0x60  }
0xae: {  	[dreg:$0x2] =	wrdreg s2  }
0xaf: {  	[dreg:$0x3] =	wrdreg s24  }
0xb0: {  	[dreg:$0x4] =	wrdreg $0x0  }
0xb1: {  	[dreg:$0x5] =	wrdreg $0x9  }
0xb2: {  	_ =	task.clear_ibuf [dreg:s7], $0x6FFFF;
	_ =	strace $0x90000046  }
0xb3: {  	s29 =	simm.s32 $0x9;
	_ =	strace $0x80000048  }
0xb4: {  	_ =	swait.ge [sflag:s29], $0x1  }
0xb5: {  	[sflag:s29] =	ssyncadd.s32 $0xFFFFFFFF  }
0xb6: {  	_ =	strace $0x90000048  }
0xb7: {  	_ =	sfence  }
0xb8: {  	s30 =	sld [smem:$0x0];
	_ =	sdelay $0x2  }
0xb9: {  	s31 =	sshll.u32 s1, $0xD;
	s1 =	sshrl.u32 s1, $0x2  }
0xba: {  	s3 =	sand.u32 $0x4000, s31;
	s1 =	sadd.s32 s1, s30  }
0xbb: {  	s0 =	sor.u32 s3, s0;
	s1 =	sshll.u32 s1, $0x11  }
0xbc: {  	s0 =	sor.u32 s1, s0  }
0xbd: {  	s0 =	sadd.s32 $0x8F2B, s0  }
0xbe: {  	[sflag:s0] =	ssyncadd.remote.s32 $0x1  }
0xbf: {  	_ =	sfence.sel $0xFFFF  }
0xc0: {  	[dreg:$0x0] =	wrdreg $0xFFFFFFFF;
	(pc) =	sbr.abs _section_cstart, $3  }
0xc1: {  	[dreg:$0x1] =	wrdreg $0xFFFFFFFF  }
0xc2: {  	_ =	task.clear_ibuf [dreg:s7], $0x2FFFF;
	_ =	strace $0x9FFFFFFF  }
0xc3: {  	(tm) =	ssettm $0x7FFFFFFF  }
tec
execute0_lowered:
.L_overlay_start_1:
0x0: {  	(tag) =	ssettag $0x1  }
0x1: {  	s9 =	rddreg [dreg:$0x0]  }
0x2: {  	s5 =	rddreg [dreg:$0x1]  }
0x3: {  	s2 =	rddreg [dreg:$0x2]  }
0x4: {  	s0 =	rddreg [dreg:$0x3]  }
0x5: {  	s1 =	stileid.u32;
	s4 =	srdreg.scid;
	s3 =	simm.s32 $0x0  }
0x6: {  	s14 =	simm.s32 $0x80;
	s15 =	simm.s32 $0x0;
	s6 =	smul.u32 $0x14000, s1  }
0x7: {  	s7 =	sand.u32 $0x1, s4;
	[smem:$0x7FF] =	sst s3;
	s11 =	smul.u32 $0x50000, s1  }
0x8: {  	s4 =	sadd.s32 $0x5A00, s5;
	s30 =	sshll.u32 s1, $0x6;
	s31 =	smul.u32 $0xA00, s1  }
0x9: {  	s8 =	smul.u32 $0x140000, s7;
	_ =	strace $0x80000047;
	s7 =	ssub.s32 $0x2, s7  }
0xa: {  	s10 =	sshrl.u32 s6, $0x3;
	s28 =	sshrl.u32 s7, $0x1;
	s29 =	sshrl.u32 s11, $0x2  }
0xb: {  	s9 =	sadd.s32 s31, s9;
	s11 =	simm.s32 $0x1;
	s6 =	sadd.s32 s6, s8  }
0xc: {  	s10 =	sadd.s32 s10, s5;
	s8 =	ssub.s32 s7, s28;
	s6 =	sshrl.u32 s6, $0x3  }
0xd: {  	s13 =	sadd.s32 s29, s2;
	s8 =	smax.u32 s8, $0x1;
	s12 =	sadd.s32 s6, s5  }
0xe: {  	s5 =	sadd.s32 $0x6200, s10;
	s6 =	sor.u32 $0x1C01, s30;
	s10 =	sshrl.u32 s13, $0x3  }
0xf: {  	s13 =	simm.s32 $0x18000;
	s7 =	sadd.s32 $0x2E200, s12;
	s12 =	simm.s32 $0x14000  }
.LBB2_1:
0x10: {  	[spmem:s10], [sflag:s6] =	dma.local [hbm:s5], $0x2800  }
0x11: {  	_ =	swait.ge [sflag:s11], $0x2800  }
0x12: {  	[sflag:s11] =	ssyncset.done $0x0  }
0x13: {  	[sflag:s11] =	ssyncadd.s32 $0xFFFFD800  }
0x14: {  	[tilespmem:s12], [sflag:$0x1] =	stream.linear.gather [hbm4b:s4+s3], $0x4000, $0x38;
	[tilespmem:$0x18080] =	vst v63  }
0x15: {  	_ =	swait.ge [sflag:s11], $0x4000  }
0x16: {  	[sflag:s11] =	ssyncset.done $0x0  }
0x17: {  	[sflag:s11] =	ssyncadd.s32 $0xFFFFC000  }
0x18: {  	s16 =	sadd.s32 $0x0, s9;
	[bflag:$0x0] =	sbarrier.arrive $0xFFFF  }
0x19: {  	[tilespmem:s13], [sflag:$0x1] =	stream.linear.gather [hbm4b:s16+s3], $0x80, $0x38;
	[tilespmem:$0x18080] =	vst v63  }
0x1a: {  	_ =	swait.ge [sflag:s11], $0x80  }
0x1b: {  	[sflag:s11] =	ssyncset.done $0x0  }
0x1c: {  	[sflag:s11] =	ssyncadd.s32 $0xFFFFFF80  }
0x1d: {  	[spmem:s2] =	stream.indirect.scatter.add.f32 [tilespmem:s12], [sflag:$0x1], $0x80, s13, s14, $0xb8;
	[tilespmem:$0x18080] =	vst v63  }
0x1e: {  	_ =	swait.ge [sflag:s11], $0x4000  }
0x1f: {  	s17 =	simm.s32 $0x20;
	s16 =	simm.s32 $0x10;
	[sflag:s11] =	ssyncset.done $0x0  }
.LBB2_2:
0x20: {  	s18 =	sadd.s32 s16, s9  }
0x21: {  	[sflag:s11] =	ssyncadd.s32 $0xFFFFC000;
	s16 =	smov.u32 s17;
	s19 =	sadd.s32 $0x10, s17  }
0x22: {  	[tilespmem:s13], [sflag:$0x1] =	stream.linear.gather [hbm4b:s18+s3], $0x80, $0x38;
	[tilespmem:$0x18080] =	vst v63  }
0x23: {  	p0 =	sne.s32 s17, $0x9F0;
	_ =	swait.ge [sflag:s11], $0x80  }
.Ltmp0:
0x24: {  	[sflag:s11] =	ssyncset.done $0x0;
	(pc) =	sbr.rel @p0 .LBB2_2-.Ltmp0, $4  }
0x25: {  	[sflag:s11] =	ssyncadd.s32 $0xFFFFFF80  }
0x26: {  	[spmem:s2] =	stream.indirect.scatter.add.f32 [tilespmem:s12], [sflag:$0x1], $0x80, s13, s14, $0xb8;
	[tilespmem:$0x18080] =	vst v63  }
0x27: {  	_ =	swait.ge [sflag:s11], $0x4000  }
0x28: {  	s17 =	smov.u32 s19;
	[sflag:s11] =	ssyncset.done $0x0  }
0x29: {  	s16 =	sadd.s32 s16, s9;
	[sflag:s11] =	ssyncadd.s32 $0xFFFFC000  }
0x2a: {  	[tilespmem:s13], [sflag:$0x1] =	stream.linear.gather [hbm4b:s16+s3], $0x80, $0x38;
	[tilespmem:$0x18080] =	vst v63  }
0x2b: {  	_ =	swait.ge [sflag:s11], $0x80  }
0x2c: {  	[sflag:s11] =	ssyncset.done $0x0  }
0x2d: {  	[sflag:s11] =	ssyncadd.s32 $0xFFFFFF80  }
0x2e: {  	[spmem:s2] =	stream.indirect.scatter.add.f32 [tilespmem:s12], [sflag:$0x1], $0x80, s13, s14, $0xb8;
	[tilespmem:$0x18080] =	vst v63  }
0x2f: {  	_ =	swait.ge [sflag:s11], $0x4000  }
0x30: {  	s15 =	sadd.s32 $0x1, s15;
	[sflag:s11] =	ssyncset.done $0x0  }
0x31: {  	p0 =	sne.s32 s15, s8;
	[sflag:s11] =	ssyncadd.s32 $0xFFFFC000  }
.Ltmp1:
0x32: {  	[bflag:$0x0] =	sbarrier.arrive $0xFFFF;
	(pc) =	sbr.rel @p0 .LBB2_1-.Ltmp1, $4  }
0x33: {  	[hbm:s7], [sflag:s6] =	dma.local [spmem:s10], $0x2800  }
0x34: {  	_ =	swait.ge [sflag:s11], $0x2800  }
0x35: {  	[sflag:s11] =	ssyncset.done $0x0  }
0x36: {  	[sflag:s11] =	ssyncadd.s32 $0xFFFFD800  }
0x37: {  	_ =	sfence.sel $0x180000  }
0x38: {  	[bflag:$0x0] =	sbarrier.arrive $0xFFFF  }
0x39: {  	p0 =	sne.s32 s1, $0x0;
	_ =	strace $0x90000047  }
0x3a: {  	s0 =	sadd.s32 @!p0 $0x100000, s0;
	[bflag:$0x2] =	sbarrier.arrive $0xFFFF  }
0x3b: {  	[sflag:s0] =	ssyncadd.tile.s32 @!p0 $0x1;
	_ =	shalt  }
.Lfunc_end2:
_tile_overlayer_lowered:
.L_overlay_start_2:
0x3c: {  	(tag) =	ssettag $0x2  }
0x3d: {  	s0 =	rddreg [dreg:$0x0];
	s2 =	stileid.u32  }
0x3e: {  	s1 =	rddreg [dreg:$0x1];
	p0 =	sne.s32 s2, $0x0  }
0x3f: {  	s3 =	rddreg [dreg:$0x2];
	[bflag:$0x3] =	sbarrier.arrive $0xFFFF;
	s2 =	simm.s32 @!p0 $0x1C01  }
0x40: {  	[timem:s3], [sflag:s2] =	dma.local @!p0 [hbm:s0], s1  }
0x41: {  	s0 =	simm.s32 @!p0 $0x1  }
0x42: {  	_ =	swait.ge @!p0 [sflag:s0], s1  }
0x43: {  	s1 =	ssub.s32 @!p0 $0x0, s1;
	[sflag:s0] =	ssyncset.done @!p0 $0x0  }
0x44: {  	[sflag:s0] =	ssyncadd.s32 @!p0 s1  }
0x45: {  	[bflag:$0x3] =	sbarrier.arrive $0xFFFF  }
0x46: {  	_ =	shalt  }

// kernel: kernel.23.cloned.1.call-start
scs
__scs_entry_jumppad:
0x0: {  	(pc) =	sbr.rel $0x88, $3  }
0x1: {  	(tag) =	ssettag $0x0;
	lr =	simm.s32 $0x1  }
0x2: {  	[smem:$0x3F98] =	sst lr;
	_ =	strace $0xD0000000  }
0x3: {  	_ = 	snop  }
0x4: {  	_ = 	snop  }
0x5: {  	_ = 	snop  }
0x6: {  	_ = 	snop  }
0x7: {  	_ = 	snop  }
__scs_overlays_trampoline_lowered:
0x8: {  	[smem:$0x3FA7] =	sst s0  }
0x9: {  	[smem:$0x3FA8] =	sst s1  }
0xa: {  	[smem:$0x3FA9] =	sst s2  }
0xb: {  	[smem:$0x3FAA] =	sst s3  }
0xc: {  	[smem:$0x3FAB] =	sst s4  }
0xd: {  	[smem:$0x3FAC] =	sst s5  }
0xe: {  	[smem:$0x3FAD] =	sst s6  }
0xf: {  	[smem:$0x3FAE] =	sst s7  }
0x10: {  	[smem:$0x3FAF] =	sst s8  }
0x11: {  	[smem:$0x3FB0] =	sst s9;
	s0 =	simm.s32 @!p0 $0x0  }
0x12: {  	s1 =	sld [smem:$0x3F96];
	s0 =	simm.s32 @p0 $0x1  }
0x13: {  	[smem:$0x3FB1] =	sst s0;
	s0 =	simm.s32 @!p1 $0x0  }
0x14: {  	s2 =	sld [smem:$0x3F95];
	s0 =	simm.s32 @p1 $0x1  }
0x15: {  	[smem:$0x3FB2] =	sst s0;
	s0 =	simm.s32 @!p2 $0x0  }
0x16: {  	s3 =	sld [smem:$0x3FDB];
	s0 =	simm.s32 @p2 $0x1  }
0x17: {  	s4 =	simm.s32 $0x1BF5;
	[smem:$0x3FB4] =	sst s0  }
0x18: {  	s0 =	sld [smem:$0x3F97];
	_ =	swait.ge [sflag:s4], $0x0  }
0x19: {  	s7 =	sld [smem:$0x3F98]  }
0x1a: {  	s8 =	sadd.s32 $0xFFFFE003, lr  }
0x1b: {  	s9 =	sadd.s32 $0xFFFFFEF7, lr;
	s5 =	simm.s32 $0xFFFFFFFF;
	p2 =	slt.u32 s8, $0xFFFFF086  }
0x1c: {  	p1 =	slt.u32 s9, $0xF7A;
	s5 =	simm.s32 @!p2 $0x0  }
0x1d: {  	s5 =	simm.s32 @p1 $0x1;
	p0 =	seq.s32 s7, s2  }
0x1e: {  	s7 =	smul.u32 @!p0 $0xF7A, s2;
	p2 =	seq.s32 @!p0 s5, $0x0  }
0x1f: {  	s9 =	smul.u32 $0xF7A, s1;
	s8 =	simm.s32 @!p0 $0x1BF5;
	p2 =	por !p2, p0  }
0x20: {  	[sflag:s8] =	ssyncset.s32 @!p0 $0xFFFFF086;
	s6 =	sadd.s32 @!p0 s3, s7;
	s7 =	simm.s32 @!p0 $0x108  }
0x21: {  	s3 =	sadd.s32 s3, s9;
	s6 =	sadd.s32 @!p0 $0x88, s6;
	s7 =	simm.s32 @p2 $0x1082  }
0x22: {  	[simem:s7], [sflag:s8] =	dma.local @!p0 [hbm:s6], $0xF7A  }
0x23: {  	s9 =	sor.u32 $0xD0000000, s2;
	s6 =	simm.s32 $0x108;
	_ =	swait.ge @!p0 [sflag:s8], $0x0  }
0x24: {  	s3 =	sadd.s32 $0x88, s3;
	s6 =	simm.s32 @!p1 $0x1082;
	[sflag:s4] =	ssyncset.s32 $0xFFFFF086  }
0x25: {  	[simem:s6], [sflag:s4] =	dma.local [hbm:s3], $0xF7A  }
0x26: {  	[smem:$0x3F98] =	sst s1;
	(tag) =	ssettag s2;
	_ =	strace s9  }
0x27: {  	s1 =	sld [smem:$0x3FA8]  }
0x28: {  	s2 =	sld [smem:$0x3FA9]  }
0x29: {  	s4 =	sld [smem:$0x3FAB]  }
0x2a: {  	p0 =	seq.s32 s5, $0x0;
	s5 =	sld [smem:$0x3FAC]  }
0x2b: {  	s6 =	sld [smem:$0x3FAD]  }
0x2c: {  	s7 =	sld [smem:$0x3FAE]  }
0x2d: {  	s3 =	simm.s32 $0x108;
	s8 =	sld [smem:$0x3FAF]  }
0x2e: {  	s3 =	simm.s32 @!p0 $0x1082;
	s9 =	sld [smem:$0x3FB0]  }
0x2f: {  	lr =	sadd.s32 s0, s3;
	s0 =	sld [smem:$0x3FA7]  }
0x30: {  	s3 =	sld [smem:$0x3FAA]  }
0x31: {  	[smem:$0x3FB3] =	sst s10  }
0x32: {  	s10 =	sld [smem:$0x3FB1];
	_ =	sdelay $0x3  }
0x33: {  	p0 =	seq.s32 s10, $0x1;
	s10 =	sld [smem:$0x3FB3];
	_ =	sdelay $0x3  }
0x34: {  	[smem:$0x3FB3] =	sst s10  }
0x35: {  	s10 =	sld [smem:$0x3FB2];
	_ =	sdelay $0x3  }
0x36: {  	p1 =	seq.s32 s10, $0x1;
	s10 =	sld [smem:$0x3FB3];
	_ =	sdelay $0x3  }
0x37: {  	[smem:$0x3FB3] =	sst s10  }
0x38: {  	s10 =	sld [smem:$0x3FB4]  }
0x39: {  	_ = 	snop;
	(pc) =	sbr.ind lr, $3  }
0x3a: {  	_ = 	snop  }
0x3b: {  	_ = 	snop  }
0x3c: {  	p2 =	seq.s32 s10, $0x1;
	s10 =	sld [smem:$0x3FB3]  }
0x3d: {  	_ =	shalt  }
0x3e: {  	_ =	shalt  }
0x3f: {  	_ =	shalt  }
0x40: {  	_ =	shalt  }
0x41: {  	_ =	shalt  }
0x42: {  	_ =	shalt  }
0x43: {  	_ =	shalt  }
0x44: {  	_ =	shalt  }
0x45: {  	_ =	shalt  }
0x46: {  	_ =	shalt  }
0x47: {  	_ =	shalt  }
0x48: {  	_ =	shalt  }
0x49: {  	_ =	shalt  }
0x4a: {  	_ =	shalt  }
0x4b: {  	_ =	shalt  }
0x4c: {  	_ =	shalt  }
0x4d: {  	_ =	shalt  }
0x4e: {  	_ =	shalt  }
0x4f: {  	_ =	shalt  }
0x50: {  	_ =	shalt  }
0x51: {  	_ =	shalt  }
0x52: {  	_ =	shalt  }
0x53: {  	_ =	shalt  }
0x54: {  	_ =	shalt  }
0x55: {  	_ =	shalt  }
0x56: {  	_ =	shalt  }
0x57: {  	_ =	shalt  }
0x58: {  	_ =	shalt  }
0x59: {  	_ =	shalt  }
0x5a: {  	_ =	shalt  }
0x5b: {  	_ =	shalt  }
0x5c: {  	_ =	shalt  }
0x5d: {  	_ =	shalt  }
0x5e: {  	_ =	shalt  }
0x5f: {  	_ =	shalt  }
0x60: {  	_ =	shalt  }
0x61: {  	_ =	shalt  }
0x62: {  	_ =	shalt  }
0x63: {  	_ =	shalt  }
0x64: {  	_ =	shalt  }
0x65: {  	_ =	shalt  }
0x66: {  	_ =	shalt  }
0x67: {  	_ =	shalt  }
0x68: {  	_ =	shalt  }
0x69: {  	_ =	shalt  }
0x6a: {  	_ =	shalt  }
0x6b: {  	_ =	shalt  }
0x6c: {  	_ =	shalt  }
0x6d: {  	_ =	shalt  }
0x6e: {  	_ =	shalt  }
0x6f: {  	_ =	shalt  }
0x70: {  	_ =	shalt  }
0x71: {  	_ =	shalt  }
0x72: {  	_ =	shalt  }
0x73: {  	_ =	shalt  }
0x74: {  	_ =	shalt  }
0x75: {  	_ =	shalt  }
0x76: {  	_ =	shalt  }
0x77: {  	_ =	shalt  }
0x78: {  	_ =	shalt  }
0x79: {  	_ =	shalt  }
0x7a: {  	_ =	shalt  }
0x7b: {  	_ =	shalt  }
0x7c: {  	_ =	shalt  }
0x7d: {  	_ =	shalt  }
0x7e: {  	_ =	shalt  }
0x7f: {  	_ =	shalt  }
0x80: {  	_ =	shalt  }
0x81: {  	_ =	shalt  }
0x82: {  	_ =	shalt  }
0x83: {  	_ =	shalt  }
0x84: {  	_ =	shalt  }
0x85: {  	_ =	shalt  }
0x86: {  	_ =	shalt  }
0x87: {  	_ =	shalt  }
.Lfunc_end0:
.L_simem_size_0:
called_computation.1_lowered:
.L_overlay_start_0:
0x88: {  	s2 =	sld [smem:$0x3FD9]  }
0x89: {  	s3 =	sld [smem:$0x3FFE];
	_ =	sdelay $0x1  }
0x8a: {  	s1 =	srdreg.scid  }
0x8b: {  	s0 =	sand.u32 $0x1, s1  }
0x8c: {  	s17 =	sshll.u32 s0, $0xA;
	s2 =	sadd.s32 s3, s2  }
0x8d: {  	s2 =	sadd.s32 s2, s17  }
0x8e: {  	[smem:$0x3FBF] =	sst s2  }
0x8f: {  	_ = 	snop  }
0x90: {  	s2 =	sld [smem:$0x3FD0];
	(tm) =	ssettm $0x1  }
0x91: {  	s18 =	sld [smem:$0x3FFB];
	_ =	sdelay $0x3  }
0x92: {  	_ =	strace s18  }
0x93: {  	s3 =	sld [smem:$0x3FFC];
	_ =	sdelay $0x3  }
0x94: {  	_ =	strace s3  }
0x95: {  	s3 =	sld [smem:$0x3FFD];
	_ =	sdelay $0x3  }
0x96: {  	_ =	strace s3  }
0x97: {  	_ =	strace $0x8FFFFFFF  }
0x98: {  	s19 =	sld [smem:$0x3FDB];
	_ =	sdelay $0x1  }
0x99: {  	s4 =	simm.s32 $_scs_section_size  }
0x9a: {  	s5 =	simm.s32 $_size__tile_overlayer_lowered;
	s6 =	simm.s32 $_tile_overlayer_lowered  }
0x9b: {  	s22 =	simm.s32 $0x1BFF;
	s21 =	sshll.u32 s6, $0x1;
	s3 =	sadd.s32 s4, s19  }
0x9c: {  	s7 =	simm.s32 $0x0;
	s20 =	sshll.u32 s5, $0x1;
	s5 =	sadd.s32 s21, s3  }
0x9d: {  	[timem:s7], [sflag:s22] =	dma.local [hbm:s5], s20  }
0x9e: {  	_ =	swait.ge [sflag:s22], s20  }
0x9f: {  	s4 =	ssub.s32 $0x0, s20;
	[sflag:s22] =	ssyncset.done $0x0  }
0xa0: {  	[sflag:s22] =	ssyncadd.s32 s4;
	_ =	sdelay $0x1  }
0xa1: {  	s23 =	simm.s32 $0x1B8B  }
0xa2: {  	_ =	swait.ge [sflag:s23], $0x1  }
0xa3: {  	[sflag:s23] =	ssyncset.done $0x0  }
0xa4: {  	s25 =	simm.s32 $0x1B8E;
	s24 =	sld [smem:$0x3FFE];
	[sflag:s23] =	ssyncadd.s32 $0xFFFFFFFF  }
0xa5: {  	s26 =	simm.s32 $execute0_lowered;
	[smem:$0x3FD2] =	sst s25  }
0xa6: {  	s5 =	sshll.u32 s26, $0x1;
	_ =	strace $0x80000049;
	[dreg:$0x1] =	wrdreg $0xFFFFFFFF  }
0xa7: {  	s28 =	simm.s32 $_size_execute0_lowered;
	s3 =	sadd.s32 s3, s5;
	[dreg:$0x0] =	wrdreg $0x0  }
0xa8: {  	s5 =	sshll.u32 s28, $0x1;
	[dreg:$0x2] =	wrdreg s3  }
0xa9: {  	[dreg:$0x3] =	wrdreg s5  }
0xaa: {  	[dreg:$0x4] =	wrdreg $0xC0  }
0xab: {  	_ =	task [dreg:s7], $0x5FFFF  }
0xac: {  	[dreg:$0x1] =	wrdreg $0xFFFFFFFF  }
0xad: {  	[dreg:$0x0] =	wrdreg $0x60  }
0xae: {  	[dreg:$0x2] =	wrdreg s24  }
0xaf: {  	[dreg:$0x3] =	wrdreg s2  }
0xb0: {  	[dreg:$0x4] =	wrdreg $0x0  }
0xb1: {  	[dreg:$0x5] =	wrdreg $0x9  }
0xb2: {  	_ =	task.clear_ibuf [dreg:s7], $0x6FFFF;
	_ =	strace $0x90000049  }
0xb3: {  	s29 =	simm.s32 $0x9;
	_ =	strace $0x8000004B  }
0xb4: {  	_ =	swait.ge [sflag:s29], $0x1  }
0xb5: {  	[sflag:s29] =	ssyncadd.s32 $0xFFFFFFFF  }
0xb6: {  	_ =	strace $0x9000004B  }
0xb7: {  	_ =	sfence  }
0xb8: {  	s30 =	sld [smem:$0x0];
	_ =	sdelay $0x2  }
0xb9: {  	s31 =	sshll.u32 s1, $0xD;
	s1 =	sshrl.u32 s1, $0x2  }
0xba: {  	s3 =	sand.u32 $0x4000, s31;
	s1 =	sadd.s32 s1, s30  }
0xbb: {  	s0 =	sor.u32 s3, s0;
	s1 =	sshll.u32 s1, $0x11  }
0xbc: {  	s0 =	sor.u32 s1, s0  }
0xbd: {  	s0 =	sadd.s32 $0x8F2B, s0  }
0xbe: {  	[sflag:s0] =	ssyncadd.remote.s32 $0x1  }
0xbf: {  	_ =	sfence.sel $0xFFFF  }
0xc0: {  	[dreg:$0x0] =	wrdreg $0xFFFFFFFF;
	(pc) =	sbr.abs _section_cstart, $3  }
0xc1: {  	[dreg:$0x1] =	wrdreg $0xFFFFFFFF  }
0xc2: {  	_ =	task.clear_ibuf [dreg:s7], $0x2FFFF;
	_ =	strace $0x9FFFFFFF  }
0xc3: {  	(tm) =	ssettm $0x7FFFFFFF  }
tec
execute0_lowered:
.L_overlay_start_1:
0x0: {  	(tag) =	ssettag $0x1  }
0x1: {  	s5 =	rddreg [dreg:$0x0]  }
0x2: {  	s10 =	rddreg [dreg:$0x1]  }
0x3: {  	s0 =	srdreg.scid;
	s2 =	rddreg [dreg:$0x2]  }
0x4: {  	s1 =	rddreg [dreg:$0x3];
	s6 =	sand.u32 $0x1, s0  }
0x5: {  	s3 =	simm.s32 $0x0;
	s0 =	stileid.u32;
	s4 =	smul.u32 $0x50000, s6  }
0x6: {  	s15 =	simm.s32 $0x80;
	s16 =	simm.s32 $0x14000;
	s7 =	smul.u32 $0x5000, s0  }
0x7: {  	s17 =	simm.s32 $0x1;
	[smem:$0x7FF] =	sst s3;
	s26 =	smul.u32 $0x14000, s0  }
0x8: {  	s18 =	simm.s32 $0x0;
	s9 =	smul.u32 $0x140000, s6;
	_ =	strace $0x8000004A  }
0x9: {  	s29 =	smul.u32 $0x50000, s0;
	s6 =	ssub.s32 $0x2, s6;
	s31 =	sshll.u32 s0, $0x6  }
0xa: {  	s14 =	smul.u32 $0xA00, s0;
	s30 =	sshrl.u32 s6, $0x1;
	s4 =	sadd.s32 s7, s4  }
0xb: {  	s28 =	sshrl.u32 s26, $0x3;
	s7 =	sadd.s32 s26, s9;
	s9 =	sshrl.u32 s29, $0x2  }
0xc: {  	s12 =	ssub.s32 s6, s30;
	s6 =	sor.u32 $0x1C02, s31;
	s10 =	sadd.s32 s14, s10  }
0xd: {  	s14 =	simm.s32 $0x18080;
	s8 =	sshrl.u32 s4, $0x3;
	s4 =	sadd.s32 $0x92200, s5  }
0xe: {  	s7 =	sshrl.u32 s7, $0x3;
	s11 =	sadd.s32 s8, s5;
	s8 =	sadd.s32 s28, s5  }
0xf: {  	s13 =	sadd.s32 s9, s2;
	s7 =	sadd.s32 s7, s5;
	s5 =	sadd.s32 $0x6200, s8  }
0x10: {  	s7 =	sadd.s32 $0xE2200, s7;
	s8 =	smax.u32 s12, $0x1;
	s9 =	sadd.s32 $0x7E200, s11  }
0x11: {  	s11 =	sshrl.u32 s13, $0x3;
	s12 =	simm.s32 $0x2;
	s13 =	simm.s32 $0x18000  }
.LBB2_1:
0x12: {  	[spmem:s11], [sflag:s6] =	dma.local [hbm:s5], $0x2800  }
0x13: {  	_ =	swait.ge [sflag:s12], $0x2800  }
0x14: {  	[sflag:s12] =	ssyncset.done $0x0  }
0x15: {  	[sflag:s12] =	ssyncadd.s32 $0xFFFFD800  }
0x16: {  	s19 =	sadd.s32 $0x0, s9;
	[bflag:$0x0] =	sbarrier.arrive $0xFFFF  }
0x17: {  	[tilespmem:s13], [sflag:$0x2] =	stream.linear.gather [hbm4b:s19+s3], $0x80, $0x38;
	[tilespmem:$0x18100] =	vst v63  }
0x18: {  	_ =	swait.ge [sflag:s12], $0x80  }
0x19: {  	[sflag:s12] =	ssyncset.done $0x0  }
0x1a: {  	s31 =	sadd.s32 $0x0, s10;
	[sflag:s12] =	ssyncadd.s32 $0xFFFFFF80  }
0x1b: {  	[tilespmem:s14], [sflag:$0x2] =	stream.linear.gather [hbm4b:s31+s3], $0x80, $0x38;
	[tilespmem:$0x18100] =	vst v63  }
0x1c: {  	_ =	swait.ge [sflag:s12], $0x80  }
0x1d: {  	[sflag:s12] =	ssyncset.done $0x0  }
0x1e: {  	[sflag:s12] =	ssyncadd.s32 $0xFFFFFF80  }
0x1f: {  	[tilespmem:s16], [sflag:$0x1] =	stream.indirect.gather [hbm4b:s4+s15], $0x80, s13, s15, $0xb8;
	[tilespmem:$0x18100] =	vst v63  }
0x20: {  	_ =	swait.ge [sflag:s17], $0x4000  }
0x21: {  	[sflag:s17] =	ssyncset.done $0x0  }
0x22: {  	[sflag:s17] =	ssyncadd.s32 $0xFFFFC000  }
0x23: {  	[spmem:s2] =	stream.indirect.scatter.add.f32 [tilespmem:s16], [sflag:$0x2], $0x80, s14, s15, $0xb8;
	[tilespmem:$0x18100] =	vst v63  }
0x24: {  	_ =	swait.ge [sflag:s12], $0x4000  }
0x25: {  	s20 =	simm.s32 $0x20;
	s19 =	simm.s32 $0x10;
	[sflag:s12] =	ssyncset.done $0x0  }
.LBB2_2:
0x26: {  	s21 =	sadd.s32 s19, s9  }
0x27: {  	[sflag:s12] =	ssyncadd.s32 $0xFFFFC000;
	s22 =	smov.u32 s20;
	s23 =	sadd.s32 $0x10, s20  }
0x28: {  	[tilespmem:s13], [sflag:$0x2] =	stream.linear.gather [hbm4b:s21+s3], $0x80, $0x38;
	[tilespmem:$0x18100] =	vst v63  }
0x29: {  	p0 =	sne.s32 s20, $0x9F0;
	_ =	swait.ge [sflag:s12], $0x80  }
0x2a: {  	[sflag:s12] =	ssyncset.done $0x0  }
0x2b: {  	s20 =	sadd.s32 s19, s10;
	s19 =	smov.u32 s22;
	[sflag:s12] =	ssyncadd.s32 $0xFFFFFF80  }
0x2c: {  	[tilespmem:s14], [sflag:$0x2] =	stream.linear.gather [hbm4b:s20+s3], $0x80, $0x38;
	[tilespmem:$0x18100] =	vst v63  }
0x2d: {  	_ =	swait.ge [sflag:s12], $0x80  }
0x2e: {  	[sflag:s12] =	ssyncset.done $0x0  }
0x2f: {  	[sflag:s12] =	ssyncadd.s32 $0xFFFFFF80  }
0x30: {  	[tilespmem:s16], [sflag:$0x1] =	stream.indirect.gather [hbm4b:s4+s15], $0x80, s13, s15, $0xb8;
	[tilespmem:$0x18100] =	vst v63  }
0x31: {  	_ =	swait.ge [sflag:s17], $0x4000  }
.Ltmp0:
0x32: {  	[sflag:s17] =	ssyncset.done $0x0;
	(pc) =	sbr.rel @p0 .LBB2_2-.Ltmp0, $4  }
0x33: {  	[sflag:s17] =	ssyncadd.s32 $0xFFFFC000  }
0x34: {  	[spmem:s2] =	stream.indirect.scatter.add.f32 [tilespmem:s16], [sflag:$0x2], $0x80, s14, s15, $0xb8;
	[tilespmem:$0x18100] =	vst v63  }
0x35: {  	_ =	swait.ge [sflag:s12], $0x4000  }
0x36: {  	s20 =	smov.u32 s23;
	[sflag:s12] =	ssyncset.done $0x0  }
0x37: {  	s20 =	sadd.s32 s19, s9;
	[sflag:s12] =	ssyncadd.s32 $0xFFFFC000  }
0x38: {  	[tilespmem:s13], [sflag:$0x2] =	stream.linear.gather [hbm4b:s20+s3], $0x80, $0x38;
	[tilespmem:$0x18100] =	vst v63  }
0x39: {  	_ =	swait.ge [sflag:s12], $0x80  }
0x3a: {  	[sflag:s12] =	ssyncset.done $0x0  }
0x3b: {  	s31 =	sadd.s32 s19, s10;
	[sflag:s12] =	ssyncadd.s32 $0xFFFFFF80  }
0x3c: {  	[tilespmem:s14], [sflag:$0x2] =	stream.linear.gather [hbm4b:s31+s3], $0x80, $0x38;
	[tilespmem:$0x18100] =	vst v63  }
0x3d: {  	_ =	swait.ge [sflag:s12], $0x80  }
0x3e: {  	[sflag:s12] =	ssyncset.done $0x0  }
0x3f: {  	[sflag:s12] =	ssyncadd.s32 $0xFFFFFF80  }
0x40: {  	[tilespmem:s16], [sflag:$0x1] =	stream.indirect.gather [hbm4b:s4+s15], $0x80, s13, s15, $0xb8;
	[tilespmem:$0x18100] =	vst v63  }
0x41: {  	_ =	swait.ge [sflag:s17], $0x4000  }
0x42: {  	[sflag:s17] =	ssyncset.done $0x0  }
0x43: {  	[sflag:s17] =	ssyncadd.s32 $0xFFFFC000  }
0x44: {  	[spmem:s2] =	stream.indirect.scatter.add.f32 [tilespmem:s16], [sflag:$0x2], $0x80, s14, s15, $0xb8;
	[tilespmem:$0x18100] =	vst v63  }
0x45: {  	_ =	swait.ge [sflag:s12], $0x4000  }
0x46: {  	s18 =	sadd.s32 $0x1, s18;
	[sflag:s12] =	ssyncset.done $0x0  }
0x47: {  	p0 =	sne.s32 s18, s8;
	[sflag:s12] =	ssyncadd.s32 $0xFFFFC000  }
.Ltmp1:
0x48: {  	[bflag:$0x0] =	sbarrier.arrive $0xFFFF;
	(pc) =	sbr.rel @p0 .LBB2_1-.Ltmp1, $4  }
0x49: {  	[hbm:s7], [sflag:s6] =	dma.local [spmem:s11], $0x2800  }
0x4a: {  	_ =	swait.ge [sflag:s12], $0x2800  }
0x4b: {  	[sflag:s12] =	ssyncset.done $0x0  }
0x4c: {  	[sflag:s12] =	ssyncadd.s32 $0xFFFFD800  }
0x4d: {  	_ =	sfence.sel $0x180000  }
0x4e: {  	[bflag:$0x0] =	sbarrier.arrive $0xFFFF  }
0x4f: {  	p0 =	sne.s32 s0, $0x0;
	_ =	strace $0x9000004A  }
0x50: {  	s0 =	sadd.s32 @!p0 $0x100000, s1;
	[bflag:$0x2] =	sbarrier.arrive $0xFFFF  }
0x51: {  	[sflag:s0] =	ssyncadd.tile.s32 @!p0 $0x1;
	_ =	shalt  }
.Lfunc_end2:
_tile_overlayer_lowered:
.L_overlay_start_2:
0x52: {  	(tag) =	ssettag $0x2  }
0x53: {  	s0 =	rddreg [dreg:$0x0];
	s2 =	stileid.u32  }
0x54: {  	s1 =	rddreg [dreg:$0x1];
	p0 =	sne.s32 s2, $0x0  }
0x55: {  	s3 =	rddreg [dreg:$0x2];
	[bflag:$0x3] =	sbarrier.arrive $0xFFFF;
	s2 =	simm.s32 @!p0 $0x1C02  }
0x56: {  	[timem:s3], [sflag:s2] =	dma.local @!p0 [hbm:s0], s1  }
0x57: {  	s0 =	simm.s32 @!p0 $0x2  }
0x58: {  	_ =	swait.ge @!p0 [sflag:s0], s1  }
0x59: {  	s1 =	ssub.s32 @!p0 $0x0, s1;
	[sflag:s0] =	ssyncset.done @!p0 $0x0  }
0x5a: {  	[sflag:s0] =	ssyncadd.s32 @!p0 s1  }
0x5b: {  	[bflag:$0x3] =	sbarrier.arrive $0xFFFF  }
0x5c: {  	_ =	shalt  }

// kernel: kernel.26.cloned.1.call-start
scs
__scs_entry_jumppad:
0x0: {  	(pc) =	sbr.rel $0x88, $3  }
0x1: {  	(tag) =	ssettag $0x0;
	lr =	simm.s32 $0x1  }
0x2: {  	[smem:$0x3F98] =	sst lr;
	_ =	strace $0xD0000000  }
0x3: {  	_ = 	snop  }
0x4: {  	_ = 	snop  }
0x5: {  	_ = 	snop  }
0x6: {  	_ = 	snop  }
0x7: {  	_ = 	snop  }
__scs_overlays_trampoline_lowered:
0x8: {  	[smem:$0x3FA7] =	sst s0  }
0x9: {  	[smem:$0x3FA8] =	sst s1  }
0xa: {  	[smem:$0x3FA9] =	sst s2  }
0xb: {  	[smem:$0x3FAA] =	sst s3  }
0xc: {  	[smem:$0x3FAB] =	sst s4  }
0xd: {  	[smem:$0x3FAC] =	sst s5  }
0xe: {  	[smem:$0x3FAD] =	sst s6  }
0xf: {  	[smem:$0x3FAE] =	sst s7  }
0x10: {  	[smem:$0x3FAF] =	sst s8  }
0x11: {  	[smem:$0x3FB0] =	sst s9;
	s0 =	simm.s32 @!p0 $0x0  }
0x12: {  	s1 =	sld [smem:$0x3F96];
	s0 =	simm.s32 @p0 $0x1  }
0x13: {  	[smem:$0x3FB1] =	sst s0;
	s0 =	simm.s32 @!p1 $0x0  }
0x14: {  	s2 =	sld [smem:$0x3F95];
	s0 =	simm.s32 @p1 $0x1  }
0x15: {  	[smem:$0x3FB2] =	sst s0;
	s0 =	simm.s32 @!p2 $0x0  }
0x16: {  	s3 =	sld [smem:$0x3FDB];
	s0 =	simm.s32 @p2 $0x1  }
0x17: {  	s4 =	simm.s32 $0x1BF5;
	[smem:$0x3FB4] =	sst s0  }
0x18: {  	s0 =	sld [smem:$0x3F97];
	_ =	swait.ge [sflag:s4], $0x0  }
0x19: {  	s7 =	sld [smem:$0x3F98]  }
0x1a: {  	s8 =	sadd.s32 $0xFFFFE003, lr  }
0x1b: {  	s9 =	sadd.s32 $0xFFFFFEF7, lr;
	s5 =	simm.s32 $0xFFFFFFFF;
	p2 =	slt.u32 s8, $0xFFFFF086  }
0x1c: {  	p1 =	slt.u32 s9, $0xF7A;
	s5 =	simm.s32 @!p2 $0x0  }
0x1d: {  	s5 =	simm.s32 @p1 $0x1;
	p0 =	seq.s32 s7, s2  }
0x1e: {  	s7 =	smul.u32 @!p0 $0xF7A, s2;
	p2 =	seq.s32 @!p0 s5, $0x0  }
0x1f: {  	s9 =	smul.u32 $0xF7A, s1;
	s8 =	simm.s32 @!p0 $0x1BF5;
	p2 =	por !p2, p0  }
0x20: {  	[sflag:s8] =	ssyncset.s32 @!p0 $0xFFFFF086;
	s6 =	sadd.s32 @!p0 s3, s7;
	s7 =	simm.s32 @!p0 $0x108  }
0x21: {  	s3 =	sadd.s32 s3, s9;
	s6 =	sadd.s32 @!p0 $0x88, s6;
	s7 =	simm.s32 @p2 $0x1082  }
0x22: {  	[simem:s7], [sflag:s8] =	dma.local @!p0 [hbm:s6], $0xF7A  }
0x23: {  	s9 =	sor.u32 $0xD0000000, s2;
	s6 =	simm.s32 $0x108;
	_ =	swait.ge @!p0 [sflag:s8], $0x0  }
0x24: {  	s3 =	sadd.s32 $0x88, s3;
	s6 =	simm.s32 @!p1 $0x1082;
	[sflag:s4] =	ssyncset.s32 $0xFFFFF086  }
0x25: {  	[simem:s6], [sflag:s4] =	dma.local [hbm:s3], $0xF7A  }
0x26: {  	[smem:$0x3F98] =	sst s1;
	(tag) =	ssettag s2;
	_ =	strace s9  }
0x27: {  	s1 =	sld [smem:$0x3FA8]  }
0x28: {  	s2 =	sld [smem:$0x3FA9]  }
0x29: {  	s4 =	sld [smem:$0x3FAB]  }
0x2a: {  	p0 =	seq.s32 s5, $0x0;
	s5 =	sld [smem:$0x3FAC]  }
0x2b: {  	s6 =	sld [smem:$0x3FAD]  }
0x2c: {  	s7 =	sld [smem:$0x3FAE]  }
0x2d: {  	s3 =	simm.s32 $0x108;
	s8 =	sld [smem:$0x3FAF]  }
0x2e: {  	s3 =	simm.s32 @!p0 $0x1082;
	s9 =	sld [smem:$0x3FB0]  }
0x2f: {  	lr =	sadd.s32 s0, s3;
	s0 =	sld [smem:$0x3FA7]  }
0x30: {  	s3 =	sld [smem:$0x3FAA]  }
0x31: {  	[smem:$0x3FB3] =	sst s10  }
0x32: {  	s10 =	sld [smem:$0x3FB1];
	_ =	sdelay $0x3  }
0x33: {  	p0 =	seq.s32 s10, $0x1;
	s10 =	sld [smem:$0x3FB3];
	_ =	sdelay $0x3  }
0x34: {  	[smem:$0x3FB3] =	sst s10  }
0x35: {  	s10 =	sld [smem:$0x3FB2];
	_ =	sdelay $0x3  }
0x36: {  	p1 =	seq.s32 s10, $0x1;
	s10 =	sld [smem:$0x3FB3];
	_ =	sdelay $0x3  }
0x37: {  	[smem:$0x3FB3] =	sst s10  }
0x38: {  	s10 =	sld [smem:$0x3FB4]  }
0x39: {  	_ = 	snop;
	(pc) =	sbr.ind lr, $3  }
0x3a: {  	_ = 	snop  }
0x3b: {  	_ = 	snop  }
0x3c: {  	p2 =	seq.s32 s10, $0x1;
	s10 =	sld [smem:$0x3FB3]  }
0x3d: {  	_ =	shalt  }
0x3e: {  	_ =	shalt  }
0x3f: {  	_ =	shalt  }
0x40: {  	_ =	shalt  }
0x41: {  	_ =	shalt  }
0x42: {  	_ =	shalt  }
0x43: {  	_ =	shalt  }
0x44: {  	_ =	shalt  }
0x45: {  	_ =	shalt  }
0x46: {  	_ =	shalt  }
0x47: {  	_ =	shalt  }
0x48: {  	_ =	shalt  }
0x49: {  	_ =	shalt  }
0x4a: {  	_ =	shalt  }
0x4b: {  	_ =	shalt  }
0x4c: {  	_ =	shalt  }
0x4d: {  	_ =	shalt  }
0x4e: {  	_ =	shalt  }
0x4f: {  	_ =	shalt  }
0x50: {  	_ =	shalt  }
0x51: {  	_ =	shalt  }
0x52: {  	_ =	shalt  }
0x53: {  	_ =	shalt  }
0x54: {  	_ =	shalt  }
0x55: {  	_ =	shalt  }
0x56: {  	_ =	shalt  }
0x57: {  	_ =	shalt  }
0x58: {  	_ =	shalt  }
0x59: {  	_ =	shalt  }
0x5a: {  	_ =	shalt  }
0x5b: {  	_ =	shalt  }
0x5c: {  	_ =	shalt  }
0x5d: {  	_ =	shalt  }
0x5e: {  	_ =	shalt  }
0x5f: {  	_ =	shalt  }
0x60: {  	_ =	shalt  }
0x61: {  	_ =	shalt  }
0x62: {  	_ =	shalt  }
0x63: {  	_ =	shalt  }
0x64: {  	_ =	shalt  }
0x65: {  	_ =	shalt  }
0x66: {  	_ =	shalt  }
0x67: {  	_ =	shalt  }
0x68: {  	_ =	shalt  }
0x69: {  	_ =	shalt  }
0x6a: {  	_ =	shalt  }
0x6b: {  	_ =	shalt  }
0x6c: {  	_ =	shalt  }
0x6d: {  	_ =	shalt  }
0x6e: {  	_ =	shalt  }
0x6f: {  	_ =	shalt  }
0x70: {  	_ =	shalt  }
0x71: {  	_ =	shalt  }
0x72: {  	_ =	shalt  }
0x73: {  	_ =	shalt  }
0x74: {  	_ =	shalt  }
0x75: {  	_ =	shalt  }
0x76: {  	_ =	shalt  }
0x77: {  	_ =	shalt  }
0x78: {  	_ =	shalt  }
0x79: {  	_ =	shalt  }
0x7a: {  	_ =	shalt  }
0x7b: {  	_ =	shalt  }
0x7c: {  	_ =	shalt  }
0x7d: {  	_ =	shalt  }
0x7e: {  	_ =	shalt  }
0x7f: {  	_ =	shalt  }
0x80: {  	_ =	shalt  }
0x81: {  	_ =	shalt  }
0x82: {  	_ =	shalt  }
0x83: {  	_ =	shalt  }
0x84: {  	_ =	shalt  }
0x85: {  	_ =	shalt  }
0x86: {  	_ =	shalt  }
0x87: {  	_ =	shalt  }
.Lfunc_end0:
.L_simem_size_0:
called_computation.2_lowered:
.L_overlay_start_0:
0x88: {  	s2 =	sld [smem:$0x3FD9]  }
0x89: {  	s3 =	sld [smem:$0x3FFE];
	_ =	sdelay $0x1  }
0x8a: {  	s1 =	srdreg.scid  }
0x8b: {  	s0 =	sand.u32 $0x1, s1  }
0x8c: {  	s17 =	sshll.u32 s0, $0xA;
	s2 =	sadd.s32 s3, s2  }
0x8d: {  	s2 =	sadd.s32 s2, s17  }
0x8e: {  	[smem:$0x3FBF] =	sst s2  }
0x8f: {  	_ = 	snop  }
0x90: {  	s2 =	sld [smem:$0x3FD0];
	(tm) =	ssettm $0x1  }
0x91: {  	s18 =	sld [smem:$0x3FFB];
	_ =	sdelay $0x3  }
0x92: {  	_ =	strace s18  }
0x93: {  	s3 =	sld [smem:$0x3FFC];
	_ =	sdelay $0x3  }
0x94: {  	_ =	strace s3  }
0x95: {  	s3 =	sld [smem:$0x3FFD];
	_ =	sdelay $0x3  }
0x96: {  	_ =	strace s3  }
0x97: {  	_ =	strace $0x8FFFFFFF  }
0x98: {  	s19 =	sld [smem:$0x3FDB];
	_ =	sdelay $0x1  }
0x99: {  	s4 =	simm.s32 $_scs_section_size  }
0x9a: {  	s5 =	simm.s32 $_size__tile_overlayer_lowered;
	s6 =	simm.s32 $_tile_overlayer_lowered  }
0x9b: {  	s22 =	simm.s32 $0x1BFF;
	s21 =	sshll.u32 s6, $0x1;
	s3 =	sadd.s32 s4, s19  }
0x9c: {  	s7 =	simm.s32 $0x0;
	s20 =	sshll.u32 s5, $0x1;
	s5 =	sadd.s32 s21, s3  }
0x9d: {  	[timem:s7], [sflag:s22] =	dma.local [hbm:s5], s20  }
0x9e: {  	_ =	swait.ge [sflag:s22], s20  }
0x9f: {  	s4 =	ssub.s32 $0x0, s20;
	[sflag:s22] =	ssyncset.done $0x0  }
0xa0: {  	[sflag:s22] =	ssyncadd.s32 s4;
	_ =	sdelay $0x1  }
0xa1: {  	s23 =	simm.s32 $0x1B8B  }
0xa2: {  	_ =	swait.ge [sflag:s23], $0x1  }
0xa3: {  	[sflag:s23] =	ssyncset.done $0x0  }
0xa4: {  	s25 =	simm.s32 $0x1B8E;
	s24 =	sld [smem:$0x3FFE];
	[sflag:s23] =	ssyncadd.s32 $0xFFFFFFFF  }
0xa5: {  	s26 =	simm.s32 $execute0_lowered;
	[smem:$0x3FD2] =	sst s25  }
0xa6: {  	s5 =	sshll.u32 s26, $0x1;
	_ =	strace $0x8000004C;
	[dreg:$0x1] =	wrdreg $0xFFFFFFFF  }
0xa7: {  	s28 =	simm.s32 $_size_execute0_lowered;
	s3 =	sadd.s32 s3, s5;
	[dreg:$0x0] =	wrdreg $0x0  }
0xa8: {  	s5 =	sshll.u32 s28, $0x1;
	[dreg:$0x2] =	wrdreg s3  }
0xa9: {  	[dreg:$0x3] =	wrdreg s5  }
0xaa: {  	[dreg:$0x4] =	wrdreg $0xC0  }
0xab: {  	_ =	task [dreg:s7], $0x5FFFF  }
0xac: {  	[dreg:$0x1] =	wrdreg $0xFFFFFFFF  }
0xad: {  	[dreg:$0x0] =	wrdreg $0x60  }
0xae: {  	[dreg:$0x2] =	wrdreg s24  }
0xaf: {  	[dreg:$0x3] =	wrdreg s2  }
0xb0: {  	[dreg:$0x4] =	wrdreg $0x0  }
0xb1: {  	[dreg:$0x5] =	wrdreg $0x9  }
0xb2: {  	_ =	task.clear_ibuf [dreg:s7], $0x6FFFF;
	_ =	strace $0x9000004C  }
0xb3: {  	s29 =	simm.s32 $0x9;
	_ =	strace $0x8000004E  }
0xb4: {  	_ =	swait.ge [sflag:s29], $0x1  }
0xb5: {  	[sflag:s29] =	ssyncadd.s32 $0xFFFFFFFF  }
0xb6: {  	_ =	strace $0x9000004E  }
0xb7: {  	_ =	sfence  }
0xb8: {  	s30 =	sld [smem:$0x0];
	_ =	sdelay $0x2  }
0xb9: {  	s31 =	sshll.u32 s1, $0xD;
	s1 =	sshrl.u32 s1, $0x2  }
0xba: {  	s3 =	sand.u32 $0x4000, s31;
	s1 =	sadd.s32 s1, s30  }
0xbb: {  	s0 =	sor.u32 s3, s0;
	s1 =	sshll.u32 s1, $0x11  }
0xbc: {  	s0 =	sor.u32 s1, s0  }
0xbd: {  	s0 =	sadd.s32 $0x8F2B, s0  }
0xbe: {  	[sflag:s0] =	ssyncadd.remote.s32 $0x1  }
0xbf: {  	_ =	sfence.sel $0xFFFF  }
0xc0: {  	[dreg:$0x0] =	wrdreg $0xFFFFFFFF;
	(pc) =	sbr.abs _section_cstart, $3  }
0xc1: {  	[dreg:$0x1] =	wrdreg $0xFFFFFFFF  }
0xc2: {  	_ =	task.clear_ibuf [dreg:s7], $0x2FFFF;
	_ =	strace $0x9FFFFFFF  }
0xc3: {  	(tm) =	ssettm $0x7FFFFFFF  }
tec
execute0_lowered:
.L_overlay_start_1:
0x0: {  	(tag) =	ssettag $0x1  }
0x1: {  	s5 =	rddreg [dreg:$0x0]  }
0x2: {  	s10 =	rddreg [dreg:$0x1]  }
0x3: {  	s0 =	srdreg.scid;
	s2 =	rddreg [dreg:$0x2]  }
0x4: {  	s1 =	rddreg [dreg:$0x3];
	s6 =	sand.u32 $0x1, s0  }
0x5: {  	s3 =	simm.s32 $0x0;
	s0 =	stileid.u32;
	s4 =	smul.u32 $0x50000, s6  }
0x6: {  	s15 =	simm.s32 $0x80;
	s16 =	simm.s32 $0x14000;
	s7 =	smul.u32 $0x5000, s0  }
0x7: {  	s17 =	simm.s32 $0x1;
	[smem:$0x7FF] =	sst s3;
	s26 =	smul.u32 $0x14000, s0  }
0x8: {  	s18 =	simm.s32 $0x0;
	s9 =	smul.u32 $0x140000, s6;
	_ =	strace $0x8000004D  }
0x9: {  	s29 =	smul.u32 $0x50000, s0;
	s6 =	ssub.s32 $0x2, s6;
	s31 =	sshll.u32 s0, $0x6  }
0xa: {  	s14 =	smul.u32 $0xA00, s0;
	s30 =	sshrl.u32 s6, $0x1;
	s4 =	sadd.s32 s7, s4  }
0xb: {  	s28 =	sshrl.u32 s26, $0x3;
	s7 =	sadd.s32 s26, s9;
	s9 =	sshrl.u32 s29, $0x2  }
0xc: {  	s12 =	ssub.s32 s6, s30;
	s6 =	sor.u32 $0x1C02, s31;
	s10 =	sadd.s32 s14, s10  }
0xd: {  	s14 =	simm.s32 $0x18080;
	s8 =	sshrl.u32 s4, $0x3;
	s4 =	sadd.s32 $0x92200, s5  }
0xe: {  	s7 =	sshrl.u32 s7, $0x3;
	s11 =	sadd.s32 s8, s5;
	s8 =	sadd.s32 s28, s5  }
0xf: {  	s13 =	sadd.s32 s9, s2;
	s7 =	sadd.s32 s7, s5;
	s5 =	sadd.s32 $0x6200, s8  }
0x10: {  	s7 =	sadd.s32 $0xE2200, s7;
	s8 =	smax.u32 s12, $0x1;
	s9 =	sadd.s32 $0x7E200, s11  }
0x11: {  	s11 =	sshrl.u32 s13, $0x3;
	s12 =	simm.s32 $0x2;
	s13 =	simm.s32 $0x18000  }
.LBB2_1:
0x12: {  	[spmem:s11], [sflag:s6] =	dma.local [hbm:s5], $0x2800  }
0x13: {  	_ =	swait.ge [sflag:s12], $0x2800  }
0x14: {  	[sflag:s12] =	ssyncset.done $0x0  }
0x15: {  	[sflag:s12] =	ssyncadd.s32 $0xFFFFD800  }
0x16: {  	s19 =	sadd.s32 $0x0, s9;
	[bflag:$0x0] =	sbarrier.arrive $0xFFFF  }
0x17: {  	[tilespmem:s13], [sflag:$0x2] =	stream.linear.gather [hbm4b:s19+s3], $0x80, $0x38;
	[tilespmem:$0x18100] =	vst v63  }
0x18: {  	_ =	swait.ge [sflag:s12], $0x80  }
0x19: {  	[sflag:s12] =	ssyncset.done $0x0  }
0x1a: {  	s31 =	sadd.s32 $0x0, s10;
	[sflag:s12] =	ssyncadd.s32 $0xFFFFFF80  }
0x1b: {  	[tilespmem:s14], [sflag:$0x2] =	stream.linear.gather [hbm4b:s31+s3], $0x80, $0x38;
	[tilespmem:$0x18100] =	vst v63  }
0x1c: {  	_ =	swait.ge [sflag:s12], $0x80  }
0x1d: {  	[sflag:s12] =	ssyncset.done $0x0  }
0x1e: {  	[sflag:s12] =	ssyncadd.s32 $0xFFFFFF80  }
0x1f: {  	[tilespmem:s16], [sflag:$0x1] =	stream.indirect.gather [hbm4b:s4+s15], $0x80, s13, s15, $0xb8;
	[tilespmem:$0x18100] =	vst v63  }
0x20: {  	_ =	swait.ge [sflag:s17], $0x4000  }
0x21: {  	[sflag:s17] =	ssyncset.done $0x0  }
0x22: {  	[sflag:s17] =	ssyncadd.s32 $0xFFFFC000  }
0x23: {  	[spmem:s2] =	stream.indirect.scatter.add.f32 [tilespmem:s16], [sflag:$0x2], $0x80, s14, s15, $0xb8;
	[tilespmem:$0x18100] =	vst v63  }
0x24: {  	_ =	swait.ge [sflag:s12], $0x4000  }
0x25: {  	s20 =	simm.s32 $0x20;
	s19 =	simm.s32 $0x10;
	[sflag:s12] =	ssyncset.done $0x0  }
.LBB2_2:
0x26: {  	s21 =	sadd.s32 s19, s9  }
0x27: {  	[sflag:s12] =	ssyncadd.s32 $0xFFFFC000;
	s22 =	smov.u32 s20;
	s23 =	sadd.s32 $0x10, s20  }
0x28: {  	[tilespmem:s13], [sflag:$0x2] =	stream.linear.gather [hbm4b:s21+s3], $0x80, $0x38;
	[tilespmem:$0x18100] =	vst v63  }
0x29: {  	p0 =	sne.s32 s20, $0x9F0;
	_ =	swait.ge [sflag:s12], $0x80  }
0x2a: {  	[sflag:s12] =	ssyncset.done $0x0  }
0x2b: {  	s20 =	sadd.s32 s19, s10;
	s19 =	smov.u32 s22;
	[sflag:s12] =	ssyncadd.s32 $0xFFFFFF80  }
0x2c: {  	[tilespmem:s14], [sflag:$0x2] =	stream.linear.gather [hbm4b:s20+s3], $0x80, $0x38;
	[tilespmem:$0x18100] =	vst v63  }
0x2d: {  	_ =	swait.ge [sflag:s12], $0x80  }
0x2e: {  	[sflag:s12] =	ssyncset.done $0x0  }
0x2f: {  	[sflag:s12] =	ssyncadd.s32 $0xFFFFFF80  }
0x30: {  	[tilespmem:s16], [sflag:$0x1] =	stream.indirect.gather [hbm4b:s4+s15], $0x80, s13, s15, $0xb8;
	[tilespmem:$0x18100] =	vst v63  }
0x31: {  	_ =	swait.ge [sflag:s17], $0x4000  }
.Ltmp0:
0x32: {  	[sflag:s17] =	ssyncset.done $0x0;
	(pc) =	sbr.rel @p0 .LBB2_2-.Ltmp0, $4  }
0x33: {  	[sflag:s17] =	ssyncadd.s32 $0xFFFFC000  }
0x34: {  	[spmem:s2] =	stream.indirect.scatter.add.f32 [tilespmem:s16], [sflag:$0x2], $0x80, s14, s15, $0xb8;
	[tilespmem:$0x18100] =	vst v63  }
0x35: {  	_ =	swait.ge [sflag:s12], $0x4000  }
0x36: {  	s20 =	smov.u32 s23;
	[sflag:s12] =	ssyncset.done $0x0  }
0x37: {  	s20 =	sadd.s32 s19, s9;
	[sflag:s12] =	ssyncadd.s32 $0xFFFFC000  }
0x38: {  	[tilespmem:s13], [sflag:$0x2] =	stream.linear.gather [hbm4b:s20+s3], $0x80, $0x38;
	[tilespmem:$0x18100] =	vst v63  }
0x39: {  	_ =	swait.ge [sflag:s12], $0x80  }
0x3a: {  	[sflag:s12] =	ssyncset.done $0x0  }
0x3b: {  	s31 =	sadd.s32 s19, s10;
	[sflag:s12] =	ssyncadd.s32 $0xFFFFFF80  }
0x3c: {  	[tilespmem:s14], [sflag:$0x2] =	stream.linear.gather [hbm4b:s31+s3], $0x80, $0x38;
	[tilespmem:$0x18100] =	vst v63  }
0x3d: {  	_ =	swait.ge [sflag:s12], $0x80  }
0x3e: {  	[sflag:s12] =	ssyncset.done $0x0  }
0x3f: {  	[sflag:s12] =	ssyncadd.s32 $0xFFFFFF80  }
0x40: {  	[tilespmem:s16], [sflag:$0x1] =	stream.indirect.gather [hbm4b:s4+s15], $0x80, s13, s15, $0xb8;
	[tilespmem:$0x18100] =	vst v63  }
0x41: {  	_ =	swait.ge [sflag:s17], $0x4000  }
0x42: {  	[sflag:s17] =	ssyncset.done $0x0  }
0x43: {  	[sflag:s17] =	ssyncadd.s32 $0xFFFFC000  }
0x44: {  	[spmem:s2] =	stream.indirect.scatter.add.f32 [tilespmem:s16], [sflag:$0x2], $0x80, s14, s15, $0xb8;
	[tilespmem:$0x18100] =	vst v63  }
0x45: {  	_ =	swait.ge [sflag:s12], $0x4000  }
0x46: {  	s18 =	sadd.s32 $0x1, s18;
	[sflag:s12] =	ssyncset.done $0x0  }
0x47: {  	p0 =	sne.s32 s18, s8;
	[sflag:s12] =	ssyncadd.s32 $0xFFFFC000  }
.Ltmp1:
0x48: {  	[bflag:$0x0] =	sbarrier.arrive $0xFFFF;
	(pc) =	sbr.rel @p0 .LBB2_1-.Ltmp1, $4  }
0x49: {  	[hbm:s7], [sflag:s6] =	dma.local [spmem:s11], $0x2800  }
0x4a: {  	_ =	swait.ge [sflag:s12], $0x2800  }
0x4b: {  	[sflag:s12] =	ssyncset.done $0x0  }
0x4c: {  	[sflag:s12] =	ssyncadd.s32 $0xFFFFD800  }
0x4d: {  	_ =	sfence.sel $0x180000  }
0x4e: {  	[bflag:$0x0] =	sbarrier.arrive $0xFFFF  }
0x4f: {  	p0 =	sne.s32 s0, $0x0;
	_ =	strace $0x9000004D  }
0x50: {  	s0 =	sadd.s32 @!p0 $0x100000, s1;
	[bflag:$0x2] =	sbarrier.arrive $0xFFFF  }
0x51: {  	[sflag:s0] =	ssyncadd.tile.s32 @!p0 $0x1;
	_ =	shalt  }
.Lfunc_end2:
_tile_overlayer_lowered:
.L_overlay_start_2:
0x52: {  	(tag) =	ssettag $0x2  }
0x53: {  	s0 =	rddreg [dreg:$0x0];
	s2 =	stileid.u32  }
0x54: {  	s1 =	rddreg [dreg:$0x1];
	p0 =	sne.s32 s2, $0x0  }
0x55: {  	s3 =	rddreg [dreg:$0x2];
	[bflag:$0x3] =	sbarrier.arrive $0xFFFF;
	s2 =	simm.s32 @!p0 $0x1C02  }
0x56: {  	[timem:s3], [sflag:s2] =	dma.local @!p0 [hbm:s0], s1  }
0x57: {  	s0 =	simm.s32 @!p0 $0x2  }
0x58: {  	_ =	swait.ge @!p0 [sflag:s0], s1  }
0x59: {  	s1 =	ssub.s32 @!p0 $0x0, s1;
	[sflag:s0] =	ssyncset.done @!p0 $0x0  }
0x5a: {  	[sflag:s0] =	ssyncadd.s32 @!p0 s1  }
0x5b: {  	[bflag:$0x3] =	sbarrier.arrive $0xFFFF  }
0x5c: {  	_ =	shalt  }

// kernel: kernel.29.cloned.1.call-start
scs
__scs_entry_jumppad:
0x0: {  	(pc) =	sbr.rel $0x88, $3  }
0x1: {  	(tag) =	ssettag $0x0;
	lr =	simm.s32 $0x1  }
0x2: {  	[smem:$0x3F98] =	sst lr;
	_ =	strace $0xD0000000  }
0x3: {  	_ = 	snop  }
0x4: {  	_ = 	snop  }
0x5: {  	_ = 	snop  }
0x6: {  	_ = 	snop  }
0x7: {  	_ = 	snop  }
__scs_overlays_trampoline_lowered:
0x8: {  	[smem:$0x3FA7] =	sst s0  }
0x9: {  	[smem:$0x3FA8] =	sst s1  }
0xa: {  	[smem:$0x3FA9] =	sst s2  }
0xb: {  	[smem:$0x3FAA] =	sst s3  }
0xc: {  	[smem:$0x3FAB] =	sst s4  }
0xd: {  	[smem:$0x3FAC] =	sst s5  }
0xe: {  	[smem:$0x3FAD] =	sst s6  }
0xf: {  	[smem:$0x3FAE] =	sst s7  }
0x10: {  	[smem:$0x3FAF] =	sst s8  }
0x11: {  	[smem:$0x3FB0] =	sst s9;
	s0 =	simm.s32 @!p0 $0x0  }
0x12: {  	s1 =	sld [smem:$0x3F96];
	s0 =	simm.s32 @p0 $0x1  }
0x13: {  	[smem:$0x3FB1] =	sst s0;
	s0 =	simm.s32 @!p1 $0x0  }
0x14: {  	s2 =	sld [smem:$0x3F95];
	s0 =	simm.s32 @p1 $0x1  }
0x15: {  	[smem:$0x3FB2] =	sst s0;
	s0 =	simm.s32 @!p2 $0x0  }
0x16: {  	s3 =	sld [smem:$0x3FDB];
	s0 =	simm.s32 @p2 $0x1  }
0x17: {  	s4 =	simm.s32 $0x1BF5;
	[smem:$0x3FB4] =	sst s0  }
0x18: {  	s0 =	sld [smem:$0x3F97];
	_ =	swait.ge [sflag:s4], $0x0  }
0x19: {  	s7 =	sld [smem:$0x3F98]  }
0x1a: {  	s8 =	sadd.s32 $0xFFFFE003, lr  }
0x1b: {  	s9 =	sadd.s32 $0xFFFFFEF7, lr;
	s5 =	simm.s32 $0xFFFFFFFF;
	p2 =	slt.u32 s8, $0xFFFFF086  }
0x1c: {  	p1 =	slt.u32 s9, $0xF7A;
	s5 =	simm.s32 @!p2 $0x0  }
0x1d: {  	s5 =	simm.s32 @p1 $0x1;
	p0 =	seq.s32 s7, s2  }
0x1e: {  	s7 =	smul.u32 @!p0 $0xF7A, s2;
	p2 =	seq.s32 @!p0 s5, $0x0  }
0x1f: {  	s9 =	smul.u32 $0xF7A, s1;
	s8 =	simm.s32 @!p0 $0x1BF5;
	p2 =	por !p2, p0  }
0x20: {  	[sflag:s8] =	ssyncset.s32 @!p0 $0xFFFFF086;
	s6 =	sadd.s32 @!p0 s3, s7;
	s7 =	simm.s32 @!p0 $0x108  }
0x21: {  	s3 =	sadd.s32 s3, s9;
	s6 =	sadd.s32 @!p0 $0x88, s6;
	s7 =	simm.s32 @p2 $0x1082  }
0x22: {  	[simem:s7], [sflag:s8] =	dma.local @!p0 [hbm:s6], $0xF7A  }
0x23: {  	s9 =	sor.u32 $0xD0000000, s2;
	s6 =	simm.s32 $0x108;
	_ =	swait.ge @!p0 [sflag:s8], $0x0  }
0x24: {  	s3 =	sadd.s32 $0x88, s3;
	s6 =	simm.s32 @!p1 $0x1082;
	[sflag:s4] =	ssyncset.s32 $0xFFFFF086  }
0x25: {  	[simem:s6], [sflag:s4] =	dma.local [hbm:s3], $0xF7A  }
0x26: {  	[smem:$0x3F98] =	sst s1;
	(tag) =	ssettag s2;
	_ =	strace s9  }
0x27: {  	s1 =	sld [smem:$0x3FA8]  }
0x28: {  	s2 =	sld [smem:$0x3FA9]  }
0x29: {  	s4 =	sld [smem:$0x3FAB]  }
0x2a: {  	p0 =	seq.s32 s5, $0x0;
	s5 =	sld [smem:$0x3FAC]  }
0x2b: {  	s6 =	sld [smem:$0x3FAD]  }
0x2c: {  	s7 =	sld [smem:$0x3FAE]  }
0x2d: {  	s3 =	simm.s32 $0x108;
	s8 =	sld [smem:$0x3FAF]  }
0x2e: {  	s3 =	simm.s32 @!p0 $0x1082;
	s9 =	sld [smem:$0x3FB0]  }
0x2f: {  	lr =	sadd.s32 s0, s3;
	s0 =	sld [smem:$0x3FA7]  }
0x30: {  	s3 =	sld [smem:$0x3FAA]  }
0x31: {  	[smem:$0x3FB3] =	sst s10  }
0x32: {  	s10 =	sld [smem:$0x3FB1];
	_ =	sdelay $0x3  }
0x33: {  	p0 =	seq.s32 s10, $0x1;
	s10 =	sld [smem:$0x3FB3];
	_ =	sdelay $0x3  }
0x34: {  	[smem:$0x3FB3] =	sst s10  }
0x35: {  	s10 =	sld [smem:$0x3FB2];
	_ =	sdelay $0x3  }
0x36: {  	p1 =	seq.s32 s10, $0x1;
	s10 =	sld [smem:$0x3FB3];
	_ =	sdelay $0x3  }
0x37: {  	[smem:$0x3FB3] =	sst s10  }
0x38: {  	s10 =	sld [smem:$0x3FB4]  }
0x39: {  	_ = 	snop;
	(pc) =	sbr.ind lr, $3  }
0x3a: {  	_ = 	snop  }
0x3b: {  	_ = 	snop  }
0x3c: {  	p2 =	seq.s32 s10, $0x1;
	s10 =	sld [smem:$0x3FB3]  }
0x3d: {  	_ =	shalt  }
0x3e: {  	_ =	shalt  }
0x3f: {  	_ =	shalt  }
0x40: {  	_ =	shalt  }
0x41: {  	_ =	shalt  }
0x42: {  	_ =	shalt  }
0x43: {  	_ =	shalt  }
0x44: {  	_ =	shalt  }
0x45: {  	_ =	shalt  }
0x46: {  	_ =	shalt  }
0x47: {  	_ =	shalt  }
0x48: {  	_ =	shalt  }
0x49: {  	_ =	shalt  }
0x4a: {  	_ =	shalt  }
0x4b: {  	_ =	shalt  }
0x4c: {  	_ =	shalt  }
0x4d: {  	_ =	shalt  }
0x4e: {  	_ =	shalt  }
0x4f: {  	_ =	shalt  }
0x50: {  	_ =	shalt  }
0x51: {  	_ =	shalt  }
0x52: {  	_ =	shalt  }
0x53: {  	_ =	shalt  }
0x54: {  	_ =	shalt  }
0x55: {  	_ =	shalt  }
0x56: {  	_ =	shalt  }
0x57: {  	_ =	shalt  }
0x58: {  	_ =	shalt  }
0x59: {  	_ =	shalt  }
0x5a: {  	_ =	shalt  }
0x5b: {  	_ =	shalt  }
0x5c: {  	_ =	shalt  }
0x5d: {  	_ =	shalt  }
0x5e: {  	_ =	shalt  }
0x5f: {  	_ =	shalt  }
0x60: {  	_ =	shalt  }
0x61: {  	_ =	shalt  }
0x62: {  	_ =	shalt  }
0x63: {  	_ =	shalt  }
0x64: {  	_ =	shalt  }
0x65: {  	_ =	shalt  }
0x66: {  	_ =	shalt  }
0x67: {  	_ =	shalt  }
0x68: {  	_ =	shalt  }
0x69: {  	_ =	shalt  }
0x6a: {  	_ =	shalt  }
0x6b: {  	_ =	shalt  }
0x6c: {  	_ =	shalt  }
0x6d: {  	_ =	shalt  }
0x6e: {  	_ =	shalt  }
0x6f: {  	_ =	shalt  }
0x70: {  	_ =	shalt  }
0x71: {  	_ =	shalt  }
0x72: {  	_ =	shalt  }
0x73: {  	_ =	shalt  }
0x74: {  	_ =	shalt  }
0x75: {  	_ =	shalt  }
0x76: {  	_ =	shalt  }
0x77: {  	_ =	shalt  }
0x78: {  	_ =	shalt  }
0x79: {  	_ =	shalt  }
0x7a: {  	_ =	shalt  }
0x7b: {  	_ =	shalt  }
0x7c: {  	_ =	shalt  }
0x7d: {  	_ =	shalt  }
0x7e: {  	_ =	shalt  }
0x7f: {  	_ =	shalt  }
0x80: {  	_ =	shalt  }
0x81: {  	_ =	shalt  }
0x82: {  	_ =	shalt  }
0x83: {  	_ =	shalt  }
0x84: {  	_ =	shalt  }
0x85: {  	_ =	shalt  }
0x86: {  	_ =	shalt  }
0x87: {  	_ =	shalt  }
.Lfunc_end0:
.L_simem_size_0:
called_computation.3_lowered:
.L_overlay_start_0:
0x88: {  	s2 =	sld [smem:$0x3FD9]  }
0x89: {  	s3 =	sld [smem:$0x3FFE];
	_ =	sdelay $0x1  }
0x8a: {  	s1 =	srdreg.scid  }
0x8b: {  	s0 =	sand.u32 $0x1, s1  }
0x8c: {  	s17 =	sshll.u32 s0, $0xA;
	s2 =	sadd.s32 s3, s2  }
0x8d: {  	s2 =	sadd.s32 s2, s17  }
0x8e: {  	[smem:$0x3FBF] =	sst s2  }
0x8f: {  	_ = 	snop  }
0x90: {  	s2 =	sld [smem:$0x3FD0];
	(tm) =	ssettm $0x1  }
0x91: {  	s18 =	sld [smem:$0x3FFB];
	_ =	sdelay $0x3  }
0x92: {  	_ =	strace s18  }
0x93: {  	s3 =	sld [smem:$0x3FFC];
	_ =	sdelay $0x3  }
0x94: {  	_ =	strace s3  }
0x95: {  	s3 =	sld [smem:$0x3FFD];
	_ =	sdelay $0x3  }
0x96: {  	_ =	strace s3  }
0x97: {  	_ =	strace $0x8FFFFFFF  }
0x98: {  	s19 =	sld [smem:$0x3FDB];
	_ =	sdelay $0x1  }
0x99: {  	s4 =	simm.s32 $_scs_section_size  }
0x9a: {  	s5 =	simm.s32 $_size__tile_overlayer_lowered;
	s6 =	simm.s32 $_tile_overlayer_lowered  }
0x9b: {  	s22 =	simm.s32 $0x1BFF;
	s21 =	sshll.u32 s6, $0x1;
	s3 =	sadd.s32 s4, s19  }
0x9c: {  	s7 =	simm.s32 $0x0;
	s20 =	sshll.u32 s5, $0x1;
	s5 =	sadd.s32 s21, s3  }
0x9d: {  	[timem:s7], [sflag:s22] =	dma.local [hbm:s5], s20  }
0x9e: {  	_ =	swait.ge [sflag:s22], s20  }
0x9f: {  	s4 =	ssub.s32 $0x0, s20;
	[sflag:s22] =	ssyncset.done $0x0  }
0xa0: {  	[sflag:s22] =	ssyncadd.s32 s4;
	_ =	sdelay $0x1  }
0xa1: {  	s23 =	simm.s32 $0x1B8B  }
0xa2: {  	_ =	swait.ge [sflag:s23], $0x1  }
0xa3: {  	[sflag:s23] =	ssyncset.done $0x0  }
0xa4: {  	s25 =	simm.s32 $0x1B8E;
	s24 =	sld [smem:$0x3FFE];
	[sflag:s23] =	ssyncadd.s32 $0xFFFFFFFF  }
0xa5: {  	s26 =	simm.s32 $execute0_lowered;
	[smem:$0x3FD2] =	sst s25  }
0xa6: {  	s5 =	sshll.u32 s26, $0x1;
	_ =	strace $0x8000004F;
	[dreg:$0x1] =	wrdreg $0xFFFFFFFF  }
0xa7: {  	s28 =	simm.s32 $_size_execute0_lowered;
	s3 =	sadd.s32 s3, s5;
	[dreg:$0x0] =	wrdreg $0x0  }
0xa8: {  	s5 =	sshll.u32 s28, $0x1;
	[dreg:$0x2] =	wrdreg s3  }
0xa9: {  	[dreg:$0x3] =	wrdreg s5  }
0xaa: {  	[dreg:$0x4] =	wrdreg $0xC0  }
0xab: {  	_ =	task [dreg:s7], $0x5FFFF  }
0xac: {  	[dreg:$0x1] =	wrdreg $0xFFFFFFFF  }
0xad: {  	[dreg:$0x0] =	wrdreg $0x60  }
0xae: {  	[dreg:$0x2] =	wrdreg s24  }
0xaf: {  	[dreg:$0x3] =	wrdreg s2  }
0xb0: {  	[dreg:$0x4] =	wrdreg $0x0  }
0xb1: {  	[dreg:$0x5] =	wrdreg $0x9  }
0xb2: {  	_ =	task.clear_ibuf [dreg:s7], $0x6FFFF;
	_ =	strace $0x9000004F  }
0xb3: {  	s29 =	simm.s32 $0x9;
	_ =	strace $0x80000051  }
0xb4: {  	_ =	swait.ge [sflag:s29], $0x1  }
0xb5: {  	[sflag:s29] =	ssyncadd.s32 $0xFFFFFFFF  }
0xb6: {  	_ =	strace $0x90000051  }
0xb7: {  	_ =	sfence  }
0xb8: {  	s30 =	sld [smem:$0x0];
	_ =	sdelay $0x2  }
0xb9: {  	s31 =	sshll.u32 s1, $0xD;
	s1 =	sshrl.u32 s1, $0x2  }
0xba: {  	s3 =	sand.u32 $0x4000, s31;
	s1 =	sadd.s32 s1, s30  }
0xbb: {  	s0 =	sor.u32 s3, s0;
	s1 =	sshll.u32 s1, $0x11  }
0xbc: {  	s0 =	sor.u32 s1, s0  }
0xbd: {  	s0 =	sadd.s32 $0x8F2B, s0  }
0xbe: {  	[sflag:s0] =	ssyncadd.remote.s32 $0x1  }
0xbf: {  	_ =	sfence.sel $0xFFFF  }
0xc0: {  	[dreg:$0x0] =	wrdreg $0xFFFFFFFF;
	(pc) =	sbr.abs _section_cstart, $3  }
0xc1: {  	[dreg:$0x1] =	wrdreg $0xFFFFFFFF  }
0xc2: {  	_ =	task.clear_ibuf [dreg:s7], $0x2FFFF;
	_ =	strace $0x9FFFFFFF  }
0xc3: {  	(tm) =	ssettm $0x7FFFFFFF  }
tec
execute0_lowered:
.L_overlay_start_1:
0x0: {  	(tag) =	ssettag $0x1  }
0x1: {  	s5 =	rddreg [dreg:$0x0]  }
0x2: {  	s10 =	rddreg [dreg:$0x1]  }
0x3: {  	s0 =	srdreg.scid;
	s2 =	rddreg [dreg:$0x2]  }
0x4: {  	s1 =	rddreg [dreg:$0x3];
	s6 =	sand.u32 $0x1, s0  }
0x5: {  	s3 =	simm.s32 $0x0;
	s0 =	stileid.u32;
	s4 =	smul.u32 $0x50000, s6  }
0x6: {  	s15 =	simm.s32 $0x80;
	s16 =	simm.s32 $0x14000;
	s7 =	smul.u32 $0x5000, s0  }
0x7: {  	s17 =	simm.s32 $0x1;
	[smem:$0x7FF] =	sst s3;
	s26 =	smul.u32 $0x14000, s0  }
0x8: {  	s18 =	simm.s32 $0x0;
	s9 =	smul.u32 $0x140000, s6;
	_ =	strace $0x80000050  }
0x9: {  	s29 =	smul.u32 $0x50000, s0;
	s6 =	ssub.s32 $0x2, s6;
	s31 =	sshll.u32 s0, $0x6  }
0xa: {  	s14 =	smul.u32 $0xA00, s0;
	s30 =	sshrl.u32 s6, $0x1;
	s4 =	sadd.s32 s7, s4  }
0xb: {  	s28 =	sshrl.u32 s26, $0x3;
	s7 =	sadd.s32 s26, s9;
	s9 =	sshrl.u32 s29, $0x2  }
0xc: {  	s12 =	ssub.s32 s6, s30;
	s6 =	sor.u32 $0x1C02, s31;
	s10 =	sadd.s32 s14, s10  }
0xd: {  	s14 =	simm.s32 $0x18080;
	s8 =	sshrl.u32 s4, $0x3;
	s4 =	sadd.s32 $0x92200, s5  }
0xe: {  	s7 =	sshrl.u32 s7, $0x3;
	s11 =	sadd.s32 s8, s5;
	s8 =	sadd.s32 s28, s5  }
0xf: {  	s13 =	sadd.s32 s9, s2;
	s7 =	sadd.s32 s7, s5;
	s5 =	sadd.s32 $0x6200, s8  }
0x10: {  	s7 =	sadd.s32 $0xE2200, s7;
	s8 =	smax.u32 s12, $0x1;
	s9 =	sadd.s32 $0x7E200, s11  }
0x11: {  	s11 =	sshrl.u32 s13, $0x3;
	s12 =	simm.s32 $0x2;
	s13 =	simm.s32 $0x18000  }
.LBB2_1:
0x12: {  	[spmem:s11], [sflag:s6] =	dma.local [hbm:s5], $0x2800  }
0x13: {  	_ =	swait.ge [sflag:s12], $0x2800  }
0x14: {  	[sflag:s12] =	ssyncset.done $0x0  }
0x15: {  	[sflag:s12] =	ssyncadd.s32 $0xFFFFD800  }
0x16: {  	s19 =	sadd.s32 $0x0, s9;
	[bflag:$0x0] =	sbarrier.arrive $0xFFFF  }
0x17: {  	[tilespmem:s13], [sflag:$0x2] =	stream.linear.gather [hbm4b:s19+s3], $0x80, $0x38;
	[tilespmem:$0x18100] =	vst v63  }
0x18: {  	_ =	swait.ge [sflag:s12], $0x80  }
0x19: {  	[sflag:s12] =	ssyncset.done $0x0  }
0x1a: {  	s31 =	sadd.s32 $0x0, s10;
	[sflag:s12] =	ssyncadd.s32 $0xFFFFFF80  }
0x1b: {  	[tilespmem:s14], [sflag:$0x2] =	stream.linear.gather [hbm4b:s31+s3], $0x80, $0x38;
	[tilespmem:$0x18100] =	vst v63  }
0x1c: {  	_ =	swait.ge [sflag:s12], $0x80  }
0x1d: {  	[sflag:s12] =	ssyncset.done $0x0  }
0x1e: {  	[sflag:s12] =	ssyncadd.s32 $0xFFFFFF80  }
0x1f: {  	[tilespmem:s16], [sflag:$0x1] =	stream.indirect.gather [hbm4b:s4+s15], $0x80, s13, s15, $0xb8;
	[tilespmem:$0x18100] =	vst v63  }
0x20: {  	_ =	swait.ge [sflag:s17], $0x4000  }
0x21: {  	[sflag:s17] =	ssyncset.done $0x0  }
0x22: {  	[sflag:s17] =	ssyncadd.s32 $0xFFFFC000  }
0x23: {  	[spmem:s2] =	stream.indirect.scatter.add.f32 [tilespmem:s16], [sflag:$0x2], $0x80, s14, s15, $0xb8;
	[tilespmem:$0x18100] =	vst v63  }
0x24: {  	_ =	swait.ge [sflag:s12], $0x4000  }
0x25: {  	s20 =	simm.s32 $0x20;
	s19 =	simm.s32 $0x10;
	[sflag:s12] =	ssyncset.done $0x0  }
.LBB2_2:
0x26: {  	s21 =	sadd.s32 s19, s9  }
0x27: {  	[sflag:s12] =	ssyncadd.s32 $0xFFFFC000;
	s22 =	smov.u32 s20;
	s23 =	sadd.s32 $0x10, s20  }
0x28: {  	[tilespmem:s13], [sflag:$0x2] =	stream.linear.gather [hbm4b:s21+s3], $0x80, $0x38;
	[tilespmem:$0x18100] =	vst v63  }
0x29: {  	p0 =	sne.s32 s20, $0x9F0;
	_ =	swait.ge [sflag:s12], $0x80  }
0x2a: {  	[sflag:s12] =	ssyncset.done $0x0  }
0x2b: {  	s20 =	sadd.s32 s19, s10;
	s19 =	smov.u32 s22;
	[sflag:s12] =	ssyncadd.s32 $0xFFFFFF80  }
0x2c: {  	[tilespmem:s14], [sflag:$0x2] =	stream.linear.gather [hbm4b:s20+s3], $0x80, $0x38;
	[tilespmem:$0x18100] =	vst v63  }
0x2d: {  	_ =	swait.ge [sflag:s12], $0x80  }
0x2e: {  	[sflag:s12] =	ssyncset.done $0x0  }
0x2f: {  	[sflag:s12] =	ssyncadd.s32 $0xFFFFFF80  }
0x30: {  	[tilespmem:s16], [sflag:$0x1] =	stream.indirect.gather [hbm4b:s4+s15], $0x80, s13, s15, $0xb8;
	[tilespmem:$0x18100] =	vst v63  }
0x31: {  	_ =	swait.ge [sflag:s17], $0x4000  }
.Ltmp0:
0x32: {  	[sflag:s17] =	ssyncset.done $0x0;
	(pc) =	sbr.rel @p0 .LBB2_2-.Ltmp0, $4  }
0x33: {  	[sflag:s17] =	ssyncadd.s32 $0xFFFFC000  }
0x34: {  	[spmem:s2] =	stream.indirect.scatter.add.f32 [tilespmem:s16], [sflag:$0x2], $0x80, s14, s15, $0xb8;
	[tilespmem:$0x18100] =	vst v63  }
0x35: {  	_ =	swait.ge [sflag:s12], $0x4000  }
0x36: {  	s20 =	smov.u32 s23;
	[sflag:s12] =	ssyncset.done $0x0  }
0x37: {  	s20 =	sadd.s32 s19, s9;
	[sflag:s12] =	ssyncadd.s32 $0xFFFFC000  }
0x38: {  	[tilespmem:s13], [sflag:$0x2] =	stream.linear.gather [hbm4b:s20+s3], $0x80, $0x38;
	[tilespmem:$0x18100] =	vst v63  }
0x39: {  	_ =	swait.ge [sflag:s12], $0x80  }
0x3a: {  	[sflag:s12] =	ssyncset.done $0x0  }
0x3b: {  	s31 =	sadd.s32 s19, s10;
	[sflag:s12] =	ssyncadd.s32 $0xFFFFFF80  }
0x3c: {  	[tilespmem:s14], [sflag:$0x2] =	stream.linear.gather [hbm4b:s31+s3], $0x80, $0x38;
	[tilespmem:$0x18100] =	vst v63  }
0x3d: {  	_ =	swait.ge [sflag:s12], $0x80  }
0x3e: {  	[sflag:s12] =	ssyncset.done $0x0  }
0x3f: {  	[sflag:s12] =	ssyncadd.s32 $0xFFFFFF80  }
0x40: {  	[tilespmem:s16], [sflag:$0x1] =	stream.indirect.gather [hbm4b:s4+s15], $0x80, s13, s15, $0xb8;
	[tilespmem:$0x18100] =	vst v63  }
0x41: {  	_ =	swait.ge [sflag:s17], $0x4000  }
0x42: {  	[sflag:s17] =	ssyncset.done $0x0  }
0x43: {  	[sflag:s17] =	ssyncadd.s32 $0xFFFFC000  }
0x44: {  	[spmem:s2] =	stream.indirect.scatter.add.f32 [tilespmem:s16], [sflag:$0x2], $0x80, s14, s15, $0xb8;
	[tilespmem:$0x18100] =	vst v63  }
0x45: {  	_ =	swait.ge [sflag:s12], $0x4000  }
0x46: {  	s18 =	sadd.s32 $0x1, s18;
	[sflag:s12] =	ssyncset.done $0x0  }
0x47: {  	p0 =	sne.s32 s18, s8;
	[sflag:s12] =	ssyncadd.s32 $0xFFFFC000  }
.Ltmp1:
0x48: {  	[bflag:$0x0] =	sbarrier.arrive $0xFFFF;
	(pc) =	sbr.rel @p0 .LBB2_1-.Ltmp1, $4  }
0x49: {  	[hbm:s7], [sflag:s6] =	dma.local [spmem:s11], $0x2800  }
0x4a: {  	_ =	swait.ge [sflag:s12], $0x2800  }
0x4b: {  	[sflag:s12] =	ssyncset.done $0x0  }
0x4c: {  	[sflag:s12] =	ssyncadd.s32 $0xFFFFD800  }
0x4d: {  	_ =	sfence.sel $0x180000  }
0x4e: {  	[bflag:$0x0] =	sbarrier.arrive $0xFFFF  }
0x4f: {  	p0 =	sne.s32 s0, $0x0;
	_ =	strace $0x90000050  }
0x50: {  	s0 =	sadd.s32 @!p0 $0x100000, s1;
	[bflag:$0x2] =	sbarrier.arrive $0xFFFF  }
0x51: {  	[sflag:s0] =	ssyncadd.tile.s32 @!p0 $0x1;
	_ =	shalt  }
.Lfunc_end2:
_tile_overlayer_lowered:
.L_overlay_start_2:
0x52: {  	(tag) =	ssettag $0x2  }
0x53: {  	s0 =	rddreg [dreg:$0x0];
	s2 =	stileid.u32  }
0x54: {  	s1 =	rddreg [dreg:$0x1];
	p0 =	sne.s32 s2, $0x0  }
0x55: {  	s3 =	rddreg [dreg:$0x2];
	[bflag:$0x3] =	sbarrier.arrive $0xFFFF;
	s2 =	simm.s32 @!p0 $0x1C02  }
0x56: {  	[timem:s3], [sflag:s2] =	dma.local @!p0 [hbm:s0], s1  }
0x57: {  	s0 =	simm.s32 @!p0 $0x2  }
0x58: {  	_ =	swait.ge @!p0 [sflag:s0], s1  }
0x59: {  	s1 =	ssub.s32 @!p0 $0x0, s1;
	[sflag:s0] =	ssyncset.done @!p0 $0x0  }
0x5a: {  	[sflag:s0] =	ssyncadd.s32 @!p0 s1  }
0x5b: {  	[bflag:$0x3] =	sbarrier.arrive $0xFFFF  }
0x5c: {  	_ =	shalt  }

// kernel: kernel.32.cloned.1.call-start
scs
__scs_entry_jumppad:
0x0: {  	(pc) =	sbr.rel $0x88, $3  }
0x1: {  	(tag) =	ssettag $0x0;
	lr =	simm.s32 $0x1  }
0x2: {  	[smem:$0x3F98] =	sst lr;
	_ =	strace $0xD0000000  }
0x3: {  	_ = 	snop  }
0x4: {  	_ = 	snop  }
0x5: {  	_ = 	snop  }
0x6: {  	_ = 	snop  }
0x7: {  	_ = 	snop  }
__scs_overlays_trampoline_lowered:
0x8: {  	[smem:$0x3FA7] =	sst s0  }
0x9: {  	[smem:$0x3FA8] =	sst s1  }
0xa: {  	[smem:$0x3FA9] =	sst s2  }
0xb: {  	[smem:$0x3FAA] =	sst s3  }
0xc: {  	[smem:$0x3FAB] =	sst s4  }
0xd: {  	[smem:$0x3FAC] =	sst s5  }
0xe: {  	[smem:$0x3FAD] =	sst s6  }
0xf: {  	[smem:$0x3FAE] =	sst s7  }
0x10: {  	[smem:$0x3FAF] =	sst s8  }
0x11: {  	[smem:$0x3FB0] =	sst s9;
	s0 =	simm.s32 @!p0 $0x0  }
0x12: {  	s1 =	sld [smem:$0x3F96];
	s0 =	simm.s32 @p0 $0x1  }
0x13: {  	[smem:$0x3FB1] =	sst s0;
	s0 =	simm.s32 @!p1 $0x0  }
0x14: {  	s2 =	sld [smem:$0x3F95];
	s0 =	simm.s32 @p1 $0x1  }
0x15: {  	[smem:$0x3FB2] =	sst s0;
	s0 =	simm.s32 @!p2 $0x0  }
0x16: {  	s3 =	sld [smem:$0x3FDB];
	s0 =	simm.s32 @p2 $0x1  }
0x17: {  	s4 =	simm.s32 $0x1BF5;
	[smem:$0x3FB4] =	sst s0  }
0x18: {  	s0 =	sld [smem:$0x3F97];
	_ =	swait.ge [sflag:s4], $0x0  }
0x19: {  	s7 =	sld [smem:$0x3F98]  }
0x1a: {  	s8 =	sadd.s32 $0xFFFFE003, lr  }
0x1b: {  	s9 =	sadd.s32 $0xFFFFFEF7, lr;
	s5 =	simm.s32 $0xFFFFFFFF;
	p2 =	slt.u32 s8, $0xFFFFF086  }
0x1c: {  	p1 =	slt.u32 s9, $0xF7A;
	s5 =	simm.s32 @!p2 $0x0  }
0x1d: {  	s5 =	simm.s32 @p1 $0x1;
	p0 =	seq.s32 s7, s2  }
0x1e: {  	s7 =	smul.u32 @!p0 $0xF7A, s2;
	p2 =	seq.s32 @!p0 s5, $0x0  }
0x1f: {  	s9 =	smul.u32 $0xF7A, s1;
	s8 =	simm.s32 @!p0 $0x1BF5;
	p2 =	por !p2, p0  }
0x20: {  	[sflag:s8] =	ssyncset.s32 @!p0 $0xFFFFF086;
	s6 =	sadd.s32 @!p0 s3, s7;
	s7 =	simm.s32 @!p0 $0x108  }
0x21: {  	s3 =	sadd.s32 s3, s9;
	s6 =	sadd.s32 @!p0 $0x88, s6;
	s7 =	simm.s32 @p2 $0x1082  }
0x22: {  	[simem:s7], [sflag:s8] =	dma.local @!p0 [hbm:s6], $0xF7A  }
0x23: {  	s9 =	sor.u32 $0xD0000000, s2;
	s6 =	simm.s32 $0x108;
	_ =	swait.ge @!p0 [sflag:s8], $0x0  }
0x24: {  	s3 =	sadd.s32 $0x88, s3;
	s6 =	simm.s32 @!p1 $0x1082;
	[sflag:s4] =	ssyncset.s32 $0xFFFFF086  }
0x25: {  	[simem:s6], [sflag:s4] =	dma.local [hbm:s3], $0xF7A  }
0x26: {  	[smem:$0x3F98] =	sst s1;
	(tag) =	ssettag s2;
	_ =	strace s9  }
0x27: {  	s1 =	sld [smem:$0x3FA8]  }
0x28: {  	s2 =	sld [smem:$0x3FA9]  }
0x29: {  	s4 =	sld [smem:$0x3FAB]  }
0x2a: {  	p0 =	seq.s32 s5, $0x0;
	s5 =	sld [smem:$0x3FAC]  }
0x2b: {  	s6 =	sld [smem:$0x3FAD]  }
0x2c: {  	s7 =	sld [smem:$0x3FAE]  }
0x2d: {  	s3 =	simm.s32 $0x108;
	s8 =	sld [smem:$0x3FAF]  }
0x2e: {  	s3 =	simm.s32 @!p0 $0x1082;
	s9 =	sld [smem:$0x3FB0]  }
0x2f: {  	lr =	sadd.s32 s0, s3;
	s0 =	sld [smem:$0x3FA7]  }
0x30: {  	s3 =	sld [smem:$0x3FAA]  }
0x31: {  	[smem:$0x3FB3] =	sst s10  }
0x32: {  	s10 =	sld [smem:$0x3FB1];
	_ =	sdelay $0x3  }
0x33: {  	p0 =	seq.s32 s10, $0x1;
	s10 =	sld [smem:$0x3FB3];
	_ =	sdelay $0x3  }
0x34: {  	[smem:$0x3FB3] =	sst s10  }
0x35: {  	s10 =	sld [smem:$0x3FB2];
	_ =	sdelay $0x3  }
0x36: {  	p1 =	seq.s32 s10, $0x1;
	s10 =	sld [smem:$0x3FB3];
	_ =	sdelay $0x3  }
0x37: {  	[smem:$0x3FB3] =	sst s10  }
0x38: {  	s10 =	sld [smem:$0x3FB4]  }
0x39: {  	_ = 	snop;
	(pc) =	sbr.ind lr, $3  }
0x3a: {  	_ = 	snop  }
0x3b: {  	_ = 	snop  }
0x3c: {  	p2 =	seq.s32 s10, $0x1;
	s10 =	sld [smem:$0x3FB3]  }
0x3d: {  	_ =	shalt  }
0x3e: {  	_ =	shalt  }
0x3f: {  	_ =	shalt  }
0x40: {  	_ =	shalt  }
0x41: {  	_ =	shalt  }
0x42: {  	_ =	shalt  }
0x43: {  	_ =	shalt  }
0x44: {  	_ =	shalt  }
0x45: {  	_ =	shalt  }
0x46: {  	_ =	shalt  }
0x47: {  	_ =	shalt  }
0x48: {  	_ =	shalt  }
0x49: {  	_ =	shalt  }
0x4a: {  	_ =	shalt  }
0x4b: {  	_ =	shalt  }
0x4c: {  	_ =	shalt  }
0x4d: {  	_ =	shalt  }
0x4e: {  	_ =	shalt  }
0x4f: {  	_ =	shalt  }
0x50: {  	_ =	shalt  }
0x51: {  	_ =	shalt  }
0x52: {  	_ =	shalt  }
0x53: {  	_ =	shalt  }
0x54: {  	_ =	shalt  }
0x55: {  	_ =	shalt  }
0x56: {  	_ =	shalt  }
0x57: {  	_ =	shalt  }
0x58: {  	_ =	shalt  }
0x59: {  	_ =	shalt  }
0x5a: {  	_ =	shalt  }
0x5b: {  	_ =	shalt  }
0x5c: {  	_ =	shalt  }
0x5d: {  	_ =	shalt  }
0x5e: {  	_ =	shalt  }
0x5f: {  	_ =	shalt  }
0x60: {  	_ =	shalt  }
0x61: {  	_ =	shalt  }
0x62: {  	_ =	shalt  }
0x63: {  	_ =	shalt  }
0x64: {  	_ =	shalt  }
0x65: {  	_ =	shalt  }
0x66: {  	_ =	shalt  }
0x67: {  	_ =	shalt  }
0x68: {  	_ =	shalt  }
0x69: {  	_ =	shalt  }
0x6a: {  	_ =	shalt  }
0x6b: {  	_ =	shalt  }
0x6c: {  	_ =	shalt  }
0x6d: {  	_ =	shalt  }
0x6e: {  	_ =	shalt  }
0x6f: {  	_ =	shalt  }
0x70: {  	_ =	shalt  }
0x71: {  	_ =	shalt  }
0x72: {  	_ =	shalt  }
0x73: {  	_ =	shalt  }
0x74: {  	_ =	shalt  }
0x75: {  	_ =	shalt  }
0x76: {  	_ =	shalt  }
0x77: {  	_ =	shalt  }
0x78: {  	_ =	shalt  }
0x79: {  	_ =	shalt  }
0x7a: {  	_ =	shalt  }
0x7b: {  	_ =	shalt  }
0x7c: {  	_ =	shalt  }
0x7d: {  	_ =	shalt  }
0x7e: {  	_ =	shalt  }
0x7f: {  	_ =	shalt  }
0x80: {  	_ =	shalt  }
0x81: {  	_ =	shalt  }
0x82: {  	_ =	shalt  }
0x83: {  	_ =	shalt  }
0x84: {  	_ =	shalt  }
0x85: {  	_ =	shalt  }
0x86: {  	_ =	shalt  }
0x87: {  	_ =	shalt  }
.Lfunc_end0:
.L_simem_size_0:
called_computation.4_lowered:
.L_overlay_start_0:
0x88: {  	s2 =	sld [smem:$0x3FD9]  }
0x89: {  	s3 =	sld [smem:$0x3FFE];
	_ =	sdelay $0x1  }
0x8a: {  	s1 =	srdreg.scid  }
0x8b: {  	s0 =	sand.u32 $0x1, s1  }
0x8c: {  	s17 =	sshll.u32 s0, $0xA;
	s2 =	sadd.s32 s3, s2  }
0x8d: {  	s2 =	sadd.s32 s2, s17  }
0x8e: {  	[smem:$0x3FBF] =	sst s2  }
0x8f: {  	_ = 	snop  }
0x90: {  	s2 =	sld [smem:$0x3FD0];
	(tm) =	ssettm $0x1  }
0x91: {  	s18 =	sld [smem:$0x3FFB];
	_ =	sdelay $0x3  }
0x92: {  	_ =	strace s18  }
0x93: {  	s3 =	sld [smem:$0x3FFC];
	_ =	sdelay $0x3  }
0x94: {  	_ =	strace s3  }
0x95: {  	s3 =	sld [smem:$0x3FFD];
	_ =	sdelay $0x3  }
0x96: {  	_ =	strace s3  }
0x97: {  	_ =	strace $0x8FFFFFFF  }
0x98: {  	s19 =	sld [smem:$0x3FDB];
	_ =	sdelay $0x1  }
0x99: {  	s4 =	simm.s32 $_scs_section_size  }
0x9a: {  	s5 =	simm.s32 $_size__tile_overlayer_lowered;
	s6 =	simm.s32 $_tile_overlayer_lowered  }
0x9b: {  	s22 =	simm.s32 $0x1BFF;
	s21 =	sshll.u32 s6, $0x1;
	s3 =	sadd.s32 s4, s19  }
0x9c: {  	s7 =	simm.s32 $0x0;
	s20 =	sshll.u32 s5, $0x1;
	s5 =	sadd.s32 s21, s3  }
0x9d: {  	[timem:s7], [sflag:s22] =	dma.local [hbm:s5], s20  }
0x9e: {  	_ =	swait.ge [sflag:s22], s20  }
0x9f: {  	s4 =	ssub.s32 $0x0, s20;
	[sflag:s22] =	ssyncset.done $0x0  }
0xa0: {  	[sflag:s22] =	ssyncadd.s32 s4;
	_ =	sdelay $0x1  }
0xa1: {  	s23 =	simm.s32 $0x1B8B  }
0xa2: {  	_ =	swait.ge [sflag:s23], $0x1  }
0xa3: {  	[sflag:s23] =	ssyncset.done $0x0  }
0xa4: {  	s25 =	simm.s32 $0x1B8E;
	s24 =	sld [smem:$0x3FFE];
	[sflag:s23] =	ssyncadd.s32 $0xFFFFFFFF  }
0xa5: {  	s26 =	simm.s32 $execute0_lowered;
	[smem:$0x3FD2] =	sst s25  }
0xa6: {  	s5 =	sshll.u32 s26, $0x1;
	_ =	strace $0x80000052;
	[dreg:$0x1] =	wrdreg $0xFFFFFFFF  }
0xa7: {  	s28 =	simm.s32 $_size_execute0_lowered;
	s3 =	sadd.s32 s3, s5;
	[dreg:$0x0] =	wrdreg $0x0  }
0xa8: {  	s5 =	sshll.u32 s28, $0x1;
	[dreg:$0x2] =	wrdreg s3  }
0xa9: {  	[dreg:$0x3] =	wrdreg s5  }
0xaa: {  	[dreg:$0x4] =	wrdreg $0xC0  }
0xab: {  	_ =	task [dreg:s7], $0x5FFFF  }
0xac: {  	[dreg:$0x1] =	wrdreg $0xFFFFFFFF  }
0xad: {  	[dreg:$0x0] =	wrdreg $0x60  }
0xae: {  	[dreg:$0x2] =	wrdreg s24  }
0xaf: {  	[dreg:$0x3] =	wrdreg s2  }
0xb0: {  	[dreg:$0x4] =	wrdreg $0x0  }
0xb1: {  	[dreg:$0x5] =	wrdreg $0x9  }
0xb2: {  	_ =	task.clear_ibuf [dreg:s7], $0x6FFFF;
	_ =	strace $0x90000052  }
0xb3: {  	s29 =	simm.s32 $0x9;
	_ =	strace $0x80000054  }
0xb4: {  	_ =	swait.ge [sflag:s29], $0x1  }
0xb5: {  	[sflag:s29] =	ssyncadd.s32 $0xFFFFFFFF  }
0xb6: {  	_ =	strace $0x90000054  }
0xb7: {  	_ =	sfence  }
0xb8: {  	s30 =	sld [smem:$0x0];
	_ =	sdelay $0x2  }
0xb9: {  	s31 =	sshll.u32 s1, $0xD;
	s1 =	sshrl.u32 s1, $0x2  }
0xba: {  	s3 =	sand.u32 $0x4000, s31;
	s1 =	sadd.s32 s1, s30  }
0xbb: {  	s0 =	sor.u32 s3, s0;
	s1 =	sshll.u32 s1, $0x11  }
0xbc: {  	s0 =	sor.u32 s1, s0  }
0xbd: {  	s0 =	sadd.s32 $0x8F2B, s0  }
0xbe: {  	[sflag:s0] =	ssyncadd.remote.s32 $0x1  }
0xbf: {  	_ =	sfence.sel $0xFFFF  }
0xc0: {  	[dreg:$0x0] =	wrdreg $0xFFFFFFFF;
	(pc) =	sbr.abs _section_cstart, $3  }
0xc1: {  	[dreg:$0x1] =	wrdreg $0xFFFFFFFF  }
0xc2: {  	_ =	task.clear_ibuf [dreg:s7], $0x2FFFF;
	_ =	strace $0x9FFFFFFF  }
0xc3: {  	(tm) =	ssettm $0x7FFFFFFF  }
tec
execute0_lowered:
.L_overlay_start_1:
0x0: {  	(tag) =	ssettag $0x1  }
0x1: {  	s5 =	rddreg [dreg:$0x0]  }
0x2: {  	s10 =	rddreg [dreg:$0x1]  }
0x3: {  	s0 =	srdreg.scid;
	s2 =	rddreg [dreg:$0x2]  }
0x4: {  	s1 =	rddreg [dreg:$0x3];
	s6 =	sand.u32 $0x1, s0  }
0x5: {  	s3 =	simm.s32 $0x0;
	s0 =	stileid.u32;
	s4 =	smul.u32 $0x50000, s6  }
0x6: {  	s15 =	simm.s32 $0x80;
	s16 =	simm.s32 $0x14000;
	s7 =	smul.u32 $0x5000, s0  }
0x7: {  	s17 =	simm.s32 $0x1;
	[smem:$0x7FF] =	sst s3;
	s26 =	smul.u32 $0x14000, s0  }
0x8: {  	s18 =	simm.s32 $0x0;
	s9 =	smul.u32 $0x140000, s6;
	_ =	strace $0x80000053  }
0x9: {  	s29 =	smul.u32 $0x50000, s0;
	s6 =	ssub.s32 $0x2, s6;
	s31 =	sshll.u32 s0, $0x6  }
0xa: {  	s14 =	smul.u32 $0xA00, s0;
	s30 =	sshrl.u32 s6, $0x1;
	s4 =	sadd.s32 s7, s4  }
0xb: {  	s28 =	sshrl.u32 s26, $0x3;
	s7 =	sadd.s32 s26, s9;
	s9 =	sshrl.u32 s29, $0x2  }
0xc: {  	s12 =	ssub.s32 s6, s30;
	s6 =	sor.u32 $0x1C02, s31;
	s10 =	sadd.s32 s14, s10  }
0xd: {  	s14 =	simm.s32 $0x18080;
	s8 =	sshrl.u32 s4, $0x3;
	s4 =	sadd.s32 $0x92200, s5  }
0xe: {  	s7 =	sshrl.u32 s7, $0x3;
	s11 =	sadd.s32 s8, s5;
	s8 =	sadd.s32 s28, s5  }
0xf: {  	s13 =	sadd.s32 s9, s2;
	s7 =	sadd.s32 s7, s5;
	s5 =	sadd.s32 $0x6200, s8  }
0x10: {  	s7 =	sadd.s32 $0xE2200, s7;
	s8 =	smax.u32 s12, $0x1;
	s9 =	sadd.s32 $0x7E200, s11  }
0x11: {  	s11 =	sshrl.u32 s13, $0x3;
	s12 =	simm.s32 $0x2;
	s13 =	simm.s32 $0x18000  }
.LBB2_1:
0x12: {  	[spmem:s11], [sflag:s6] =	dma.local [hbm:s5], $0x2800  }
0x13: {  	_ =	swait.ge [sflag:s12], $0x2800  }
0x14: {  	[sflag:s12] =	ssyncset.done $0x0  }
0x15: {  	[sflag:s12] =	ssyncadd.s32 $0xFFFFD800  }
0x16: {  	s19 =	sadd.s32 $0x0, s9;
	[bflag:$0x0] =	sbarrier.arrive $0xFFFF  }
0x17: {  	[tilespmem:s13], [sflag:$0x2] =	stream.linear.gather [hbm4b:s19+s3], $0x80, $0x38;
	[tilespmem:$0x18100] =	vst v63  }
0x18: {  	_ =	swait.ge [sflag:s12], $0x80  }
0x19: {  	[sflag:s12] =	ssyncset.done $0x0  }
0x1a: {  	s31 =	sadd.s32 $0x0, s10;
	[sflag:s12] =	ssyncadd.s32 $0xFFFFFF80  }
0x1b: {  	[tilespmem:s14], [sflag:$0x2] =	stream.linear.gather [hbm4b:s31+s3], $0x80, $0x38;
	[tilespmem:$0x18100] =	vst v63  }
0x1c: {  	_ =	swait.ge [sflag:s12], $0x80  }
0x1d: {  	[sflag:s12] =	ssyncset.done $0x0  }
0x1e: {  	[sflag:s12] =	ssyncadd.s32 $0xFFFFFF80  }
0x1f: {  	[tilespmem:s16], [sflag:$0x1] =	stream.indirect.gather [hbm4b:s4+s15], $0x80, s13, s15, $0xb8;
	[tilespmem:$0x18100] =	vst v63  }
0x20: {  	_ =	swait.ge [sflag:s17], $0x4000  }
0x21: {  	[sflag:s17] =	ssyncset.done $0x0  }
0x22: {  	[sflag:s17] =	ssyncadd.s32 $0xFFFFC000  }
0x23: {  	[spmem:s2] =	stream.indirect.scatter.add.f32 [tilespmem:s16], [sflag:$0x2], $0x80, s14, s15, $0xb8;
	[tilespmem:$0x18100] =	vst v63  }
0x24: {  	_ =	swait.ge [sflag:s12], $0x4000  }
0x25: {  	s20 =	simm.s32 $0x20;
	s19 =	simm.s32 $0x10;
	[sflag:s12] =	ssyncset.done $0x0  }
.LBB2_2:
0x26: {  	s21 =	sadd.s32 s19, s9  }
0x27: {  	[sflag:s12] =	ssyncadd.s32 $0xFFFFC000;
	s22 =	smov.u32 s20;
	s23 =	sadd.s32 $0x10, s20  }
0x28: {  	[tilespmem:s13], [sflag:$0x2] =	stream.linear.gather [hbm4b:s21+s3], $0x80, $0x38;
	[tilespmem:$0x18100] =	vst v63  }
0x29: {  	p0 =	sne.s32 s20, $0x9F0;
	_ =	swait.ge [sflag:s12], $0x80  }
0x2a: {  	[sflag:s12] =	ssyncset.done $0x0  }
0x2b: {  	s20 =	sadd.s32 s19, s10;
	s19 =	smov.u32 s22;
	[sflag:s12] =	ssyncadd.s32 $0xFFFFFF80  }
0x2c: {  	[tilespmem:s14], [sflag:$0x2] =	stream.linear.gather [hbm4b:s20+s3], $0x80, $0x38;
	[tilespmem:$0x18100] =	vst v63  }
0x2d: {  	_ =	swait.ge [sflag:s12], $0x80  }
0x2e: {  	[sflag:s12] =	ssyncset.done $0x0  }
0x2f: {  	[sflag:s12] =	ssyncadd.s32 $0xFFFFFF80  }
0x30: {  	[tilespmem:s16], [sflag:$0x1] =	stream.indirect.gather [hbm4b:s4+s15], $0x80, s13, s15, $0xb8;
	[tilespmem:$0x18100] =	vst v63  }
0x31: {  	_ =	swait.ge [sflag:s17], $0x4000  }
.Ltmp0:
0x32: {  	[sflag:s17] =	ssyncset.done $0x0;
	(pc) =	sbr.rel @p0 .LBB2_2-.Ltmp0, $4  }
0x33: {  	[sflag:s17] =	ssyncadd.s32 $0xFFFFC000  }
0x34: {  	[spmem:s2] =	stream.indirect.scatter.add.f32 [tilespmem:s16], [sflag:$0x2], $0x80, s14, s15, $0xb8;
	[tilespmem:$0x18100] =	vst v63  }
0x35: {  	_ =	swait.ge [sflag:s12], $0x4000  }
0x36: {  	s20 =	smov.u32 s23;
	[sflag:s12] =	ssyncset.done $0x0  }
0x37: {  	s20 =	sadd.s32 s19, s9;
	[sflag:s12] =	ssyncadd.s32 $0xFFFFC000  }
0x38: {  	[tilespmem:s13], [sflag:$0x2] =	stream.linear.gather [hbm4b:s20+s3], $0x80, $0x38;
	[tilespmem:$0x18100] =	vst v63  }
0x39: {  	_ =	swait.ge [sflag:s12], $0x80  }
0x3a: {  	[sflag:s12] =	ssyncset.done $0x0  }
0x3b: {  	s31 =	sadd.s32 s19, s10;
	[sflag:s12] =	ssyncadd.s32 $0xFFFFFF80  }
0x3c: {  	[tilespmem:s14], [sflag:$0x2] =	stream.linear.gather [hbm4b:s31+s3], $0x80, $0x38;
	[tilespmem:$0x18100] =	vst v63  }
0x3d: {  	_ =	swait.ge [sflag:s12], $0x80  }
0x3e: {  	[sflag:s12] =	ssyncset.done $0x0  }
0x3f: {  	[sflag:s12] =	ssyncadd.s32 $0xFFFFFF80  }
0x40: {  	[tilespmem:s16], [sflag:$0x1] =	stream.indirect.gather [hbm4b:s4+s15], $0x80, s13, s15, $0xb8;
	[tilespmem:$0x18100] =	vst v63  }
0x41: {  	_ =	swait.ge [sflag:s17], $0x4000  }
0x42: {  	[sflag:s17] =	ssyncset.done $0x0  }
0x43: {  	[sflag:s17] =	ssyncadd.s32 $0xFFFFC000  }
0x44: {  	[spmem:s2] =	stream.indirect.scatter.add.f32 [tilespmem:s16], [sflag:$0x2], $0x80, s14, s15, $0xb8;
	[tilespmem:$0x18100] =	vst v63  }
0x45: {  	_ =	swait.ge [sflag:s12], $0x4000  }
0x46: {  	s18 =	sadd.s32 $0x1, s18;
	[sflag:s12] =	ssyncset.done $0x0  }
0x47: {  	p0 =	sne.s32 s18, s8;
	[sflag:s12] =	ssyncadd.s32 $0xFFFFC000  }
.Ltmp1:
0x48: {  	[bflag:$0x0] =	sbarrier.arrive $0xFFFF;
	(pc) =	sbr.rel @p0 .LBB2_1-.Ltmp1, $4  }
0x49: {  	[hbm:s7], [sflag:s6] =	dma.local [spmem:s11], $0x2800  }
0x4a: {  	_ =	swait.ge [sflag:s12], $0x2800  }
0x4b: {  	[sflag:s12] =	ssyncset.done $0x0  }
0x4c: {  	[sflag:s12] =	ssyncadd.s32 $0xFFFFD800  }
0x4d: {  	_ =	sfence.sel $0x180000  }
0x4e: {  	[bflag:$0x0] =	sbarrier.arrive $0xFFFF  }
0x4f: {  	p0 =	sne.s32 s0, $0x0;
	_ =	strace $0x90000053  }
0x50: {  	s0 =	sadd.s32 @!p0 $0x100000, s1;
	[bflag:$0x2] =	sbarrier.arrive $0xFFFF  }
0x51: {  	[sflag:s0] =	ssyncadd.tile.s32 @!p0 $0x1;
	_ =	shalt  }
.Lfunc_end2:
_tile_overlayer_lowered:
.L_overlay_start_2:
0x52: {  	(tag) =	ssettag $0x2  }
0x53: {  	s0 =	rddreg [dreg:$0x0];
	s2 =	stileid.u32  }
0x54: {  	s1 =	rddreg [dreg:$0x1];
	p0 =	sne.s32 s2, $0x0  }
0x55: {  	s3 =	rddreg [dreg:$0x2];
	[bflag:$0x3] =	sbarrier.arrive $0xFFFF;
	s2 =	simm.s32 @!p0 $0x1C02  }
0x56: {  	[timem:s3], [sflag:s2] =	dma.local @!p0 [hbm:s0], s1  }
0x57: {  	s0 =	simm.s32 @!p0 $0x2  }
0x58: {  	_ =	swait.ge @!p0 [sflag:s0], s1  }
0x59: {  	s1 =	ssub.s32 @!p0 $0x0, s1;
	[sflag:s0] =	ssyncset.done @!p0 $0x0  }
0x5a: {  	[sflag:s0] =	ssyncadd.s32 @!p0 s1  }
0x5b: {  	[bflag:$0x3] =	sbarrier.arrive $0xFFFF  }
0x5c: {  	_ =	shalt  }

// kernel: kernel.35.cloned.1.call-start
scs
__scs_entry_jumppad:
0x0: {  	(pc) =	sbr.rel $0x88, $3  }
0x1: {  	(tag) =	ssettag $0x0;
	lr =	simm.s32 $0x1  }
0x2: {  	[smem:$0x3F98] =	sst lr;
	_ =	strace $0xD0000000  }
0x3: {  	_ = 	snop  }
0x4: {  	_ = 	snop  }
0x5: {  	_ = 	snop  }
0x6: {  	_ = 	snop  }
0x7: {  	_ = 	snop  }
__scs_overlays_trampoline_lowered:
0x8: {  	[smem:$0x3FA7] =	sst s0  }
0x9: {  	[smem:$0x3FA8] =	sst s1  }
0xa: {  	[smem:$0x3FA9] =	sst s2  }
0xb: {  	[smem:$0x3FAA] =	sst s3  }
0xc: {  	[smem:$0x3FAB] =	sst s4  }
0xd: {  	[smem:$0x3FAC] =	sst s5  }
0xe: {  	[smem:$0x3FAD] =	sst s6  }
0xf: {  	[smem:$0x3FAE] =	sst s7  }
0x10: {  	[smem:$0x3FAF] =	sst s8  }
0x11: {  	[smem:$0x3FB0] =	sst s9;
	s0 =	simm.s32 @!p0 $0x0  }
0x12: {  	s1 =	sld [smem:$0x3F96];
	s0 =	simm.s32 @p0 $0x1  }
0x13: {  	[smem:$0x3FB1] =	sst s0;
	s0 =	simm.s32 @!p1 $0x0  }
0x14: {  	s2 =	sld [smem:$0x3F95];
	s0 =	simm.s32 @p1 $0x1  }
0x15: {  	[smem:$0x3FB2] =	sst s0;
	s0 =	simm.s32 @!p2 $0x0  }
0x16: {  	s3 =	sld [smem:$0x3FDB];
	s0 =	simm.s32 @p2 $0x1  }
0x17: {  	s4 =	simm.s32 $0x1BF5;
	[smem:$0x3FB4] =	sst s0  }
0x18: {  	s0 =	sld [smem:$0x3F97];
	_ =	swait.ge [sflag:s4], $0x0  }
0x19: {  	s7 =	sld [smem:$0x3F98]  }
0x1a: {  	s8 =	sadd.s32 $0xFFFFE003, lr  }
0x1b: {  	s9 =	sadd.s32 $0xFFFFFEF7, lr;
	s5 =	simm.s32 $0xFFFFFFFF;
	p2 =	slt.u32 s8, $0xFFFFF086  }
0x1c: {  	p1 =	slt.u32 s9, $0xF7A;
	s5 =	simm.s32 @!p2 $0x0  }
0x1d: {  	s5 =	simm.s32 @p1 $0x1;
	p0 =	seq.s32 s7, s2  }
0x1e: {  	s7 =	smul.u32 @!p0 $0xF7A, s2;
	p2 =	seq.s32 @!p0 s5, $0x0  }
0x1f: {  	s9 =	smul.u32 $0xF7A, s1;
	s8 =	simm.s32 @!p0 $0x1BF5;
	p2 =	por !p2, p0  }
0x20: {  	[sflag:s8] =	ssyncset.s32 @!p0 $0xFFFFF086;
	s6 =	sadd.s32 @!p0 s3, s7;
	s7 =	simm.s32 @!p0 $0x108  }
0x21: {  	s3 =	sadd.s32 s3, s9;
	s6 =	sadd.s32 @!p0 $0x88, s6;
	s7 =	simm.s32 @p2 $0x1082  }
0x22: {  	[simem:s7], [sflag:s8] =	dma.local @!p0 [hbm:s6], $0xF7A  }
0x23: {  	s9 =	sor.u32 $0xD0000000, s2;
	s6 =	simm.s32 $0x108;
	_ =	swait.ge @!p0 [sflag:s8], $0x0  }
0x24: {  	s3 =	sadd.s32 $0x88, s3;
	s6 =	simm.s32 @!p1 $0x1082;
	[sflag:s4] =	ssyncset.s32 $0xFFFFF086  }
0x25: {  	[simem:s6], [sflag:s4] =	dma.local [hbm:s3], $0xF7A  }
0x26: {  	[smem:$0x3F98] =	sst s1;
	(tag) =	ssettag s2;
	_ =	strace s9  }
0x27: {  	s1 =	sld [smem:$0x3FA8]  }
0x28: {  	s2 =	sld [smem:$0x3FA9]  }
0x29: {  	s4 =	sld [smem:$0x3FAB]  }
0x2a: {  	p0 =	seq.s32 s5, $0x0;
	s5 =	sld [smem:$0x3FAC]  }
0x2b: {  	s6 =	sld [smem:$0x3FAD]  }
0x2c: {  	s7 =	sld [smem:$0x3FAE]  }
0x2d: {  	s3 =	simm.s32 $0x108;
	s8 =	sld [smem:$0x3FAF]  }
0x2e: {  	s3 =	simm.s32 @!p0 $0x1082;
	s9 =	sld [smem:$0x3FB0]  }
0x2f: {  	lr =	sadd.s32 s0, s3;
	s0 =	sld [smem:$0x3FA7]  }
0x30: {  	s3 =	sld [smem:$0x3FAA]  }
0x31: {  	[smem:$0x3FB3] =	sst s10  }
0x32: {  	s10 =	sld [smem:$0x3FB1];
	_ =	sdelay $0x3  }
0x33: {  	p0 =	seq.s32 s10, $0x1;
	s10 =	sld [smem:$0x3FB3];
	_ =	sdelay $0x3  }
0x34: {  	[smem:$0x3FB3] =	sst s10  }
0x35: {  	s10 =	sld [smem:$0x3FB2];
	_ =	sdelay $0x3  }
0x36: {  	p1 =	seq.s32 s10, $0x1;
	s10 =	sld [smem:$0x3FB3];
	_ =	sdelay $0x3  }
0x37: {  	[smem:$0x3FB3] =	sst s10  }
0x38: {  	s10 =	sld [smem:$0x3FB4]  }
0x39: {  	_ = 	snop;
	(pc) =	sbr.ind lr, $3  }
0x3a: {  	_ = 	snop  }
0x3b: {  	_ = 	snop  }
0x3c: {  	p2 =	seq.s32 s10, $0x1;
	s10 =	sld [smem:$0x3FB3]  }
0x3d: {  	_ =	shalt  }
0x3e: {  	_ =	shalt  }
0x3f: {  	_ =	shalt  }
0x40: {  	_ =	shalt  }
0x41: {  	_ =	shalt  }
0x42: {  	_ =	shalt  }
0x43: {  	_ =	shalt  }
0x44: {  	_ =	shalt  }
0x45: {  	_ =	shalt  }
0x46: {  	_ =	shalt  }
0x47: {  	_ =	shalt  }
0x48: {  	_ =	shalt  }
0x49: {  	_ =	shalt  }
0x4a: {  	_ =	shalt  }
0x4b: {  	_ =	shalt  }
0x4c: {  	_ =	shalt  }
0x4d: {  	_ =	shalt  }
0x4e: {  	_ =	shalt  }
0x4f: {  	_ =	shalt  }
0x50: {  	_ =	shalt  }
0x51: {  	_ =	shalt  }
0x52: {  	_ =	shalt  }
0x53: {  	_ =	shalt  }
0x54: {  	_ =	shalt  }
0x55: {  	_ =	shalt  }
0x56: {  	_ =	shalt  }
0x57: {  	_ =	shalt  }
0x58: {  	_ =	shalt  }
0x59: {  	_ =	shalt  }
0x5a: {  	_ =	shalt  }
0x5b: {  	_ =	shalt  }
0x5c: {  	_ =	shalt  }
0x5d: {  	_ =	shalt  }
0x5e: {  	_ =	shalt  }
0x5f: {  	_ =	shalt  }
0x60: {  	_ =	shalt  }
0x61: {  	_ =	shalt  }
0x62: {  	_ =	shalt  }
0x63: {  	_ =	shalt  }
0x64: {  	_ =	shalt  }
0x65: {  	_ =	shalt  }
0x66: {  	_ =	shalt  }
0x67: {  	_ =	shalt  }
0x68: {  	_ =	shalt  }
0x69: {  	_ =	shalt  }
0x6a: {  	_ =	shalt  }
0x6b: {  	_ =	shalt  }
0x6c: {  	_ =	shalt  }
0x6d: {  	_ =	shalt  }
0x6e: {  	_ =	shalt  }
0x6f: {  	_ =	shalt  }
0x70: {  	_ =	shalt  }
0x71: {  	_ =	shalt  }
0x72: {  	_ =	shalt  }
0x73: {  	_ =	shalt  }
0x74: {  	_ =	shalt  }
0x75: {  	_ =	shalt  }
0x76: {  	_ =	shalt  }
0x77: {  	_ =	shalt  }
0x78: {  	_ =	shalt  }
0x79: {  	_ =	shalt  }
0x7a: {  	_ =	shalt  }
0x7b: {  	_ =	shalt  }
0x7c: {  	_ =	shalt  }
0x7d: {  	_ =	shalt  }
0x7e: {  	_ =	shalt  }
0x7f: {  	_ =	shalt  }
0x80: {  	_ =	shalt  }
0x81: {  	_ =	shalt  }
0x82: {  	_ =	shalt  }
0x83: {  	_ =	shalt  }
0x84: {  	_ =	shalt  }
0x85: {  	_ =	shalt  }
0x86: {  	_ =	shalt  }
0x87: {  	_ =	shalt  }
.Lfunc_end0:
.L_simem_size_0:
called_computation.5_lowered:
.L_overlay_start_0:
0x88: {  	s2 =	sld [smem:$0x3FD9]  }
0x89: {  	s3 =	sld [smem:$0x3FFE];
	_ =	sdelay $0x1  }
0x8a: {  	s1 =	srdreg.scid  }
0x8b: {  	s0 =	sand.u32 $0x1, s1  }
0x8c: {  	s17 =	sshll.u32 s0, $0xA;
	s2 =	sadd.s32 s3, s2  }
0x8d: {  	s2 =	sadd.s32 s2, s17  }
0x8e: {  	[smem:$0x3FBF] =	sst s2  }
0x8f: {  	_ = 	snop  }
0x90: {  	s2 =	sld [smem:$0x3FD0];
	(tm) =	ssettm $0x1  }
0x91: {  	s18 =	sld [smem:$0x3FFB];
	_ =	sdelay $0x3  }
0x92: {  	_ =	strace s18  }
0x93: {  	s3 =	sld [smem:$0x3FFC];
	_ =	sdelay $0x3  }
0x94: {  	_ =	strace s3  }
0x95: {  	s3 =	sld [smem:$0x3FFD];
	_ =	sdelay $0x3  }
0x96: {  	_ =	strace s3  }
0x97: {  	_ =	strace $0x8FFFFFFF  }
0x98: {  	s19 =	sld [smem:$0x3FDB];
	_ =	sdelay $0x1  }
0x99: {  	s4 =	simm.s32 $_scs_section_size  }
0x9a: {  	s5 =	simm.s32 $_size__tile_overlayer_lowered;
	s6 =	simm.s32 $_tile_overlayer_lowered  }
0x9b: {  	s22 =	simm.s32 $0x1BFF;
	s21 =	sshll.u32 s6, $0x1;
	s3 =	sadd.s32 s4, s19  }
0x9c: {  	s7 =	simm.s32 $0x0;
	s20 =	sshll.u32 s5, $0x1;
	s5 =	sadd.s32 s21, s3  }
0x9d: {  	[timem:s7], [sflag:s22] =	dma.local [hbm:s5], s20  }
0x9e: {  	_ =	swait.ge [sflag:s22], s20  }
0x9f: {  	s4 =	ssub.s32 $0x0, s20;
	[sflag:s22] =	ssyncset.done $0x0  }
0xa0: {  	[sflag:s22] =	ssyncadd.s32 s4;
	_ =	sdelay $0x1  }
0xa1: {  	s23 =	simm.s32 $0x1B8B  }
0xa2: {  	_ =	swait.ge [sflag:s23], $0x1  }
0xa3: {  	[sflag:s23] =	ssyncset.done $0x0  }
0xa4: {  	s25 =	simm.s32 $0x1B8E;
	s24 =	sld [smem:$0x3FFE];
	[sflag:s23] =	ssyncadd.s32 $0xFFFFFFFF  }
0xa5: {  	s26 =	simm.s32 $execute0_lowered;
	[smem:$0x3FD2] =	sst s25  }
0xa6: {  	s5 =	sshll.u32 s26, $0x1;
	_ =	strace $0x80000055;
	[dreg:$0x1] =	wrdreg $0xFFFFFFFF  }
0xa7: {  	s28 =	simm.s32 $_size_execute0_lowered;
	s3 =	sadd.s32 s3, s5;
	[dreg:$0x0] =	wrdreg $0x0  }
0xa8: {  	s5 =	sshll.u32 s28, $0x1;
	[dreg:$0x2] =	wrdreg s3  }
0xa9: {  	[dreg:$0x3] =	wrdreg s5  }
0xaa: {  	[dreg:$0x4] =	wrdreg $0xC0  }
0xab: {  	_ =	task [dreg:s7], $0x5FFFF  }
0xac: {  	[dreg:$0x1] =	wrdreg $0xFFFFFFFF  }
0xad: {  	[dreg:$0x0] =	wrdreg $0x60  }
0xae: {  	[dreg:$0x2] =	wrdreg s24  }
0xaf: {  	[dreg:$0x3] =	wrdreg s2  }
0xb0: {  	[dreg:$0x4] =	wrdreg $0x0  }
0xb1: {  	[dreg:$0x5] =	wrdreg $0x9  }
0xb2: {  	_ =	task.clear_ibuf [dreg:s7], $0x6FFFF;
	_ =	strace $0x90000055  }
0xb3: {  	s29 =	simm.s32 $0x9;
	_ =	strace $0x80000057  }
0xb4: {  	_ =	swait.ge [sflag:s29], $0x1  }
0xb5: {  	[sflag:s29] =	ssyncadd.s32 $0xFFFFFFFF  }
0xb6: {  	_ =	strace $0x90000057  }
0xb7: {  	_ =	sfence  }
0xb8: {  	s30 =	sld [smem:$0x0];
	_ =	sdelay $0x2  }
0xb9: {  	s31 =	sshll.u32 s1, $0xD;
	s1 =	sshrl.u32 s1, $0x2  }
0xba: {  	s3 =	sand.u32 $0x4000, s31;
	s1 =	sadd.s32 s1, s30  }
0xbb: {  	s0 =	sor.u32 s3, s0;
	s1 =	sshll.u32 s1, $0x11  }
0xbc: {  	s0 =	sor.u32 s1, s0  }
0xbd: {  	s0 =	sadd.s32 $0x8F2B, s0  }
0xbe: {  	[sflag:s0] =	ssyncadd.remote.s32 $0x1  }
0xbf: {  	_ =	sfence.sel $0xFFFF  }
0xc0: {  	[dreg:$0x0] =	wrdreg $0xFFFFFFFF;
	(pc) =	sbr.abs _section_cstart, $3  }
0xc1: {  	[dreg:$0x1] =	wrdreg $0xFFFFFFFF  }
0xc2: {  	_ =	task.clear_ibuf [dreg:s7], $0x2FFFF;
	_ =	strace $0x9FFFFFFF  }
0xc3: {  	(tm) =	ssettm $0x7FFFFFFF  }
tec
execute0_lowered:
.L_overlay_start_1:
0x0: {  	(tag) =	ssettag $0x1  }
0x1: {  	s5 =	rddreg [dreg:$0x0]  }
0x2: {  	s10 =	rddreg [dreg:$0x1]  }
0x3: {  	s0 =	srdreg.scid;
	s2 =	rddreg [dreg:$0x2]  }
0x4: {  	s1 =	rddreg [dreg:$0x3];
	s6 =	sand.u32 $0x1, s0  }
0x5: {  	s3 =	simm.s32 $0x0;
	s0 =	stileid.u32;
	s4 =	smul.u32 $0x50000, s6  }
0x6: {  	s15 =	simm.s32 $0x80;
	s16 =	simm.s32 $0x14000;
	s7 =	smul.u32 $0x5000, s0  }
0x7: {  	s17 =	simm.s32 $0x1;
	[smem:$0x7FF] =	sst s3;
	s26 =	smul.u32 $0x14000, s0  }
0x8: {  	s18 =	simm.s32 $0x0;
	s9 =	smul.u32 $0x140000, s6;
	_ =	strace $0x80000056  }
0x9: {  	s29 =	smul.u32 $0x50000, s0;
	s6 =	ssub.s32 $0x2, s6;
	s31 =	sshll.u32 s0, $0x6  }
0xa: {  	s14 =	smul.u32 $0xA00, s0;
	s30 =	sshrl.u32 s6, $0x1;
	s4 =	sadd.s32 s7, s4  }
0xb: {  	s28 =	sshrl.u32 s26, $0x3;
	s7 =	sadd.s32 s26, s9;
	s9 =	sshrl.u32 s29, $0x2  }
0xc: {  	s12 =	ssub.s32 s6, s30;
	s6 =	sor.u32 $0x1C02, s31;
	s10 =	sadd.s32 s14, s10  }
0xd: {  	s14 =	simm.s32 $0x18080;
	s8 =	sshrl.u32 s4, $0x3;
	s4 =	sadd.s32 $0x92200, s5  }
0xe: {  	s7 =	sshrl.u32 s7, $0x3;
	s11 =	sadd.s32 s8, s5;
	s8 =	sadd.s32 s28, s5  }
0xf: {  	s13 =	sadd.s32 s9, s2;
	s7 =	sadd.s32 s7, s5;
	s5 =	sadd.s32 $0x6200, s8  }
0x10: {  	s7 =	sadd.s32 $0xE2200, s7;
	s8 =	smax.u32 s12, $0x1;
	s9 =	sadd.s32 $0x7E200, s11  }
0x11: {  	s11 =	sshrl.u32 s13, $0x3;
	s12 =	simm.s32 $0x2;
	s13 =	simm.s32 $0x18000  }
.LBB2_1:
0x12: {  	[spmem:s11], [sflag:s6] =	dma.local [hbm:s5], $0x2800  }
0x13: {  	_ =	swait.ge [sflag:s12], $0x2800  }
0x14: {  	[sflag:s12] =	ssyncset.done $0x0  }
0x15: {  	[sflag:s12] =	ssyncadd.s32 $0xFFFFD800  }
0x16: {  	s19 =	sadd.s32 $0x0, s9;
	[bflag:$0x0] =	sbarrier.arrive $0xFFFF  }
0x17: {  	[tilespmem:s13], [sflag:$0x2] =	stream.linear.gather [hbm4b:s19+s3], $0x80, $0x38;
	[tilespmem:$0x18100] =	vst v63  }
0x18: {  	_ =	swait.ge [sflag:s12], $0x80  }
0x19: {  	[sflag:s12] =	ssyncset.done $0x0  }
0x1a: {  	s31 =	sadd.s32 $0x0, s10;
	[sflag:s12] =	ssyncadd.s32 $0xFFFFFF80  }
0x1b: {  	[tilespmem:s14], [sflag:$0x2] =	stream.linear.gather [hbm4b:s31+s3], $0x80, $0x38;
	[tilespmem:$0x18100] =	vst v63  }
0x1c: {  	_ =	swait.ge [sflag:s12], $0x80  }
0x1d: {  	[sflag:s12] =	ssyncset.done $0x0  }
0x1e: {  	[sflag:s12] =	ssyncadd.s32 $0xFFFFFF80  }
0x1f: {  	[tilespmem:s16], [sflag:$0x1] =	stream.indirect.gather [hbm4b:s4+s15], $0x80, s13, s15, $0xb8;
	[tilespmem:$0x18100] =	vst v63  }
0x20: {  	_ =	swait.ge [sflag:s17], $0x4000  }
0x21: {  	[sflag:s17] =	ssyncset.done $0x0  }
0x22: {  	[sflag:s17] =	ssyncadd.s32 $0xFFFFC000  }
0x23: {  	[spmem:s2] =	stream.indirect.scatter.add.f32 [tilespmem:s16], [sflag:$0x2], $0x80, s14, s15, $0xb8;
	[tilespmem:$0x18100] =	vst v63  }
0x24: {  	_ =	swait.ge [sflag:s12], $0x4000  }
0x25: {  	s20 =	simm.s32 $0x20;
	s19 =	simm.s32 $0x10;
	[sflag:s12] =	ssyncset.done $0x0  }
.LBB2_2:
0x26: {  	s21 =	sadd.s32 s19, s9  }
0x27: {  	[sflag:s12] =	ssyncadd.s32 $0xFFFFC000;
	s22 =	smov.u32 s20;
	s23 =	sadd.s32 $0x10, s20  }
0x28: {  	[tilespmem:s13], [sflag:$0x2] =	stream.linear.gather [hbm4b:s21+s3], $0x80, $0x38;
	[tilespmem:$0x18100] =	vst v63  }
0x29: {  	p0 =	sne.s32 s20, $0x9F0;
	_ =	swait.ge [sflag:s12], $0x80  }
0x2a: {  	[sflag:s12] =	ssyncset.done $0x0  }
0x2b: {  	s20 =	sadd.s32 s19, s10;
	s19 =	smov.u32 s22;
	[sflag:s12] =	ssyncadd.s32 $0xFFFFFF80  }
0x2c: {  	[tilespmem:s14], [sflag:$0x2] =	stream.linear.gather [hbm4b:s20+s3], $0x80, $0x38;
	[tilespmem:$0x18100] =	vst v63  }
0x2d: {  	_ =	swait.ge [sflag:s12], $0x80  }
0x2e: {  	[sflag:s12] =	ssyncset.done $0x0  }
0x2f: {  	[sflag:s12] =	ssyncadd.s32 $0xFFFFFF80  }
0x30: {  	[tilespmem:s16], [sflag:$0x1] =	stream.indirect.gather [hbm4b:s4+s15], $0x80, s13, s15, $0xb8;
	[tilespmem:$0x18100] =	vst v63  }
0x31: {  	_ =	swait.ge [sflag:s17], $0x4000  }
.Ltmp0:
0x32: {  	[sflag:s17] =	ssyncset.done $0x0;
	(pc) =	sbr.rel @p0 .LBB2_2-.Ltmp0, $4  }
0x33: {  	[sflag:s17] =	ssyncadd.s32 $0xFFFFC000  }
0x34: {  	[spmem:s2] =	stream.indirect.scatter.add.f32 [tilespmem:s16], [sflag:$0x2], $0x80, s14, s15, $0xb8;
	[tilespmem:$0x18100] =	vst v63  }
0x35: {  	_ =	swait.ge [sflag:s12], $0x4000  }
0x36: {  	s20 =	smov.u32 s23;
	[sflag:s12] =	ssyncset.done $0x0  }
0x37: {  	s20 =	sadd.s32 s19, s9;
	[sflag:s12] =	ssyncadd.s32 $0xFFFFC000  }
0x38: {  	[tilespmem:s13], [sflag:$0x2] =	stream.linear.gather [hbm4b:s20+s3], $0x80, $0x38;
	[tilespmem:$0x18100] =	vst v63  }
0x39: {  	_ =	swait.ge [sflag:s12], $0x80  }
0x3a: {  	[sflag:s12] =	ssyncset.done $0x0  }
0x3b: {  	s31 =	sadd.s32 s19, s10;
	[sflag:s12] =	ssyncadd.s32 $0xFFFFFF80  }
0x3c: {  	[tilespmem:s14], [sflag:$0x2] =	stream.linear.gather [hbm4b:s31+s3], $0x80, $0x38;
	[tilespmem:$0x18100] =	vst v63  }
0x3d: {  	_ =	swait.ge [sflag:s12], $0x80  }
0x3e: {  	[sflag:s12] =	ssyncset.done $0x0  }
0x3f: {  	[sflag:s12] =	ssyncadd.s32 $0xFFFFFF80  }
0x40: {  	[tilespmem:s16], [sflag:$0x1] =	stream.indirect.gather [hbm4b:s4+s15], $0x80, s13, s15, $0xb8;
	[tilespmem:$0x18100] =	vst v63  }
0x41: {  	_ =	swait.ge [sflag:s17], $0x4000  }
0x42: {  	[sflag:s17] =	ssyncset.done $0x0  }
0x43: {  	[sflag:s17] =	ssyncadd.s32 $0xFFFFC000  }
0x44: {  	[spmem:s2] =	stream.indirect.scatter.add.f32 [tilespmem:s16], [sflag:$0x2], $0x80, s14, s15, $0xb8;
	[tilespmem:$0x18100] =	vst v63  }
0x45: {  	_ =	swait.ge [sflag:s12], $0x4000  }
0x46: {  	s18 =	sadd.s32 $0x1, s18;
	[sflag:s12] =	ssyncset.done $0x0  }
0x47: {  	p0 =	sne.s32 s18, s8;
	[sflag:s12] =	ssyncadd.s32 $0xFFFFC000  }
.Ltmp1:
0x48: {  	[bflag:$0x0] =	sbarrier.arrive $0xFFFF;
	(pc) =	sbr.rel @p0 .LBB2_1-.Ltmp1, $4  }
0x49: {  	[hbm:s7], [sflag:s6] =	dma.local [spmem:s11], $0x2800  }
0x4a: {  	_ =	swait.ge [sflag:s12], $0x2800  }
0x4b: {  	[sflag:s12] =	ssyncset.done $0x0  }
0x4c: {  	[sflag:s12] =	ssyncadd.s32 $0xFFFFD800  }
0x4d: {  	_ =	sfence.sel $0x180000  }
0x4e: {  	[bflag:$0x0] =	sbarrier.arrive $0xFFFF  }
0x4f: {  	p0 =	sne.s32 s0, $0x0;
	_ =	strace $0x90000056  }
0x50: {  	s0 =	sadd.s32 @!p0 $0x100000, s1;
	[bflag:$0x2] =	sbarrier.arrive $0xFFFF  }
0x51: {  	[sflag:s0] =	ssyncadd.tile.s32 @!p0 $0x1;
	_ =	shalt  }
.Lfunc_end2:
_tile_overlayer_lowered:
.L_overlay_start_2:
0x52: {  	(tag) =	ssettag $0x2  }
0x53: {  	s0 =	rddreg [dreg:$0x0];
	s2 =	stileid.u32  }
0x54: {  	s1 =	rddreg [dreg:$0x1];
	p0 =	sne.s32 s2, $0x0  }
0x55: {  	s3 =	rddreg [dreg:$0x2];
	[bflag:$0x3] =	sbarrier.arrive $0xFFFF;
	s2 =	simm.s32 @!p0 $0x1C02  }
0x56: {  	[timem:s3], [sflag:s2] =	dma.local @!p0 [hbm:s0], s1  }
0x57: {  	s0 =	simm.s32 @!p0 $0x2  }
0x58: {  	_ =	swait.ge @!p0 [sflag:s0], s1  }
0x59: {  	s1 =	ssub.s32 @!p0 $0x0, s1;
	[sflag:s0] =	ssyncset.done @!p0 $0x0  }
0x5a: {  	[sflag:s0] =	ssyncadd.s32 @!p0 s1  }
0x5b: {  	[bflag:$0x3] =	sbarrier.arrive $0xFFFF  }
0x5c: {  	_ =	shalt  }

// kernel: kernel.38.cloned.1.call-start
scs
__scs_entry_jumppad:
0x0: {  	(pc) =	sbr.rel $0x88, $3  }
0x1: {  	(tag) =	ssettag $0x0;
	lr =	simm.s32 $0x1  }
0x2: {  	[smem:$0x3F98] =	sst lr;
	_ =	strace $0xD0000000  }
0x3: {  	_ = 	snop  }
0x4: {  	_ = 	snop  }
0x5: {  	_ = 	snop  }
0x6: {  	_ = 	snop  }
0x7: {  	_ = 	snop  }
__scs_overlays_trampoline_lowered:
0x8: {  	[smem:$0x3FA7] =	sst s0  }
0x9: {  	[smem:$0x3FA8] =	sst s1  }
0xa: {  	[smem:$0x3FA9] =	sst s2  }
0xb: {  	[smem:$0x3FAA] =	sst s3  }
0xc: {  	[smem:$0x3FAB] =	sst s4  }
0xd: {  	[smem:$0x3FAC] =	sst s5  }
0xe: {  	[smem:$0x3FAD] =	sst s6  }
0xf: {  	[smem:$0x3FAE] =	sst s7  }
0x10: {  	[smem:$0x3FAF] =	sst s8  }
0x11: {  	[smem:$0x3FB0] =	sst s9;
	s0 =	simm.s32 @!p0 $0x0  }
0x12: {  	s1 =	sld [smem:$0x3F96];
	s0 =	simm.s32 @p0 $0x1  }
0x13: {  	[smem:$0x3FB1] =	sst s0;
	s0 =	simm.s32 @!p1 $0x0  }
0x14: {  	s2 =	sld [smem:$0x3F95];
	s0 =	simm.s32 @p1 $0x1  }
0x15: {  	[smem:$0x3FB2] =	sst s0;
	s0 =	simm.s32 @!p2 $0x0  }
0x16: {  	s3 =	sld [smem:$0x3FDB];
	s0 =	simm.s32 @p2 $0x1  }
0x17: {  	s4 =	simm.s32 $0x1BF5;
	[smem:$0x3FB4] =	sst s0  }
0x18: {  	s0 =	sld [smem:$0x3F97];
	_ =	swait.ge [sflag:s4], $0x0  }
0x19: {  	s7 =	sld [smem:$0x3F98]  }
0x1a: {  	s8 =	sadd.s32 $0xFFFFE003, lr  }
0x1b: {  	s9 =	sadd.s32 $0xFFFFFEF7, lr;
	s5 =	simm.s32 $0xFFFFFFFF;
	p2 =	slt.u32 s8, $0xFFFFF086  }
0x1c: {  	p1 =	slt.u32 s9, $0xF7A;
	s5 =	simm.s32 @!p2 $0x0  }
0x1d: {  	s5 =	simm.s32 @p1 $0x1;
	p0 =	seq.s32 s7, s2  }
0x1e: {  	s7 =	smul.u32 @!p0 $0xF7A, s2;
	p2 =	seq.s32 @!p0 s5, $0x0  }
0x1f: {  	s9 =	smul.u32 $0xF7A, s1;
	s8 =	simm.s32 @!p0 $0x1BF5;
	p2 =	por !p2, p0  }
0x20: {  	[sflag:s8] =	ssyncset.s32 @!p0 $0xFFFFF086;
	s6 =	sadd.s32 @!p0 s3, s7;
	s7 =	simm.s32 @!p0 $0x108  }
0x21: {  	s3 =	sadd.s32 s3, s9;
	s6 =	sadd.s32 @!p0 $0x88, s6;
	s7 =	simm.s32 @p2 $0x1082  }
0x22: {  	[simem:s7], [sflag:s8] =	dma.local @!p0 [hbm:s6], $0xF7A  }
0x23: {  	s9 =	sor.u32 $0xD0000000, s2;
	s6 =	simm.s32 $0x108;
	_ =	swait.ge @!p0 [sflag:s8], $0x0  }
0x24: {  	s3 =	sadd.s32 $0x88, s3;
	s6 =	simm.s32 @!p1 $0x1082;
	[sflag:s4] =	ssyncset.s32 $0xFFFFF086  }
0x25: {  	[simem:s6], [sflag:s4] =	dma.local [hbm:s3], $0xF7A  }
0x26: {  	[smem:$0x3F98] =	sst s1;
	(tag) =	ssettag s2;
	_ =	strace s9  }
0x27: {  	s1 =	sld [smem:$0x3FA8]  }
0x28: {  	s2 =	sld [smem:$0x3FA9]  }
0x29: {  	s4 =	sld [smem:$0x3FAB]  }
0x2a: {  	p0 =	seq.s32 s5, $0x0;
	s5 =	sld [smem:$0x3FAC]  }
0x2b: {  	s6 =	sld [smem:$0x3FAD]  }
0x2c: {  	s7 =	sld [smem:$0x3FAE]  }
0x2d: {  	s3 =	simm.s32 $0x108;
	s8 =	sld [smem:$0x3FAF]  }
0x2e: {  	s3 =	simm.s32 @!p0 $0x1082;
	s9 =	sld [smem:$0x3FB0]  }
0x2f: {  	lr =	sadd.s32 s0, s3;
	s0 =	sld [smem:$0x3FA7]  }
0x30: {  	s3 =	sld [smem:$0x3FAA]  }
0x31: {  	[smem:$0x3FB3] =	sst s10  }
0x32: {  	s10 =	sld [smem:$0x3FB1];
	_ =	sdelay $0x3  }
0x33: {  	p0 =	seq.s32 s10, $0x1;
	s10 =	sld [smem:$0x3FB3];
	_ =	sdelay $0x3  }
0x34: {  	[smem:$0x3FB3] =	sst s10  }
0x35: {  	s10 =	sld [smem:$0x3FB2];
	_ =	sdelay $0x3  }
0x36: {  	p1 =	seq.s32 s10, $0x1;
	s10 =	sld [smem:$0x3FB3];
	_ =	sdelay $0x3  }
0x37: {  	[smem:$0x3FB3] =	sst s10  }
0x38: {  	s10 =	sld [smem:$0x3FB4]  }
0x39: {  	_ = 	snop;
	(pc) =	sbr.ind lr, $3  }
0x3a: {  	_ = 	snop  }
0x3b: {  	_ = 	snop  }
0x3c: {  	p2 =	seq.s32 s10, $0x1;
	s10 =	sld [smem:$0x3FB3]  }
0x3d: {  	_ =	shalt  }
0x3e: {  	_ =	shalt  }
0x3f: {  	_ =	shalt  }
0x40: {  	_ =	shalt  }
0x41: {  	_ =	shalt  }
0x42: {  	_ =	shalt  }
0x43: {  	_ =	shalt  }
0x44: {  	_ =	shalt  }
0x45: {  	_ =	shalt  }
0x46: {  	_ =	shalt  }
0x47: {  	_ =	shalt  }
0x48: {  	_ =	shalt  }
0x49: {  	_ =	shalt  }
0x4a: {  	_ =	shalt  }
0x4b: {  	_ =	shalt  }
0x4c: {  	_ =	shalt  }
0x4d: {  	_ =	shalt  }
0x4e: {  	_ =	shalt  }
0x4f: {  	_ =	shalt  }
0x50: {  	_ =	shalt  }
0x51: {  	_ =	shalt  }
0x52: {  	_ =	shalt  }
0x53: {  	_ =	shalt  }
0x54: {  	_ =	shalt  }
0x55: {  	_ =	shalt  }
0x56: {  	_ =	shalt  }
0x57: {  	_ =	shalt  }
0x58: {  	_ =	shalt  }
0x59: {  	_ =	shalt  }
0x5a: {  	_ =	shalt  }
0x5b: {  	_ =	shalt  }
0x5c: {  	_ =	shalt  }
0x5d: {  	_ =	shalt  }
0x5e: {  	_ =	shalt  }
0x5f: {  	_ =	shalt  }
0x60: {  	_ =	shalt  }
0x61: {  	_ =	shalt  }
0x62: {  	_ =	shalt  }
0x63: {  	_ =	shalt  }
0x64: {  	_ =	shalt  }
0x65: {  	_ =	shalt  }
0x66: {  	_ =	shalt  }
0x67: {  	_ =	shalt  }
0x68: {  	_ =	shalt  }
0x69: {  	_ =	shalt  }
0x6a: {  	_ =	shalt  }
0x6b: {  	_ =	shalt  }
0x6c: {  	_ =	shalt  }
0x6d: {  	_ =	shalt  }
0x6e: {  	_ =	shalt  }
0x6f: {  	_ =	shalt  }
0x70: {  	_ =	shalt  }
0x71: {  	_ =	shalt  }
0x72: {  	_ =	shalt  }
0x73: {  	_ =	shalt  }
0x74: {  	_ =	shalt  }
0x75: {  	_ =	shalt  }
0x76: {  	_ =	shalt  }
0x77: {  	_ =	shalt  }
0x78: {  	_ =	shalt  }
0x79: {  	_ =	shalt  }
0x7a: {  	_ =	shalt  }
0x7b: {  	_ =	shalt  }
0x7c: {  	_ =	shalt  }
0x7d: {  	_ =	shalt  }
0x7e: {  	_ =	shalt  }
0x7f: {  	_ =	shalt  }
0x80: {  	_ =	shalt  }
0x81: {  	_ =	shalt  }
0x82: {  	_ =	shalt  }
0x83: {  	_ =	shalt  }
0x84: {  	_ =	shalt  }
0x85: {  	_ =	shalt  }
0x86: {  	_ =	shalt  }
0x87: {  	_ =	shalt  }
.Lfunc_end0:
.L_simem_size_0:
called_computation.6_lowered:
.L_overlay_start_0:
0x88: {  	s2 =	sld [smem:$0x3FD9]  }
0x89: {  	s3 =	sld [smem:$0x3FFE];
	_ =	sdelay $0x1  }
0x8a: {  	s1 =	srdreg.scid  }
0x8b: {  	s0 =	sand.u32 $0x1, s1  }
0x8c: {  	s17 =	sshll.u32 s0, $0xA;
	s2 =	sadd.s32 s3, s2  }
0x8d: {  	s2 =	sadd.s32 s2, s17  }
0x8e: {  	[smem:$0x3FBF] =	sst s2  }
0x8f: {  	_ = 	snop  }
0x90: {  	s2 =	sld [smem:$0x3FD0];
	(tm) =	ssettm $0x1  }
0x91: {  	s18 =	sld [smem:$0x3FFB];
	_ =	sdelay $0x3  }
0x92: {  	_ =	strace s18  }
0x93: {  	s3 =	sld [smem:$0x3FFC];
	_ =	sdelay $0x3  }
0x94: {  	_ =	strace s3  }
0x95: {  	s3 =	sld [smem:$0x3FFD];
	_ =	sdelay $0x3  }
0x96: {  	_ =	strace s3  }
0x97: {  	_ =	strace $0x8FFFFFFF  }
0x98: {  	s19 =	sld [smem:$0x3FDB];
	_ =	sdelay $0x1  }
0x99: {  	s4 =	simm.s32 $_scs_section_size  }
0x9a: {  	s5 =	simm.s32 $_size__tile_overlayer_lowered;
	s6 =	simm.s32 $_tile_overlayer_lowered  }
0x9b: {  	s22 =	simm.s32 $0x1BFF;
	s21 =	sshll.u32 s6, $0x1;
	s3 =	sadd.s32 s4, s19  }
0x9c: {  	s7 =	simm.s32 $0x0;
	s20 =	sshll.u32 s5, $0x1;
	s5 =	sadd.s32 s21, s3  }
0x9d: {  	[timem:s7], [sflag:s22] =	dma.local [hbm:s5], s20  }
0x9e: {  	_ =	swait.ge [sflag:s22], s20  }
0x9f: {  	s4 =	ssub.s32 $0x0, s20;
	[sflag:s22] =	ssyncset.done $0x0  }
0xa0: {  	[sflag:s22] =	ssyncadd.s32 s4;
	_ =	sdelay $0x1  }
0xa1: {  	s23 =	simm.s32 $0x1B8B  }
0xa2: {  	_ =	swait.ge [sflag:s23], $0x1  }
0xa3: {  	[sflag:s23] =	ssyncset.done $0x0  }
0xa4: {  	s25 =	simm.s32 $0x1B8E;
	s24 =	sld [smem:$0x3FFE];
	[sflag:s23] =	ssyncadd.s32 $0xFFFFFFFF  }
0xa5: {  	s26 =	simm.s32 $execute0_lowered;
	[smem:$0x3FD2] =	sst s25  }
0xa6: {  	s5 =	sshll.u32 s26, $0x1;
	_ =	strace $0x80000058;
	[dreg:$0x1] =	wrdreg $0xFFFFFFFF  }
0xa7: {  	s28 =	simm.s32 $_size_execute0_lowered;
	s3 =	sadd.s32 s3, s5;
	[dreg:$0x0] =	wrdreg $0x0  }
0xa8: {  	s5 =	sshll.u32 s28, $0x1;
	[dreg:$0x2] =	wrdreg s3  }
0xa9: {  	[dreg:$0x3] =	wrdreg s5  }
0xaa: {  	[dreg:$0x4] =	wrdreg $0xC0  }
0xab: {  	_ =	task [dreg:s7], $0x5FFFF  }
0xac: {  	[dreg:$0x1] =	wrdreg $0xFFFFFFFF  }
0xad: {  	[dreg:$0x0] =	wrdreg $0x60  }
0xae: {  	[dreg:$0x2] =	wrdreg s24  }
0xaf: {  	[dreg:$0x3] =	wrdreg s2  }
0xb0: {  	[dreg:$0x4] =	wrdreg $0x0  }
0xb1: {  	[dreg:$0x5] =	wrdreg $0x9  }
0xb2: {  	_ =	task.clear_ibuf [dreg:s7], $0x6FFFF;
	_ =	strace $0x90000058  }
0xb3: {  	s29 =	simm.s32 $0x9;
	_ =	strace $0x8000005A  }
0xb4: {  	_ =	swait.ge [sflag:s29], $0x1  }
0xb5: {  	[sflag:s29] =	ssyncadd.s32 $0xFFFFFFFF  }
0xb6: {  	_ =	strace $0x9000005A  }
0xb7: {  	_ =	sfence  }
0xb8: {  	s30 =	sld [smem:$0x0];
	_ =	sdelay $0x2  }
0xb9: {  	s31 =	sshll.u32 s1, $0xD;
	s1 =	sshrl.u32 s1, $0x2  }
0xba: {  	s3 =	sand.u32 $0x4000, s31;
	s1 =	sadd.s32 s1, s30  }
0xbb: {  	s0 =	sor.u32 s3, s0;
	s1 =	sshll.u32 s1, $0x11  }
0xbc: {  	s0 =	sor.u32 s1, s0  }
0xbd: {  	s0 =	sadd.s32 $0x8F2B, s0  }
0xbe: {  	[sflag:s0] =	ssyncadd.remote.s32 $0x1  }
0xbf: {  	_ =	sfence.sel $0xFFFF  }
0xc0: {  	[dreg:$0x0] =	wrdreg $0xFFFFFFFF;
	(pc) =	sbr.abs _section_cstart, $3  }
0xc1: {  	[dreg:$0x1] =	wrdreg $0xFFFFFFFF  }
0xc2: {  	_ =	task.clear_ibuf [dreg:s7], $0x2FFFF;
	_ =	strace $0x9FFFFFFF  }
0xc3: {  	(tm) =	ssettm $0x7FFFFFFF  }
tec
execute0_lowered:
.L_overlay_start_1:
0x0: {  	(tag) =	ssettag $0x1  }
0x1: {  	s5 =	rddreg [dreg:$0x0]  }
0x2: {  	s10 =	rddreg [dreg:$0x1]  }
0x3: {  	s0 =	srdreg.scid;
	s2 =	rddreg [dreg:$0x2]  }
0x4: {  	s1 =	rddreg [dreg:$0x3];
	s6 =	sand.u32 $0x1, s0  }
0x5: {  	s3 =	simm.s32 $0x0;
	s0 =	stileid.u32;
	s4 =	smul.u32 $0x50000, s6  }
0x6: {  	s15 =	simm.s32 $0x80;
	s16 =	simm.s32 $0x14000;
	s7 =	smul.u32 $0x5000, s0  }
0x7: {  	s17 =	simm.s32 $0x1;
	[smem:$0x7FF] =	sst s3;
	s26 =	smul.u32 $0x14000, s0  }
0x8: {  	s18 =	simm.s32 $0x0;
	s9 =	smul.u32 $0x140000, s6;
	_ =	strace $0x80000059  }
0x9: {  	s29 =	smul.u32 $0x50000, s0;
	s6 =	ssub.s32 $0x2, s6;
	s31 =	sshll.u32 s0, $0x6  }
0xa: {  	s14 =	smul.u32 $0xA00, s0;
	s30 =	sshrl.u32 s6, $0x1;
	s4 =	sadd.s32 s7, s4  }
0xb: {  	s28 =	sshrl.u32 s26, $0x3;
	s7 =	sadd.s32 s26, s9;
	s9 =	sshrl.u32 s29, $0x2  }
0xc: {  	s12 =	ssub.s32 s6, s30;
	s6 =	sor.u32 $0x1C02, s31;
	s10 =	sadd.s32 s14, s10  }
0xd: {  	s14 =	simm.s32 $0x18080;
	s8 =	sshrl.u32 s4, $0x3;
	s4 =	sadd.s32 $0x92200, s5  }
0xe: {  	s7 =	sshrl.u32 s7, $0x3;
	s11 =	sadd.s32 s8, s5;
	s8 =	sadd.s32 s28, s5  }
0xf: {  	s13 =	sadd.s32 s9, s2;
	s7 =	sadd.s32 s7, s5;
	s5 =	sadd.s32 $0x6200, s8  }
0x10: {  	s7 =	sadd.s32 $0xE2200, s7;
	s8 =	smax.u32 s12, $0x1;
	s9 =	sadd.s32 $0x7E200, s11  }
0x11: {  	s11 =	sshrl.u32 s13, $0x3;
	s12 =	simm.s32 $0x2;
	s13 =	simm.s32 $0x18000  }
.LBB2_1:
0x12: {  	[spmem:s11], [sflag:s6] =	dma.local [hbm:s5], $0x2800  }
0x13: {  	_ =	swait.ge [sflag:s12], $0x2800  }
0x14: {  	[sflag:s12] =	ssyncset.done $0x0  }
0x15: {  	[sflag:s12] =	ssyncadd.s32 $0xFFFFD800  }
0x16: {  	s19 =	sadd.s32 $0x0, s9;
	[bflag:$0x0] =	sbarrier.arrive $0xFFFF  }
0x17: {  	[tilespmem:s13], [sflag:$0x2] =	stream.linear.gather [hbm4b:s19+s3], $0x80, $0x38;
	[tilespmem:$0x18100] =	vst v63  }
0x18: {  	_ =	swait.ge [sflag:s12], $0x80  }
0x19: {  	[sflag:s12] =	ssyncset.done $0x0  }
0x1a: {  	s31 =	sadd.s32 $0x0, s10;
	[sflag:s12] =	ssyncadd.s32 $0xFFFFFF80  }
0x1b: {  	[tilespmem:s14], [sflag:$0x2] =	stream.linear.gather [hbm4b:s31+s3], $0x80, $0x38;
	[tilespmem:$0x18100] =	vst v63  }
0x1c: {  	_ =	swait.ge [sflag:s12], $0x80  }
0x1d: {  	[sflag:s12] =	ssyncset.done $0x0  }
0x1e: {  	[sflag:s12] =	ssyncadd.s32 $0xFFFFFF80  }
0x1f: {  	[tilespmem:s16], [sflag:$0x1] =	stream.indirect.gather [hbm4b:s4+s15], $0x80, s13, s15, $0xb8;
	[tilespmem:$0x18100] =	vst v63  }
0x20: {  	_ =	swait.ge [sflag:s17], $0x4000  }
0x21: {  	[sflag:s17] =	ssyncset.done $0x0  }
0x22: {  	[sflag:s17] =	ssyncadd.s32 $0xFFFFC000  }
0x23: {  	[spmem:s2] =	stream.indirect.scatter.add.f32 [tilespmem:s16], [sflag:$0x2], $0x80, s14, s15, $0xb8;
	[tilespmem:$0x18100] =	vst v63  }
0x24: {  	_ =	swait.ge [sflag:s12], $0x4000  }
0x25: {  	s20 =	simm.s32 $0x20;
	s19 =	simm.s32 $0x10;
	[sflag:s12] =	ssyncset.done $0x0  }
.LBB2_2:
0x26: {  	s21 =	sadd.s32 s19, s9  }
0x27: {  	[sflag:s12] =	ssyncadd.s32 $0xFFFFC000;
	s22 =	smov.u32 s20;
	s23 =	sadd.s32 $0x10, s20  }
0x28: {  	[tilespmem:s13], [sflag:$0x2] =	stream.linear.gather [hbm4b:s21+s3], $0x80, $0x38;
	[tilespmem:$0x18100] =	vst v63  }
0x29: {  	p0 =	sne.s32 s20, $0x9F0;
	_ =	swait.ge [sflag:s12], $0x80  }
0x2a: {  	[sflag:s12] =	ssyncset.done $0x0  }
0x2b: {  	s20 =	sadd.s32 s19, s10;
	s19 =	smov.u32 s22;
	[sflag:s12] =	ssyncadd.s32 $0xFFFFFF80  }
0x2c: {  	[tilespmem:s14], [sflag:$0x2] =	stream.linear.gather [hbm4b:s20+s3], $0x80, $0x38;
	[tilespmem:$0x18100] =	vst v63  }
0x2d: {  	_ =	swait.ge [sflag:s12], $0x80  }
0x2e: {  	[sflag:s12] =	ssyncset.done $0x0  }
0x2f: {  	[sflag:s12] =	ssyncadd.s32 $0xFFFFFF80  }
0x30: {  	[tilespmem:s16], [sflag:$0x1] =	stream.indirect.gather [hbm4b:s4+s15], $0x80, s13, s15, $0xb8;
	[tilespmem:$0x18100] =	vst v63  }
0x31: {  	_ =	swait.ge [sflag:s17], $0x4000  }
.Ltmp0:
0x32: {  	[sflag:s17] =	ssyncset.done $0x0;
	(pc) =	sbr.rel @p0 .LBB2_2-.Ltmp0, $4  }
0x33: {  	[sflag:s17] =	ssyncadd.s32 $0xFFFFC000  }
0x34: {  	[spmem:s2] =	stream.indirect.scatter.add.f32 [tilespmem:s16], [sflag:$0x2], $0x80, s14, s15, $0xb8;
	[tilespmem:$0x18100] =	vst v63  }
0x35: {  	_ =	swait.ge [sflag:s12], $0x4000  }
0x36: {  	s20 =	smov.u32 s23;
	[sflag:s12] =	ssyncset.done $0x0  }
0x37: {  	s20 =	sadd.s32 s19, s9;
	[sflag:s12] =	ssyncadd.s32 $0xFFFFC000  }
0x38: {  	[tilespmem:s13], [sflag:$0x2] =	stream.linear.gather [hbm4b:s20+s3], $0x80, $0x38;
	[tilespmem:$0x18100] =	vst v63  }
0x39: {  	_ =	swait.ge [sflag:s12], $0x80  }
0x3a: {  	[sflag:s12] =	ssyncset.done $0x0  }
0x3b: {  	s31 =	sadd.s32 s19, s10;
	[sflag:s12] =	ssyncadd.s32 $0xFFFFFF80  }
0x3c: {  	[tilespmem:s14], [sflag:$0x2] =	stream.linear.gather [hbm4b:s31+s3], $0x80, $0x38;
	[tilespmem:$0x18100] =	vst v63  }
0x3d: {  	_ =	swait.ge [sflag:s12], $0x80  }
0x3e: {  	[sflag:s12] =	ssyncset.done $0x0  }
0x3f: {  	[sflag:s12] =	ssyncadd.s32 $0xFFFFFF80  }
0x40: {  	[tilespmem:s16], [sflag:$0x1] =	stream.indirect.gather [hbm4b:s4+s15], $0x80, s13, s15, $0xb8;
	[tilespmem:$0x18100] =	vst v63  }
0x41: {  	_ =	swait.ge [sflag:s17], $0x4000  }
0x42: {  	[sflag:s17] =	ssyncset.done $0x0  }
0x43: {  	[sflag:s17] =	ssyncadd.s32 $0xFFFFC000  }
0x44: {  	[spmem:s2] =	stream.indirect.scatter.add.f32 [tilespmem:s16], [sflag:$0x2], $0x80, s14, s15, $0xb8;
	[tilespmem:$0x18100] =	vst v63  }
0x45: {  	_ =	swait.ge [sflag:s12], $0x4000  }
0x46: {  	s18 =	sadd.s32 $0x1, s18;
	[sflag:s12] =	ssyncset.done $0x0  }
0x47: {  	p0 =	sne.s32 s18, s8;
	[sflag:s12] =	ssyncadd.s32 $0xFFFFC000  }
.Ltmp1:
0x48: {  	[bflag:$0x0] =	sbarrier.arrive $0xFFFF;
	(pc) =	sbr.rel @p0 .LBB2_1-.Ltmp1, $4  }
0x49: {  	[hbm:s7], [sflag:s6] =	dma.local [spmem:s11], $0x2800  }
0x4a: {  	_ =	swait.ge [sflag:s12], $0x2800  }
0x4b: {  	[sflag:s12] =	ssyncset.done $0x0  }
0x4c: {  	[sflag:s12] =	ssyncadd.s32 $0xFFFFD800  }
0x4d: {  	_ =	sfence.sel $0x180000  }
0x4e: {  	[bflag:$0x0] =	sbarrier.arrive $0xFFFF  }
0x4f: {  	p0 =	sne.s32 s0, $0x0;
	_ =	strace $0x90000059  }
0x50: {  	s0 =	sadd.s32 @!p0 $0x100000, s1;
	[bflag:$0x2] =	sbarrier.arrive $0xFFFF  }
0x51: {  	[sflag:s0] =	ssyncadd.tile.s32 @!p0 $0x1;
	_ =	shalt  }
.Lfunc_end2:
_tile_overlayer_lowered:
.L_overlay_start_2:
0x52: {  	(tag) =	ssettag $0x2  }
0x53: {  	s0 =	rddreg [dreg:$0x0];
	s2 =	stileid.u32  }
0x54: {  	s1 =	rddreg [dreg:$0x1];
	p0 =	sne.s32 s2, $0x0  }
0x55: {  	s3 =	rddreg [dreg:$0x2];
	[bflag:$0x3] =	sbarrier.arrive $0xFFFF;
	s2 =	simm.s32 @!p0 $0x1C02  }
0x56: {  	[timem:s3], [sflag:s2] =	dma.local @!p0 [hbm:s0], s1  }
0x57: {  	s0 =	simm.s32 @!p0 $0x2  }
0x58: {  	_ =	swait.ge @!p0 [sflag:s0], s1  }
0x59: {  	s1 =	ssub.s32 @!p0 $0x0, s1;
	[sflag:s0] =	ssyncset.done @!p0 $0x0  }
0x5a: {  	[sflag:s0] =	ssyncadd.s32 @!p0 s1  }
0x5b: {  	[bflag:$0x3] =	sbarrier.arrive $0xFFFF  }
0x5c: {  	_ =	shalt  }

// kernel: kernel.41.cloned.1.call-start
scs
__scs_entry_jumppad:
0x0: {  	(pc) =	sbr.rel $0x88, $3  }
0x1: {  	(tag) =	ssettag $0x0;
	lr =	simm.s32 $0x1  }
0x2: {  	[smem:$0x3F98] =	sst lr;
	_ =	strace $0xD0000000  }
0x3: {  	_ = 	snop  }
0x4: {  	_ = 	snop  }
0x5: {  	_ = 	snop  }
0x6: {  	_ = 	snop  }
0x7: {  	_ = 	snop  }
__scs_overlays_trampoline_lowered:
0x8: {  	[smem:$0x3FA7] =	sst s0  }
0x9: {  	[smem:$0x3FA8] =	sst s1  }
0xa: {  	[smem:$0x3FA9] =	sst s2  }
0xb: {  	[smem:$0x3FAA] =	sst s3  }
0xc: {  	[smem:$0x3FAB] =	sst s4  }
0xd: {  	[smem:$0x3FAC] =	sst s5  }
0xe: {  	[smem:$0x3FAD] =	sst s6  }
0xf: {  	[smem:$0x3FAE] =	sst s7  }
0x10: {  	[smem:$0x3FAF] =	sst s8  }
0x11: {  	[smem:$0x3FB0] =	sst s9;
	s0 =	simm.s32 @!p0 $0x0  }
0x12: {  	s1 =	sld [smem:$0x3F96];
	s0 =	simm.s32 @p0 $0x1  }
0x13: {  	[smem:$0x3FB1] =	sst s0;
	s0 =	simm.s32 @!p1 $0x0  }
0x14: {  	s2 =	sld [smem:$0x3F95];
	s0 =	simm.s32 @p1 $0x1  }
0x15: {  	[smem:$0x3FB2] =	sst s0;
	s0 =	simm.s32 @!p2 $0x0  }
0x16: {  	s3 =	sld [smem:$0x3FDB];
	s0 =	simm.s32 @p2 $0x1  }
0x17: {  	s4 =	simm.s32 $0x1BF5;
	[smem:$0x3FB4] =	sst s0  }
0x18: {  	s0 =	sld [smem:$0x3F97];
	_ =	swait.ge [sflag:s4], $0x0  }
0x19: {  	s7 =	sld [smem:$0x3F98]  }
0x1a: {  	s8 =	sadd.s32 $0xFFFFE003, lr  }
0x1b: {  	s9 =	sadd.s32 $0xFFFFFEF7, lr;
	s5 =	simm.s32 $0xFFFFFFFF;
	p2 =	slt.u32 s8, $0xFFFFF086  }
0x1c: {  	p1 =	slt.u32 s9, $0xF7A;
	s5 =	simm.s32 @!p2 $0x0  }
0x1d: {  	s5 =	simm.s32 @p1 $0x1;
	p0 =	seq.s32 s7, s2  }
0x1e: {  	s7 =	smul.u32 @!p0 $0xF7A, s2;
	p2 =	seq.s32 @!p0 s5, $0x0  }
0x1f: {  	s9 =	smul.u32 $0xF7A, s1;
	s8 =	simm.s32 @!p0 $0x1BF5;
	p2 =	por !p2, p0  }
0x20: {  	[sflag:s8] =	ssyncset.s32 @!p0 $0xFFFFF086;
	s6 =	sadd.s32 @!p0 s3, s7;
	s7 =	simm.s32 @!p0 $0x108  }
0x21: {  	s3 =	sadd.s32 s3, s9;
	s6 =	sadd.s32 @!p0 $0x88, s6;
	s7 =	simm.s32 @p2 $0x1082  }
0x22: {  	[simem:s7], [sflag:s8] =	dma.local @!p0 [hbm:s6], $0xF7A  }
0x23: {  	s9 =	sor.u32 $0xD0000000, s2;
	s6 =	simm.s32 $0x108;
	_ =	swait.ge @!p0 [sflag:s8], $0x0  }
0x24: {  	s3 =	sadd.s32 $0x88, s3;
	s6 =	simm.s32 @!p1 $0x1082;
	[sflag:s4] =	ssyncset.s32 $0xFFFFF086  }
0x25: {  	[simem:s6], [sflag:s4] =	dma.local [hbm:s3], $0xF7A  }
0x26: {  	[smem:$0x3F98] =	sst s1;
	(tag) =	ssettag s2;
	_ =	strace s9  }
0x27: {  	s1 =	sld [smem:$0x3FA8]  }
0x28: {  	s2 =	sld [smem:$0x3FA9]  }
0x29: {  	s4 =	sld [smem:$0x3FAB]  }
0x2a: {  	p0 =	seq.s32 s5, $0x0;
	s5 =	sld [smem:$0x3FAC]  }
0x2b: {  	s6 =	sld [smem:$0x3FAD]  }
0x2c: {  	s7 =	sld [smem:$0x3FAE]  }
0x2d: {  	s3 =	simm.s32 $0x108;
	s8 =	sld [smem:$0x3FAF]  }
0x2e: {  	s3 =	simm.s32 @!p0 $0x1082;
	s9 =	sld [smem:$0x3FB0]  }
0x2f: {  	lr =	sadd.s32 s0, s3;
	s0 =	sld [smem:$0x3FA7]  }
0x30: {  	s3 =	sld [smem:$0x3FAA]  }
0x31: {  	[smem:$0x3FB3] =	sst s10  }
0x32: {  	s10 =	sld [smem:$0x3FB1];
	_ =	sdelay $0x3  }
0x33: {  	p0 =	seq.s32 s10, $0x1;
	s10 =	sld [smem:$0x3FB3];
	_ =	sdelay $0x3  }
0x34: {  	[smem:$0x3FB3] =	sst s10  }
0x35: {  	s10 =	sld [smem:$0x3FB2];
	_ =	sdelay $0x3  }
0x36: {  	p1 =	seq.s32 s10, $0x1;
	s10 =	sld [smem:$0x3FB3];
	_ =	sdelay $0x3  }
0x37: {  	[smem:$0x3FB3] =	sst s10  }
0x38: {  	s10 =	sld [smem:$0x3FB4]  }
0x39: {  	_ = 	snop;
	(pc) =	sbr.ind lr, $3  }
0x3a: {  	_ = 	snop  }
0x3b: {  	_ = 	snop  }
0x3c: {  	p2 =	seq.s32 s10, $0x1;
	s10 =	sld [smem:$0x3FB3]  }
0x3d: {  	_ =	shalt  }
0x3e: {  	_ =	shalt  }
0x3f: {  	_ =	shalt  }
0x40: {  	_ =	shalt  }
0x41: {  	_ =	shalt  }
0x42: {  	_ =	shalt  }
0x43: {  	_ =	shalt  }
0x44: {  	_ =	shalt  }
0x45: {  	_ =	shalt  }
0x46: {  	_ =	shalt  }
0x47: {  	_ =	shalt  }
0x48: {  	_ =	shalt  }
0x49: {  	_ =	shalt  }
0x4a: {  	_ =	shalt  }
0x4b: {  	_ =	shalt  }
0x4c: {  	_ =	shalt  }
0x4d: {  	_ =	shalt  }
0x4e: {  	_ =	shalt  }
0x4f: {  	_ =	shalt  }
0x50: {  	_ =	shalt  }
0x51: {  	_ =	shalt  }
0x52: {  	_ =	shalt  }
0x53: {  	_ =	shalt  }
0x54: {  	_ =	shalt  }
0x55: {  	_ =	shalt  }
0x56: {  	_ =	shalt  }
0x57: {  	_ =	shalt  }
0x58: {  	_ =	shalt  }
0x59: {  	_ =	shalt  }
0x5a: {  	_ =	shalt  }
0x5b: {  	_ =	shalt  }
0x5c: {  	_ =	shalt  }
0x5d: {  	_ =	shalt  }
0x5e: {  	_ =	shalt  }
0x5f: {  	_ =	shalt  }
0x60: {  	_ =	shalt  }
0x61: {  	_ =	shalt  }
0x62: {  	_ =	shalt  }
0x63: {  	_ =	shalt  }
0x64: {  	_ =	shalt  }
0x65: {  	_ =	shalt  }
0x66: {  	_ =	shalt  }
0x67: {  	_ =	shalt  }
0x68: {  	_ =	shalt  }
0x69: {  	_ =	shalt  }
0x6a: {  	_ =	shalt  }
0x6b: {  	_ =	shalt  }
0x6c: {  	_ =	shalt  }
0x6d: {  	_ =	shalt  }
0x6e: {  	_ =	shalt  }
0x6f: {  	_ =	shalt  }
0x70: {  	_ =	shalt  }
0x71: {  	_ =	shalt  }
0x72: {  	_ =	shalt  }
0x73: {  	_ =	shalt  }
0x74: {  	_ =	shalt  }
0x75: {  	_ =	shalt  }
0x76: {  	_ =	shalt  }
0x77: {  	_ =	shalt  }
0x78: {  	_ =	shalt  }
0x79: {  	_ =	shalt  }
0x7a: {  	_ =	shalt  }
0x7b: {  	_ =	shalt  }
0x7c: {  	_ =	shalt  }
0x7d: {  	_ =	shalt  }
0x7e: {  	_ =	shalt  }
0x7f: {  	_ =	shalt  }
0x80: {  	_ =	shalt  }
0x81: {  	_ =	shalt  }
0x82: {  	_ =	shalt  }
0x83: {  	_ =	shalt  }
0x84: {  	_ =	shalt  }
0x85: {  	_ =	shalt  }
0x86: {  	_ =	shalt  }
0x87: {  	_ =	shalt  }
.Lfunc_end0:
.L_simem_size_0:
called_computation.7_lowered:
.L_overlay_start_0:
0x88: {  	s2 =	sld [smem:$0x3FD9]  }
0x89: {  	s3 =	sld [smem:$0x3FFE];
	_ =	sdelay $0x1  }
0x8a: {  	s1 =	srdreg.scid  }
0x8b: {  	s0 =	sand.u32 $0x1, s1  }
0x8c: {  	s17 =	sshll.u32 s0, $0xA;
	s2 =	sadd.s32 s3, s2  }
0x8d: {  	s2 =	sadd.s32 s2, s17  }
0x8e: {  	[smem:$0x3FBF] =	sst s2  }
0x8f: {  	_ = 	snop  }
0x90: {  	s2 =	sld [smem:$0x3FD0];
	(tm) =	ssettm $0x1  }
0x91: {  	s18 =	sld [smem:$0x3FFB];
	_ =	sdelay $0x3  }
0x92: {  	_ =	strace s18  }
0x93: {  	s3 =	sld [smem:$0x3FFC];
	_ =	sdelay $0x3  }
0x94: {  	_ =	strace s3  }
0x95: {  	s3 =	sld [smem:$0x3FFD];
	_ =	sdelay $0x3  }
0x96: {  	_ =	strace s3  }
0x97: {  	_ =	strace $0x8FFFFFFF  }
0x98: {  	s19 =	sld [smem:$0x3FDB];
	_ =	sdelay $0x1  }
0x99: {  	s4 =	simm.s32 $_scs_section_size  }
0x9a: {  	s5 =	simm.s32 $_size__tile_overlayer_lowered;
	s6 =	simm.s32 $_tile_overlayer_lowered  }
0x9b: {  	s22 =	simm.s32 $0x1BFF;
	s21 =	sshll.u32 s6, $0x1;
	s3 =	sadd.s32 s4, s19  }
0x9c: {  	s7 =	simm.s32 $0x0;
	s20 =	sshll.u32 s5, $0x1;
	s5 =	sadd.s32 s21, s3  }
0x9d: {  	[timem:s7], [sflag:s22] =	dma.local [hbm:s5], s20  }
0x9e: {  	_ =	swait.ge [sflag:s22], s20  }
0x9f: {  	s4 =	ssub.s32 $0x0, s20;
	[sflag:s22] =	ssyncset.done $0x0  }
0xa0: {  	[sflag:s22] =	ssyncadd.s32 s4;
	_ =	sdelay $0x1  }
0xa1: {  	s23 =	simm.s32 $0x1B8B  }
0xa2: {  	_ =	swait.ge [sflag:s23], $0x1  }
0xa3: {  	[sflag:s23] =	ssyncset.done $0x0  }
0xa4: {  	s25 =	simm.s32 $0x1B8E;
	s24 =	sld [smem:$0x3FFE];
	[sflag:s23] =	ssyncadd.s32 $0xFFFFFFFF  }
0xa5: {  	s26 =	simm.s32 $execute0_lowered;
	[smem:$0x3FD2] =	sst s25  }
0xa6: {  	s5 =	sshll.u32 s26, $0x1;
	_ =	strace $0x8000005B;
	[dreg:$0x1] =	wrdreg $0xFFFFFFFF  }
0xa7: {  	s28 =	simm.s32 $_size_execute0_lowered;
	s3 =	sadd.s32 s3, s5;
	[dreg:$0x0] =	wrdreg $0x0  }
0xa8: {  	s5 =	sshll.u32 s28, $0x1;
	[dreg:$0x2] =	wrdreg s3  }
0xa9: {  	[dreg:$0x3] =	wrdreg s5  }
0xaa: {  	[dreg:$0x4] =	wrdreg $0xC0  }
0xab: {  	_ =	task [dreg:s7], $0x5FFFF  }
0xac: {  	[dreg:$0x1] =	wrdreg $0xFFFFFFFF  }
0xad: {  	[dreg:$0x0] =	wrdreg $0x60  }
0xae: {  	[dreg:$0x2] =	wrdreg s24  }
0xaf: {  	[dreg:$0x3] =	wrdreg s2  }
0xb0: {  	[dreg:$0x4] =	wrdreg $0x0  }
0xb1: {  	[dreg:$0x5] =	wrdreg $0x9  }
0xb2: {  	_ =	task.clear_ibuf [dreg:s7], $0x6FFFF;
	_ =	strace $0x9000005B  }
0xb3: {  	s29 =	simm.s32 $0x9;
	_ =	strace $0x8000005D  }
0xb4: {  	_ =	swait.ge [sflag:s29], $0x1  }
0xb5: {  	[sflag:s29] =	ssyncadd.s32 $0xFFFFFFFF  }
0xb6: {  	_ =	strace $0x9000005D  }
0xb7: {  	_ =	sfence  }
0xb8: {  	s30 =	sld [smem:$0x0];
	_ =	sdelay $0x2  }
0xb9: {  	s31 =	sshll.u32 s1, $0xD;
	s1 =	sshrl.u32 s1, $0x2  }
0xba: {  	s3 =	sand.u32 $0x4000, s31;
	s1 =	sadd.s32 s1, s30  }
0xbb: {  	s0 =	sor.u32 s3, s0;
	s1 =	sshll.u32 s1, $0x11  }
0xbc: {  	s0 =	sor.u32 s1, s0  }
0xbd: {  	s0 =	sadd.s32 $0x8F2B, s0  }
0xbe: {  	[sflag:s0] =	ssyncadd.remote.s32 $0x1  }
0xbf: {  	_ =	sfence.sel $0xFFFF  }
0xc0: {  	[dreg:$0x0] =	wrdreg $0xFFFFFFFF;
	(pc) =	sbr.abs _section_cstart, $3  }
0xc1: {  	[dreg:$0x1] =	wrdreg $0xFFFFFFFF  }
0xc2: {  	_ =	task.clear_ibuf [dreg:s7], $0x2FFFF;
	_ =	strace $0x9FFFFFFF  }
0xc3: {  	(tm) =	ssettm $0x7FFFFFFF  }
tec
execute0_lowered:
.L_overlay_start_1:
0x0: {  	(tag) =	ssettag $0x1  }
0x1: {  	s5 =	rddreg [dreg:$0x0]  }
0x2: {  	s10 =	rddreg [dreg:$0x1]  }
0x3: {  	s0 =	srdreg.scid;
	s2 =	rddreg [dreg:$0x2]  }
0x4: {  	s1 =	rddreg [dreg:$0x3];
	s6 =	sand.u32 $0x1, s0  }
0x5: {  	s3 =	simm.s32 $0x0;
	s0 =	stileid.u32;
	s4 =	smul.u32 $0x50000, s6  }
0x6: {  	s15 =	simm.s32 $0x80;
	s16 =	simm.s32 $0x14000;
	s7 =	smul.u32 $0x5000, s0  }
0x7: {  	s17 =	simm.s32 $0x1;
	[smem:$0x7FF] =	sst s3;
	s26 =	smul.u32 $0x14000, s0  }
0x8: {  	s18 =	simm.s32 $0x0;
	s9 =	smul.u32 $0x140000, s6;
	_ =	strace $0x8000005C  }
0x9: {  	s29 =	smul.u32 $0x50000, s0;
	s6 =	ssub.s32 $0x2, s6;
	s31 =	sshll.u32 s0, $0x6  }
0xa: {  	s14 =	smul.u32 $0xA00, s0;
	s30 =	sshrl.u32 s6, $0x1;
	s4 =	sadd.s32 s7, s4  }
0xb: {  	s28 =	sshrl.u32 s26, $0x3;
	s7 =	sadd.s32 s26, s9;
	s9 =	sshrl.u32 s29, $0x2  }
0xc: {  	s12 =	ssub.s32 s6, s30;
	s6 =	sor.u32 $0x1C02, s31;
	s10 =	sadd.s32 s14, s10  }
0xd: {  	s14 =	simm.s32 $0x18080;
	s8 =	sshrl.u32 s4, $0x3;
	s4 =	sadd.s32 $0x92200, s5  }
0xe: {  	s7 =	sshrl.u32 s7, $0x3;
	s11 =	sadd.s32 s8, s5;
	s8 =	sadd.s32 s28, s5  }
0xf: {  	s13 =	sadd.s32 s9, s2;
	s7 =	sadd.s32 s7, s5;
	s5 =	sadd.s32 $0x6200, s8  }
0x10: {  	s7 =	sadd.s32 $0xE2200, s7;
	s8 =	smax.u32 s12, $0x1;
	s9 =	sadd.s32 $0x7E200, s11  }
0x11: {  	s11 =	sshrl.u32 s13, $0x3;
	s12 =	simm.s32 $0x2;
	s13 =	simm.s32 $0x18000  }
.LBB2_1:
0x12: {  	[spmem:s11], [sflag:s6] =	dma.local [hbm:s5], $0x2800  }
0x13: {  	_ =	swait.ge [sflag:s12], $0x2800  }
0x14: {  	[sflag:s12] =	ssyncset.done $0x0  }
0x15: {  	[sflag:s12] =	ssyncadd.s32 $0xFFFFD800  }
0x16: {  	s19 =	sadd.s32 $0x0, s9;
	[bflag:$0x0] =	sbarrier.arrive $0xFFFF  }
0x17: {  	[tilespmem:s13], [sflag:$0x2] =	stream.linear.gather [hbm4b:s19+s3], $0x80, $0x38;
	[tilespmem:$0x18100] =	vst v63  }
0x18: {  	_ =	swait.ge [sflag:s12], $0x80  }
0x19: {  	[sflag:s12] =	ssyncset.done $0x0  }
0x1a: {  	s31 =	sadd.s32 $0x0, s10;
	[sflag:s12] =	ssyncadd.s32 $0xFFFFFF80  }
0x1b: {  	[tilespmem:s14], [sflag:$0x2] =	stream.linear.gather [hbm4b:s31+s3], $0x80, $0x38;
	[tilespmem:$0x18100] =	vst v63  }
0x1c: {  	_ =	swait.ge [sflag:s12], $0x80  }
0x1d: {  	[sflag:s12] =	ssyncset.done $0x0  }
0x1e: {  	[sflag:s12] =	ssyncadd.s32 $0xFFFFFF80  }
0x1f: {  	[tilespmem:s16], [sflag:$0x1] =	stream.indirect.gather [hbm4b:s4+s15], $0x80, s13, s15, $0xb8;
	[tilespmem:$0x18100] =	vst v63  }
0x20: {  	_ =	swait.ge [sflag:s17], $0x4000  }
0x21: {  	[sflag:s17] =	ssyncset.done $0x0  }
0x22: {  	[sflag:s17] =	ssyncadd.s32 $0xFFFFC000  }
0x23: {  	[spmem:s2] =	stream.indirect.scatter.add.f32 [tilespmem:s16], [sflag:$0x2], $0x80, s14, s15, $0xb8;
	[tilespmem:$0x18100] =	vst v63  }
0x24: {  	_ =	swait.ge [sflag:s12], $0x4000  }
0x25: {  	s20 =	simm.s32 $0x20;
	s19 =	simm.s32 $0x10;
	[sflag:s12] =	ssyncset.done $0x0  }
.LBB2_2:
0x26: {  	s21 =	sadd.s32 s19, s9  }
0x27: {  	[sflag:s12] =	ssyncadd.s32 $0xFFFFC000;
	s22 =	smov.u32 s20;
	s23 =	sadd.s32 $0x10, s20  }
0x28: {  	[tilespmem:s13], [sflag:$0x2] =	stream.linear.gather [hbm4b:s21+s3], $0x80, $0x38;
	[tilespmem:$0x18100] =	vst v63  }
0x29: {  	p0 =	sne.s32 s20, $0x9F0;
	_ =	swait.ge [sflag:s12], $0x80  }
0x2a: {  	[sflag:s12] =	ssyncset.done $0x0  }
0x2b: {  	s20 =	sadd.s32 s19, s10;
	s19 =	smov.u32 s22;
	[sflag:s12] =	ssyncadd.s32 $0xFFFFFF80  }
0x2c: {  	[tilespmem:s14], [sflag:$0x2] =	stream.linear.gather [hbm4b:s20+s3], $0x80, $0x38;
	[tilespmem:$0x18100] =	vst v63  }
0x2d: {  	_ =	swait.ge [sflag:s12], $0x80  }
0x2e: {  	[sflag:s12] =	ssyncset.done $0x0  }
0x2f: {  	[sflag:s12] =	ssyncadd.s32 $0xFFFFFF80  }
0x30: {  	[tilespmem:s16], [sflag:$0x1] =	stream.indirect.gather [hbm4b:s4+s15], $0x80, s13, s15, $0xb8;
	[tilespmem:$0x18100] =	vst v63  }
0x31: {  	_ =	swait.ge [sflag:s17], $0x4000  }
.Ltmp0:
0x32: {  	[sflag:s17] =	ssyncset.done $0x0;
	(pc) =	sbr.rel @p0 .LBB2_2-.Ltmp0, $4  }
0x33: {  	[sflag:s17] =	ssyncadd.s32 $0xFFFFC000  }
0x34: {  	[spmem:s2] =	stream.indirect.scatter.add.f32 [tilespmem:s16], [sflag:$0x2], $0x80, s14, s15, $0xb8;
	[tilespmem:$0x18100] =	vst v63  }
0x35: {  	_ =	swait.ge [sflag:s12], $0x4000  }
0x36: {  	s20 =	smov.u32 s23;
	[sflag:s12] =	ssyncset.done $0x0  }
0x37: {  	s20 =	sadd.s32 s19, s9;
	[sflag:s12] =	ssyncadd.s32 $0xFFFFC000  }
0x38: {  	[tilespmem:s13], [sflag:$0x2] =	stream.linear.gather [hbm4b:s20+s3], $0x80, $0x38;
	[tilespmem:$0x18100] =	vst v63  }
0x39: {  	_ =	swait.ge [sflag:s12], $0x80  }
0x3a: {  	[sflag:s12] =	ssyncset.done $0x0  }
0x3b: {  	s31 =	sadd.s32 s19, s10;
	[sflag:s12] =	ssyncadd.s32 $0xFFFFFF80  }
0x3c: {  	[tilespmem:s14], [sflag:$0x2] =	stream.linear.gather [hbm4b:s31+s3], $0x80, $0x38;
	[tilespmem:$0x18100] =	vst v63  }
0x3d: {  	_ =	swait.ge [sflag:s12], $0x80  }
0x3e: {  	[sflag:s12] =	ssyncset.done $0x0  }
0x3f: {  	[sflag:s12] =	ssyncadd.s32 $0xFFFFFF80  }
0x40: {  	[tilespmem:s16], [sflag:$0x1] =	stream.indirect.gather [hbm4b:s4+s15], $0x80, s13, s15, $0xb8;
	[tilespmem:$0x18100] =	vst v63  }
0x41: {  	_ =	swait.ge [sflag:s17], $0x4000  }
0x42: {  	[sflag:s17] =	ssyncset.done $0x0  }
0x43: {  	[sflag:s17] =	ssyncadd.s32 $0xFFFFC000  }
0x44: {  	[spmem:s2] =	stream.indirect.scatter.add.f32 [tilespmem:s16], [sflag:$0x2], $0x80, s14, s15, $0xb8;
	[tilespmem:$0x18100] =	vst v63  }
0x45: {  	_ =	swait.ge [sflag:s12], $0x4000  }
0x46: {  	s18 =	sadd.s32 $0x1, s18;
	[sflag:s12] =	ssyncset.done $0x0  }
0x47: {  	p0 =	sne.s32 s18, s8;
	[sflag:s12] =	ssyncadd.s32 $0xFFFFC000  }
.Ltmp1:
0x48: {  	[bflag:$0x0] =	sbarrier.arrive $0xFFFF;
	(pc) =	sbr.rel @p0 .LBB2_1-.Ltmp1, $4  }
0x49: {  	[hbm:s7], [sflag:s6] =	dma.local [spmem:s11], $0x2800  }
0x4a: {  	_ =	swait.ge [sflag:s12], $0x2800  }
0x4b: {  	[sflag:s12] =	ssyncset.done $0x0  }
0x4c: {  	[sflag:s12] =	ssyncadd.s32 $0xFFFFD800  }
0x4d: {  	_ =	sfence.sel $0x180000  }
0x4e: {  	[bflag:$0x0] =	sbarrier.arrive $0xFFFF  }
0x4f: {  	p0 =	sne.s32 s0, $0x0;
	_ =	strace $0x9000005C  }
0x50: {  	s0 =	sadd.s32 @!p0 $0x100000, s1;
	[bflag:$0x2] =	sbarrier.arrive $0xFFFF  }
0x51: {  	[sflag:s0] =	ssyncadd.tile.s32 @!p0 $0x1;
	_ =	shalt  }
.Lfunc_end2:
_tile_overlayer_lowered:
.L_overlay_start_2:
0x52: {  	(tag) =	ssettag $0x2  }
0x53: {  	s0 =	rddreg [dreg:$0x0];
	s2 =	stileid.u32  }
0x54: {  	s1 =	rddreg [dreg:$0x1];
	p0 =	sne.s32 s2, $0x0  }
0x55: {  	s3 =	rddreg [dreg:$0x2];
	[bflag:$0x3] =	sbarrier.arrive $0xFFFF;
	s2 =	simm.s32 @!p0 $0x1C02  }
0x56: {  	[timem:s3], [sflag:s2] =	dma.local @!p0 [hbm:s0], s1  }
0x57: {  	s0 =	simm.s32 @!p0 $0x2  }
0x58: {  	_ =	swait.ge @!p0 [sflag:s0], s1  }
0x59: {  	s1 =	ssub.s32 @!p0 $0x0, s1;
	[sflag:s0] =	ssyncset.done @!p0 $0x0  }
0x5a: {  	[sflag:s0] =	ssyncadd.s32 @!p0 s1  }
0x5b: {  	[bflag:$0x3] =	sbarrier.arrive $0xFFFF  }
0x5c: {  	_ =	shalt  }

// kernel: kernel.44.cloned.1.call-start
scs
__scs_entry_jumppad:
0x0: {  	(pc) =	sbr.rel $0x88, $3  }
0x1: {  	(tag) =	ssettag $0x0;
	lr =	simm.s32 $0x1  }
0x2: {  	[smem:$0x3F98] =	sst lr;
	_ =	strace $0xD0000000  }
0x3: {  	_ = 	snop  }
0x4: {  	_ = 	snop  }
0x5: {  	_ = 	snop  }
0x6: {  	_ = 	snop  }
0x7: {  	_ = 	snop  }
__scs_overlays_trampoline_lowered:
0x8: {  	[smem:$0x3FA7] =	sst s0  }
0x9: {  	[smem:$0x3FA8] =	sst s1  }
0xa: {  	[smem:$0x3FA9] =	sst s2  }
0xb: {  	[smem:$0x3FAA] =	sst s3  }
0xc: {  	[smem:$0x3FAB] =	sst s4  }
0xd: {  	[smem:$0x3FAC] =	sst s5  }
0xe: {  	[smem:$0x3FAD] =	sst s6  }
0xf: {  	[smem:$0x3FAE] =	sst s7  }
0x10: {  	[smem:$0x3FAF] =	sst s8  }
0x11: {  	[smem:$0x3FB0] =	sst s9;
	s0 =	simm.s32 @!p0 $0x0  }
0x12: {  	s1 =	sld [smem:$0x3F96];
	s0 =	simm.s32 @p0 $0x1  }
0x13: {  	[smem:$0x3FB1] =	sst s0;
	s0 =	simm.s32 @!p1 $0x0  }
0x14: {  	s2 =	sld [smem:$0x3F95];
	s0 =	simm.s32 @p1 $0x1  }
0x15: {  	[smem:$0x3FB2] =	sst s0;
	s0 =	simm.s32 @!p2 $0x0  }
0x16: {  	s3 =	sld [smem:$0x3FDB];
	s0 =	simm.s32 @p2 $0x1  }
0x17: {  	s4 =	simm.s32 $0x1BF5;
	[smem:$0x3FB4] =	sst s0  }
0x18: {  	s0 =	sld [smem:$0x3F97];
	_ =	swait.ge [sflag:s4], $0x0  }
0x19: {  	s7 =	sld [smem:$0x3F98]  }
0x1a: {  	s8 =	sadd.s32 $0xFFFFE003, lr  }
0x1b: {  	s9 =	sadd.s32 $0xFFFFFEF7, lr;
	s5 =	simm.s32 $0xFFFFFFFF;
	p2 =	slt.u32 s8, $0xFFFFF086  }
0x1c: {  	p1 =	slt.u32 s9, $0xF7A;
	s5 =	simm.s32 @!p2 $0x0  }
0x1d: {  	s5 =	simm.s32 @p1 $0x1;
	p0 =	seq.s32 s7, s2  }
0x1e: {  	s7 =	smul.u32 @!p0 $0xF7A, s2;
	p2 =	seq.s32 @!p0 s5, $0x0  }
0x1f: {  	s9 =	smul.u32 $0xF7A, s1;
	s8 =	simm.s32 @!p0 $0x1BF5;
	p2 =	por !p2, p0  }
0x20: {  	[sflag:s8] =	ssyncset.s32 @!p0 $0xFFFFF086;
	s6 =	sadd.s32 @!p0 s3, s7;
	s7 =	simm.s32 @!p0 $0x108  }
0x21: {  	s3 =	sadd.s32 s3, s9;
	s6 =	sadd.s32 @!p0 $0x88, s6;
	s7 =	simm.s32 @p2 $0x1082  }
0x22: {  	[simem:s7], [sflag:s8] =	dma.local @!p0 [hbm:s6], $0xF7A  }
0x23: {  	s9 =	sor.u32 $0xD0000000, s2;
	s6 =	simm.s32 $0x108;
	_ =	swait.ge @!p0 [sflag:s8], $0x0  }
0x24: {  	s3 =	sadd.s32 $0x88, s3;
	s6 =	simm.s32 @!p1 $0x1082;
	[sflag:s4] =	ssyncset.s32 $0xFFFFF086  }
0x25: {  	[simem:s6], [sflag:s4] =	dma.local [hbm:s3], $0xF7A  }
0x26: {  	[smem:$0x3F98] =	sst s1;
	(tag) =	ssettag s2;
	_ =	strace s9  }
0x27: {  	s1 =	sld [smem:$0x3FA8]  }
0x28: {  	s2 =	sld [smem:$0x3FA9]  }
0x29: {  	s4 =	sld [smem:$0x3FAB]  }
0x2a: {  	p0 =	seq.s32 s5, $0x0;
	s5 =	sld [smem:$0x3FAC]  }
0x2b: {  	s6 =	sld [smem:$0x3FAD]  }
0x2c: {  	s7 =	sld [smem:$0x3FAE]  }
0x2d: {  	s3 =	simm.s32 $0x108;
	s8 =	sld [smem:$0x3FAF]  }
0x2e: {  	s3 =	simm.s32 @!p0 $0x1082;
	s9 =	sld [smem:$0x3FB0]  }
0x2f: {  	lr =	sadd.s32 s0, s3;
	s0 =	sld [smem:$0x3FA7]  }
0x30: {  	s3 =	sld [smem:$0x3FAA]  }
0x31: {  	[smem:$0x3FB3] =	sst s10  }
0x32: {  	s10 =	sld [smem:$0x3FB1];
	_ =	sdelay $0x3  }
0x33: {  	p0 =	seq.s32 s10, $0x1;
	s10 =	sld [smem:$0x3FB3];
	_ =	sdelay $0x3  }
0x34: {  	[smem:$0x3FB3] =	sst s10  }
0x35: {  	s10 =	sld [smem:$0x3FB2];
	_ =	sdelay $0x3  }
0x36: {  	p1 =	seq.s32 s10, $0x1;
	s10 =	sld [smem:$0x3FB3];
	_ =	sdelay $0x3  }
0x37: {  	[smem:$0x3FB3] =	sst s10  }
0x38: {  	s10 =	sld [smem:$0x3FB4]  }
0x39: {  	_ = 	snop;
	(pc) =	sbr.ind lr, $3  }
0x3a: {  	_ = 	snop  }
0x3b: {  	_ = 	snop  }
0x3c: {  	p2 =	seq.s32 s10, $0x1;
	s10 =	sld [smem:$0x3FB3]  }
0x3d: {  	_ =	shalt  }
0x3e: {  	_ =	shalt  }
0x3f: {  	_ =	shalt  }
0x40: {  	_ =	shalt  }
0x41: {  	_ =	shalt  }
0x42: {  	_ =	shalt  }
0x43: {  	_ =	shalt  }
0x44: {  	_ =	shalt  }
0x45: {  	_ =	shalt  }
0x46: {  	_ =	shalt  }
0x47: {  	_ =	shalt  }
0x48: {  	_ =	shalt  }
0x49: {  	_ =	shalt  }
0x4a: {  	_ =	shalt  }
0x4b: {  	_ =	shalt  }
0x4c: {  	_ =	shalt  }
0x4d: {  	_ =	shalt  }
0x4e: {  	_ =	shalt  }
0x4f: {  	_ =	shalt  }
0x50: {  	_ =	shalt  }
0x51: {  	_ =	shalt  }
0x52: {  	_ =	shalt  }
0x53: {  	_ =	shalt  }
0x54: {  	_ =	shalt  }
0x55: {  	_ =	shalt  }
0x56: {  	_ =	shalt  }
0x57: {  	_ =	shalt  }
0x58: {  	_ =	shalt  }
0x59: {  	_ =	shalt  }
0x5a: {  	_ =	shalt  }
0x5b: {  	_ =	shalt  }
0x5c: {  	_ =	shalt  }
0x5d: {  	_ =	shalt  }
0x5e: {  	_ =	shalt  }
0x5f: {  	_ =	shalt  }
0x60: {  	_ =	shalt  }
0x61: {  	_ =	shalt  }
0x62: {  	_ =	shalt  }
0x63: {  	_ =	shalt  }
0x64: {  	_ =	shalt  }
0x65: {  	_ =	shalt  }
0x66: {  	_ =	shalt  }
0x67: {  	_ =	shalt  }
0x68: {  	_ =	shalt  }
0x69: {  	_ =	shalt  }
0x6a: {  	_ =	shalt  }
0x6b: {  	_ =	shalt  }
0x6c: {  	_ =	shalt  }
0x6d: {  	_ =	shalt  }
0x6e: {  	_ =	shalt  }
0x6f: {  	_ =	shalt  }
0x70: {  	_ =	shalt  }
0x71: {  	_ =	shalt  }
0x72: {  	_ =	shalt  }
0x73: {  	_ =	shalt  }
0x74: {  	_ =	shalt  }
0x75: {  	_ =	shalt  }
0x76: {  	_ =	shalt  }
0x77: {  	_ =	shalt  }
0x78: {  	_ =	shalt  }
0x79: {  	_ =	shalt  }
0x7a: {  	_ =	shalt  }
0x7b: {  	_ =	shalt  }
0x7c: {  	_ =	shalt  }
0x7d: {  	_ =	shalt  }
0x7e: {  	_ =	shalt  }
0x7f: {  	_ =	shalt  }
0x80: {  	_ =	shalt  }
0x81: {  	_ =	shalt  }
0x82: {  	_ =	shalt  }
0x83: {  	_ =	shalt  }
0x84: {  	_ =	shalt  }
0x85: {  	_ =	shalt  }
0x86: {  	_ =	shalt  }
0x87: {  	_ =	shalt  }
.Lfunc_end0:
.L_simem_size_0:
called_computation.8_lowered:
.L_overlay_start_0:
0x88: {  	s2 =	sld [smem:$0x3FD9]  }
0x89: {  	s3 =	sld [smem:$0x3FFE];
	_ =	sdelay $0x1  }
0x8a: {  	s1 =	srdreg.scid  }
0x8b: {  	s0 =	sand.u32 $0x1, s1  }
0x8c: {  	s17 =	sshll.u32 s0, $0xA;
	s2 =	sadd.s32 s3, s2  }
0x8d: {  	s2 =	sadd.s32 s2, s17  }
0x8e: {  	[smem:$0x3FBF] =	sst s2  }
0x8f: {  	_ = 	snop  }
0x90: {  	s2 =	sld [smem:$0x3FD0];
	(tm) =	ssettm $0x1  }
0x91: {  	s18 =	sld [smem:$0x3FFB];
	_ =	sdelay $0x3  }
0x92: {  	_ =	strace s18  }
0x93: {  	s3 =	sld [smem:$0x3FFC];
	_ =	sdelay $0x3  }
0x94: {  	_ =	strace s3  }
0x95: {  	s3 =	sld [smem:$0x3FFD];
	_ =	sdelay $0x3  }
0x96: {  	_ =	strace s3  }
0x97: {  	_ =	strace $0x8FFFFFFF  }
0x98: {  	s19 =	sld [smem:$0x3FDB];
	_ =	sdelay $0x1  }
0x99: {  	s4 =	simm.s32 $_scs_section_size  }
0x9a: {  	s5 =	simm.s32 $_size__tile_overlayer_lowered;
	s6 =	simm.s32 $_tile_overlayer_lowered  }
0x9b: {  	s22 =	simm.s32 $0x1BFF;
	s21 =	sshll.u32 s6, $0x1;
	s3 =	sadd.s32 s4, s19  }
0x9c: {  	s7 =	simm.s32 $0x0;
	s20 =	sshll.u32 s5, $0x1;
	s5 =	sadd.s32 s21, s3  }
0x9d: {  	[timem:s7], [sflag:s22] =	dma.local [hbm:s5], s20  }
0x9e: {  	_ =	swait.ge [sflag:s22], s20  }
0x9f: {  	s4 =	ssub.s32 $0x0, s20;
	[sflag:s22] =	ssyncset.done $0x0  }
0xa0: {  	[sflag:s22] =	ssyncadd.s32 s4;
	_ =	sdelay $0x1  }
0xa1: {  	s23 =	simm.s32 $0x1B8B  }
0xa2: {  	_ =	swait.ge [sflag:s23], $0x1  }
0xa3: {  	[sflag:s23] =	ssyncset.done $0x0  }
0xa4: {  	s25 =	simm.s32 $0x1B8E;
	s24 =	sld [smem:$0x3FFE];
	[sflag:s23] =	ssyncadd.s32 $0xFFFFFFFF  }
0xa5: {  	s26 =	simm.s32 $execute0_lowered;
	[smem:$0x3FD2] =	sst s25  }
0xa6: {  	s5 =	sshll.u32 s26, $0x1;
	_ =	strace $0x8000005E;
	[dreg:$0x1] =	wrdreg $0xFFFFFFFF  }
0xa7: {  	s28 =	simm.s32 $_size_execute0_lowered;
	s3 =	sadd.s32 s3, s5;
	[dreg:$0x0] =	wrdreg $0x0  }
0xa8: {  	s5 =	sshll.u32 s28, $0x1;
	[dreg:$0x2] =	wrdreg s3  }
0xa9: {  	[dreg:$0x3] =	wrdreg s5  }
0xaa: {  	[dreg:$0x4] =	wrdreg $0xC0  }
0xab: {  	_ =	task [dreg:s7], $0x5FFFF  }
0xac: {  	[dreg:$0x1] =	wrdreg $0xFFFFFFFF  }
0xad: {  	[dreg:$0x0] =	wrdreg $0x60  }
0xae: {  	[dreg:$0x2] =	wrdreg s24  }
0xaf: {  	[dreg:$0x3] =	wrdreg s2  }
0xb0: {  	[dreg:$0x4] =	wrdreg $0x0  }
0xb1: {  	[dreg:$0x5] =	wrdreg $0x9  }
0xb2: {  	_ =	task.clear_ibuf [dreg:s7], $0x6FFFF;
	_ =	strace $0x9000005E  }
0xb3: {  	s29 =	simm.s32 $0x9;
	_ =	strace $0x80000060  }
0xb4: {  	_ =	swait.ge [sflag:s29], $0x1  }
0xb5: {  	[sflag:s29] =	ssyncadd.s32 $0xFFFFFFFF  }
0xb6: {  	_ =	strace $0x90000060  }
0xb7: {  	_ =	sfence  }
0xb8: {  	s30 =	sld [smem:$0x0];
	_ =	sdelay $0x2  }
0xb9: {  	s31 =	sshll.u32 s1, $0xD;
	s1 =	sshrl.u32 s1, $0x2  }
0xba: {  	s3 =	sand.u32 $0x4000, s31;
	s1 =	sadd.s32 s1, s30  }
0xbb: {  	s0 =	sor.u32 s3, s0;
	s1 =	sshll.u32 s1, $0x11  }
0xbc: {  	s0 =	sor.u32 s1, s0  }
0xbd: {  	s0 =	sadd.s32 $0x8F2B, s0  }
0xbe: {  	[sflag:s0] =	ssyncadd.remote.s32 $0x1  }
0xbf: {  	_ =	sfence.sel $0xFFFF  }
0xc0: {  	[dreg:$0x0] =	wrdreg $0xFFFFFFFF;
	(pc) =	sbr.abs _section_cstart, $3  }
0xc1: {  	[dreg:$0x1] =	wrdreg $0xFFFFFFFF  }
0xc2: {  	_ =	task.clear_ibuf [dreg:s7], $0x2FFFF;
	_ =	strace $0x9FFFFFFF  }
0xc3: {  	(tm) =	ssettm $0x7FFFFFFF  }
tec
execute0_lowered:
.L_overlay_start_1:
0x0: {  	(tag) =	ssettag $0x1  }
0x1: {  	s5 =	rddreg [dreg:$0x0]  }
0x2: {  	s10 =	rddreg [dreg:$0x1]  }
0x3: {  	s0 =	srdreg.scid;
	s2 =	rddreg [dreg:$0x2]  }
0x4: {  	s1 =	rddreg [dreg:$0x3];
	s6 =	sand.u32 $0x1, s0  }
0x5: {  	s3 =	simm.s32 $0x0;
	s0 =	stileid.u32;
	s4 =	smul.u32 $0x50000, s6  }
0x6: {  	s15 =	simm.s32 $0x80;
	s16 =	simm.s32 $0x14000;
	s7 =	smul.u32 $0x5000, s0  }
0x7: {  	s17 =	simm.s32 $0x1;
	[smem:$0x7FF] =	sst s3;
	s26 =	smul.u32 $0x14000, s0  }
0x8: {  	s18 =	simm.s32 $0x0;
	s9 =	smul.u32 $0x140000, s6;
	_ =	strace $0x8000005F  }
0x9: {  	s29 =	smul.u32 $0x50000, s0;
	s6 =	ssub.s32 $0x2, s6;
	s31 =	sshll.u32 s0, $0x6  }
0xa: {  	s14 =	smul.u32 $0xA00, s0;
	s30 =	sshrl.u32 s6, $0x1;
	s4 =	sadd.s32 s7, s4  }
0xb: {  	s28 =	sshrl.u32 s26, $0x3;
	s7 =	sadd.s32 s26, s9;
	s9 =	sshrl.u32 s29, $0x2  }
0xc: {  	s12 =	ssub.s32 s6, s30;
	s6 =	sor.u32 $0x1C02, s31;
	s10 =	sadd.s32 s14, s10  }
0xd: {  	s14 =	simm.s32 $0x18080;
	s8 =	sshrl.u32 s4, $0x3;
	s4 =	sadd.s32 $0x92200, s5  }
0xe: {  	s7 =	sshrl.u32 s7, $0x3;
	s11 =	sadd.s32 s8, s5;
	s8 =	sadd.s32 s28, s5  }
0xf: {  	s13 =	sadd.s32 s9, s2;
	s7 =	sadd.s32 s7, s5;
	s5 =	sadd.s32 $0x6200, s8  }
0x10: {  	s7 =	sadd.s32 $0xE2200, s7;
	s8 =	smax.u32 s12, $0x1;
	s9 =	sadd.s32 $0x7E200, s11  }
0x11: {  	s11 =	sshrl.u32 s13, $0x3;
	s12 =	simm.s32 $0x2;
	s13 =	simm.s32 $0x18000  }
.LBB2_1:
0x12: {  	[spmem:s11], [sflag:s6] =	dma.local [hbm:s5], $0x2800  }
0x13: {  	_ =	swait.ge [sflag:s12], $0x2800  }
0x14: {  	[sflag:s12] =	ssyncset.done $0x0  }
0x15: {  	[sflag:s12] =	ssyncadd.s32 $0xFFFFD800  }
0x16: {  	s19 =	sadd.s32 $0x0, s9;
	[bflag:$0x0] =	sbarrier.arrive $0xFFFF  }
0x17: {  	[tilespmem:s13], [sflag:$0x2] =	stream.linear.gather [hbm4b:s19+s3], $0x80, $0x38;
	[tilespmem:$0x18100] =	vst v63  }
0x18: {  	_ =	swait.ge [sflag:s12], $0x80  }
0x19: {  	[sflag:s12] =	ssyncset.done $0x0  }
0x1a: {  	s31 =	sadd.s32 $0x0, s10;
	[sflag:s12] =	ssyncadd.s32 $0xFFFFFF80  }
0x1b: {  	[tilespmem:s14], [sflag:$0x2] =	stream.linear.gather [hbm4b:s31+s3], $0x80, $0x38;
	[tilespmem:$0x18100] =	vst v63  }
0x1c: {  	_ =	swait.ge [sflag:s12], $0x80  }
0x1d: {  	[sflag:s12] =	ssyncset.done $0x0  }
0x1e: {  	[sflag:s12] =	ssyncadd.s32 $0xFFFFFF80  }
0x1f: {  	[tilespmem:s16], [sflag:$0x1] =	stream.indirect.gather [hbm4b:s4+s15], $0x80, s13, s15, $0xb8;
	[tilespmem:$0x18100] =	vst v63  }
0x20: {  	_ =	swait.ge [sflag:s17], $0x4000  }
0x21: {  	[sflag:s17] =	ssyncset.done $0x0  }
0x22: {  	[sflag:s17] =	ssyncadd.s32 $0xFFFFC000  }
0x23: {  	[spmem:s2] =	stream.indirect.scatter.add.f32 [tilespmem:s16], [sflag:$0x2], $0x80, s14, s15, $0xb8;
	[tilespmem:$0x18100] =	vst v63  }
0x24: {  	_ =	swait.ge [sflag:s12], $0x4000  }
0x25: {  	s20 =	simm.s32 $0x20;
	s19 =	simm.s32 $0x10;
	[sflag:s12] =	ssyncset.done $0x0  }
.LBB2_2:
0x26: {  	s21 =	sadd.s32 s19, s9  }
0x27: {  	[sflag:s12] =	ssyncadd.s32 $0xFFFFC000;
	s22 =	smov.u32 s20;
	s23 =	sadd.s32 $0x10, s20  }
0x28: {  	[tilespmem:s13], [sflag:$0x2] =	stream.linear.gather [hbm4b:s21+s3], $0x80, $0x38;
	[tilespmem:$0x18100] =	vst v63  }
0x29: {  	p0 =	sne.s32 s20, $0x9F0;
	_ =	swait.ge [sflag:s12], $0x80  }
0x2a: {  	[sflag:s12] =	ssyncset.done $0x0  }
0x2b: {  	s20 =	sadd.s32 s19, s10;
	s19 =	smov.u32 s22;
	[sflag:s12] =	ssyncadd.s32 $0xFFFFFF80  }
0x2c: {  	[tilespmem:s14], [sflag:$0x2] =	stream.linear.gather [hbm4b:s20+s3], $0x80, $0x38;
	[tilespmem:$0x18100] =	vst v63  }
0x2d: {  	_ =	swait.ge [sflag:s12], $0x80  }
0x2e: {  	[sflag:s12] =	ssyncset.done $0x0  }
0x2f: {  	[sflag:s12] =	ssyncadd.s32 $0xFFFFFF80  }
0x30: {  	[tilespmem:s16], [sflag:$0x1] =	stream.indirect.gather [hbm4b:s4+s15], $0x80, s13, s15, $0xb8;
	[tilespmem:$0x18100] =	vst v63  }
0x31: {  	_ =	swait.ge [sflag:s17], $0x4000  }
.Ltmp0:
0x32: {  	[sflag:s17] =	ssyncset.done $0x0;
	(pc) =	sbr.rel @p0 .LBB2_2-.Ltmp0, $4  }
0x33: {  	[sflag:s17] =	ssyncadd.s32 $0xFFFFC000  }
0x34: {  	[spmem:s2] =	stream.indirect.scatter.add.f32 [tilespmem:s16], [sflag:$0x2], $0x80, s14, s15, $0xb8;
	[tilespmem:$0x18100] =	vst v63  }
0x35: {  	_ =	swait.ge [sflag:s12], $0x4000  }
0x36: {  	s20 =	smov.u32 s23;
	[sflag:s12] =	ssyncset.done $0x0  }
0x37: {  	s20 =	sadd.s32 s19, s9;
	[sflag:s12] =	ssyncadd.s32 $0xFFFFC000  }
0x38: {  	[tilespmem:s13], [sflag:$0x2] =	stream.linear.gather [hbm4b:s20+s3], $0x80, $0x38;
	[tilespmem:$0x18100] =	vst v63  }
0x39: {  	_ =	swait.ge [sflag:s12], $0x80  }
0x3a: {  	[sflag:s12] =	ssyncset.done $0x0  }
0x3b: {  	s31 =	sadd.s32 s19, s10;
	[sflag:s12] =	ssyncadd.s32 $0xFFFFFF80  }
0x3c: {  	[tilespmem:s14], [sflag:$0x2] =	stream.linear.gather [hbm4b:s31+s3], $0x80, $0x38;
	[tilespmem:$0x18100] =	vst v63  }
0x3d: {  	_ =	swait.ge [sflag:s12], $0x80  }
0x3e: {  	[sflag:s12] =	ssyncset.done $0x0  }
0x3f: {  	[sflag:s12] =	ssyncadd.s32 $0xFFFFFF80  }
0x40: {  	[tilespmem:s16], [sflag:$0x1] =	stream.indirect.gather [hbm4b:s4+s15], $0x80, s13, s15, $0xb8;
	[tilespmem:$0x18100] =	vst v63  }
0x41: {  	_ =	swait.ge [sflag:s17], $0x4000  }
0x42: {  	[sflag:s17] =	ssyncset.done $0x0  }
0x43: {  	[sflag:s17] =	ssyncadd.s32 $0xFFFFC000  }
0x44: {  	[spmem:s2] =	stream.indirect.scatter.add.f32 [tilespmem:s16], [sflag:$0x2], $0x80, s14, s15, $0xb8;
	[tilespmem:$0x18100] =	vst v63  }
0x45: {  	_ =	swait.ge [sflag:s12], $0x4000  }
0x46: {  	s18 =	sadd.s32 $0x1, s18;
	[sflag:s12] =	ssyncset.done $0x0  }
0x47: {  	p0 =	sne.s32 s18, s8;
	[sflag:s12] =	ssyncadd.s32 $0xFFFFC000  }
.Ltmp1:
0x48: {  	[bflag:$0x0] =	sbarrier.arrive $0xFFFF;
	(pc) =	sbr.rel @p0 .LBB2_1-.Ltmp1, $4  }
0x49: {  	[hbm:s7], [sflag:s6] =	dma.local [spmem:s11], $0x2800  }
0x4a: {  	_ =	swait.ge [sflag:s12], $0x2800  }
0x4b: {  	[sflag:s12] =	ssyncset.done $0x0  }
0x4c: {  	[sflag:s12] =	ssyncadd.s32 $0xFFFFD800  }
0x4d: {  	_ =	sfence.sel $0x180000  }
0x4e: {  	[bflag:$0x0] =	sbarrier.arrive $0xFFFF  }
0x4f: {  	p0 =	sne.s32 s0, $0x0;
	_ =	strace $0x9000005F  }
0x50: {  	s0 =	sadd.s32 @!p0 $0x100000, s1;
	[bflag:$0x2] =	sbarrier.arrive $0xFFFF  }
0x51: {  	[sflag:s0] =	ssyncadd.tile.s32 @!p0 $0x1;
	_ =	shalt  }
.Lfunc_end2:
_tile_overlayer_lowered:
.L_overlay_start_2:
0x52: {  	(tag) =	ssettag $0x2  }
0x53: {  	s0 =	rddreg [dreg:$0x0];
	s2 =	stileid.u32  }
0x54: {  	s1 =	rddreg [dreg:$0x1];
	p0 =	sne.s32 s2, $0x0  }
0x55: {  	s3 =	rddreg [dreg:$0x2];
	[bflag:$0x3] =	sbarrier.arrive $0xFFFF;
	s2 =	simm.s32 @!p0 $0x1C02  }
0x56: {  	[timem:s3], [sflag:s2] =	dma.local @!p0 [hbm:s0], s1  }
0x57: {  	s0 =	simm.s32 @!p0 $0x2  }
0x58: {  	_ =	swait.ge @!p0 [sflag:s0], s1  }
0x59: {  	s1 =	ssub.s32 @!p0 $0x0, s1;
	[sflag:s0] =	ssyncset.done @!p0 $0x0  }
0x5a: {  	[sflag:s0] =	ssyncadd.s32 @!p0 s1  }
0x5b: {  	[bflag:$0x3] =	sbarrier.arrive $0xFFFF  }
0x5c: {  	_ =	shalt  }

</sc_bundles>
